<compile_context>
chip_gen: v7x
topology: tpu7x:2x2x1
jax: 0.10.2.dev20260603
libtpu: 0.0.44.dev20260713+nightly
codegen_flags: <defaults>
</compile_context>

<pallas_src>
import jax
import jax.numpy as jnp
from jax import lax
from jax.experimental import pallas as pl
from jax.experimental.pallas import tpu as pltpu
from jax.experimental.pallas import tpu_sc as plsc

B, L, N, C = 32, 12, 2000, 4
DW = 32
STEP_PER_DAY = 23
DAY_PER_WEEK = 6

NW = 32
GROUPS = N // 16


def _sc_embed(x_hbm, wb_hbm, tod_hbm, dow_hbm, adpt_hbm, out_hbm,
              x_v0, x_v1, adp_sh, buf_a, buf_b, buf_c, wb_v, tod_v, dow_v,
              sem_x0, sem_x1, sem_st, sem_ao, sem_a, sem_b, sem_c):
    nc = 2
    sid = lax.axis_index("s")
    wid = sid * nc + lax.axis_index("c")

    pltpu.make_async_copy(x_hbm.at[wid, 0], x_v0, sem_x0).start()

    @pl.when(sid < L)
    def _():
        cp = pltpu.make_async_copy(
            adpt_hbm.at[pl.ds(sid * 8, 8)], adp_sh.at[pl.ds(sid * 8, 8)],
            sem_st)
        cp.start()
        cp.wait()

    pltpu.sync_copy(wb_hbm, wb_v)
    pltpu.sync_copy(tod_hbm, tod_v)
    pltpu.sync_copy(dow_hbm, dow_v)
    plsc.subcore_barrier()

    zeros = jnp.zeros((16,), jnp.int32)
    w_spl = [plsc.load_gather(wb_v, [zeros + (8 + c)]) for c in range(8)]
    b_spl = [plsc.load_gather(wb_v, [zeros + (16 + c)]) for c in range(8)]

    def x_in(li, x_v, sem):
        return pltpu.make_async_copy(x_hbm.at[wid, li], x_v, sem)

    def adp_out(li):
        return pltpu.make_async_copy(
            adp_sh.at[pl.ds(li * 8, 8)],
            out_hbm.at[wid, li, pl.ds(24, 8)], sem_ao)

    def sec_out(buf, li, c0, sem):
        return pltpu.make_async_copy(
            buf, out_hbm.at[wid, li, pl.ds(c0, 8)], sem)

    def proj_sec(x_v, li):
        @plsc.parallel_loop(0, GROUPS, unroll=2)
        def proj_body(g):
            x0 = x_v[0, pl.ds(g * 16, 16)]
            for c in range(8):
                buf_a[c, pl.ds(g * 16, 16)] = x0 * w_spl[c] + b_spl[c]
        sec_out(buf_a, li, 0, sem_a).start()

    def tod_sec(x_v, li):
        @plsc.parallel_loop(0, GROUPS, unroll=2)
        def tod_body(g):
            x3 = x_v[3, pl.ds(g * 16, 16)]
            ti = (x3 * float(STEP_PER_DAY)).astype(jnp.int32)
            for c in range(8):
                buf_b[c, pl.ds(g * 16, 16)] = plsc.load_gather(
                    tod_v, [zeros + c, ti])
        sec_out(buf_b, li, 8, sem_b).start()

    def dow_sec(x_v, li):
        @plsc.parallel_loop(0, GROUPS, unroll=2)
        def dow_body(g):
            x2 = x_v[2, pl.ds(g * 16, 16)]
            di = (x2 * float(DAY_PER_WEEK)).astype(jnp.int32)
            for c in range(8):
                buf_c[c, pl.ds(g * 16, 16)] = plsc.load_gather(
                    dow_v, [zeros + c, di])
        sec_out(buf_c, li, 16, sem_c).start()

    def phase(li, x_v, sem_x):
        x_in(li, x_v, sem_x).wait()

        @pl.when(li > 0)
        def _():
            sec_out(buf_a, li, 0, sem_a).wait()
            sec_out(buf_b, li, 8, sem_b).wait()
            sec_out(buf_c, li, 16, sem_c).wait()
            adp_out(li).wait()

        proj_sec(x_v, li)
        tod_sec(x_v, li)
        dow_sec(x_v, li)
        adp_out(li).start()

    def l_body(i, carry):
        l0 = 2 * i
        l1 = l0 + 1
        phase(l0, x_v0, sem_x0)
        x_in(l1, x_v1, sem_x1).start()
        phase(l1, x_v1, sem_x1)

        @pl.when(i < (L // 2) - 1)
        def _():
            x_in(l1 + 1, x_v0, sem_x0).start()
        return carry

    lax.fori_loop(0, L // 2, l_body, 0)

    sec_out(buf_a, L - 1, 0, sem_a).wait()
    sec_out(buf_b, L - 1, 8, sem_b).wait()
    sec_out(buf_c, L - 1, 16, sem_c).wait()
    adp_out(L - 1).wait()


@jax.jit
def _run(x_t, wb, tod_t, dow_t, adp_t):
    fn = pl.kernel(
        _sc_embed,
        out_type=jax.ShapeDtypeStruct((B, L, DW, N), jnp.float32),
        mesh=plsc.VectorSubcoreMesh(core_axis_name="c", subcore_axis_name="s"),
        compiler_params=pltpu.CompilerParams(needs_layout_passes=False),
        scratch_types=[
            pltpu.VMEM((C, N), jnp.float32),
            pltpu.VMEM((C, N), jnp.float32),
            pltpu.VMEM_SHARED(((L + 1) * 8, N), jnp.float32),
            pltpu.VMEM((8, N), jnp.float32),
            pltpu.VMEM((8, N), jnp.float32),
            pltpu.VMEM((8, N), jnp.float32),
            pltpu.VMEM((24,), jnp.float32),
            pltpu.VMEM((8, 24), jnp.float32),
            pltpu.VMEM((8, 7), jnp.float32),
            pltpu.SemaphoreType.DMA,
            pltpu.SemaphoreType.DMA,
            pltpu.SemaphoreType.DMA,
            pltpu.SemaphoreType.DMA,
            pltpu.SemaphoreType.DMA,
            pltpu.SemaphoreType.DMA,
            pltpu.SemaphoreType.DMA,
        ],
    )
    return fn(x_t, wb, tod_t, dow_t, adp_t)


def kernel(x, W_in, b_in, tod_table, dow_table, adp):
    x_t = x.transpose(0, 1, 3, 2)
    adp_t = adp.transpose(0, 2, 1).reshape(L * 8, N)
    wb = jnp.concatenate([jnp.zeros((8,), jnp.float32), W_in[0], b_in])
    tod_t = tod_table.T
    dow_t = dow_table.T
    out_t = _run(x_t, wb, tod_t, dow_t, adp_t)
    return out_t.transpose(0, 1, 3, 2)

# --- scband reference (transcript-rebuilt; emitter-appended) ---
"""Pipeline reference for scband-embed-49838800503529 (READ-ONLY COPY).

The authoritative reference and input builder live on the scoring server;
editing this copy changes nothing except your own understanding.
"""

import jax, jax.numpy as jnp
import numpy as np

B, L, N, C = 32, 12, 2000, 4
INPUT_DIM = 1
D_IN, D_TOD, D_DOW, D_ADP = 8, 8, 8, 8
STEP_PER_DAY = 23
DAY_PER_WEEK = 6


def setup_inputs(seed: int = 0) -> dict:
    key = jax.random.key(seed)
    k_x, k_w, k_b, k_tod, k_dow, k_adp = jax.random.split(key, 6)
    x = jax.random.uniform(k_x, (B, L, N, C), dtype=jnp.float32)
    # linear projection params (nn.Linear(input_dim, input_embedding_dim))
    W_in = jax.random.normal(k_w, (INPUT_DIM, D_IN), dtype=jnp.float32) * (1.0 / np.sqrt(INPUT_DIM))
    b_in = jax.random.normal(k_b, (D_IN,), dtype=jnp.float32) * 0.01
    # embedding tables
    tod_table = jax.random.normal(k_tod, (STEP_PER_DAY + 1, D_TOD), dtype=jnp.float32)
    dow_table = jax.random.normal(k_dow, (DAY_PER_WEEK + 1, D_DOW), dtype=jnp.float32)
    # adaptive embedding parameter [HisL, num_nodes, adaptive_embedding_dim] (xavier-ish)
    bound = np.sqrt(6.0 / (N + D_ADP))
    adp = jax.random.uniform(k_adp, (L, N, D_ADP), dtype=jnp.float32, minval=-bound, maxval=bound)
    return {"x": x, "W_in": W_in, "b_in": b_in, "tod_table": tod_table, "dow_table": dow_table, "adp": adp}


def reference(x, W_in, b_in, tod_table, dow_table, adp):
    tod = x[..., 3]
    dow = x[..., 2]
    xi = x[..., :INPUT_DIM]
    xp = jnp.dot(xi, W_in) + b_in
    features = [xp]
    tod_idx = (tod * STEP_PER_DAY).astype(jnp.int32)
    tod_emb = jnp.take(tod_table, tod_idx, axis=0)
    features.append(tod_emb)
    dow_idx = (dow * DAY_PER_WEEK).astype(jnp.int32)
    dow_emb = jnp.take(dow_table, dow_idx, axis=0)
    features.append(dow_emb)
    adp_emb = jnp.broadcast_to(adp[None, ...], (x.shape[0],) + adp.shape)
    features.append(adp_emb)
    out = jnp.concatenate(features, axis=-1)
    return out

if __name__ == "__main__":
    import jax
    _d = setup_inputs()
    print(jax.jit(kernel)(*tuple(_d.values())))

</pallas_src>

<mosaic_0001>
#map = affine_map<(d0, d1) -> (0, 0, 0, 0)>
#map1 = affine_map<(d0, d1) -> (0)>
#map2 = affine_map<(d0, d1) -> (0, 0)>
module attributes {stable_mosaic.version = 14 : i64} {
  func.func @_sc_embed(%arg0: i32, %arg1: i32, %arg2: memref<32x12x4x2000xf32, #tpu.memory_space<hbm>>, %arg3: memref<24xf32, #tpu.memory_space<hbm>>, %arg4: memref<8x24xf32, #tpu.memory_space<hbm>>, %arg5: memref<8x7xf32, #tpu.memory_space<hbm>>, %arg6: memref<96x2000xf32, #tpu.memory_space<hbm>>, %arg7: memref<32x12x32x2000xf32, #tpu.memory_space<hbm>>, %arg8: memref<4x2000xf32, #tpu.memory_space<vmem>>, %arg9: memref<4x2000xf32, #tpu.memory_space<vmem>>, %arg10: memref<104x2000xf32, #tpu.memory_space<vmem_shared>>, %arg11: memref<8x2000xf32, #tpu.memory_space<vmem>>, %arg12: memref<8x2000xf32, #tpu.memory_space<vmem>>, %arg13: memref<8x2000xf32, #tpu.memory_space<vmem>>, %arg14: memref<24xf32, #tpu.memory_space<vmem>>, %arg15: memref<8x24xf32, #tpu.memory_space<vmem>>, %arg16: memref<8x7xf32, #tpu.memory_space<vmem>>, %arg17: memref<!tpu.dma_semaphore, #tpu.memory_space<semaphore_mem>>, %arg18: memref<!tpu.dma_semaphore, #tpu.memory_space<semaphore_mem>>, %arg19: memref<!tpu.dma_semaphore, #tpu.memory_space<semaphore_mem>>, %arg20: memref<!tpu.dma_semaphore, #tpu.memory_space<semaphore_mem>>, %arg21: memref<!tpu.dma_semaphore, #tpu.memory_space<semaphore_mem>>, %arg22: memref<!tpu.dma_semaphore, #tpu.memory_space<semaphore_mem>>, %arg23: memref<!tpu.dma_semaphore, #tpu.memory_space<semaphore_mem>>) attributes {dimension_semantics = [#tpu.dimension_semantics<core_parallel>, #tpu.dimension_semantics<subcore_parallel>], iteration_bounds = array<i64: 2, 16>, scalar_prefetch = 0 : i64, scratch_operands = 16 : i64, tpu.core_type = #tpu.core_type<sc_vector_subcore>, window_params = [{transform_indices = #map}, {transform_indices = #map1}, {transform_indices = #map2}, {transform_indices = #map2}, {transform_indices = #map2}, {transform_indices = #map}]} {
    %mul3A = arith.constant 2 : i32
    %mul3A_0 = arith.muli %arg1, %mul3A : i32
    %add3A = arith.addi %mul3A_0, %arg0 : i32
    %dma_start3A = arith.constant 0 : i32
    %dma_start3A_1 = arith.constant 0 : i32
    %dma_start3A_2 = arith.constant 0 : i32
    %dma_start3A_3 = tpu.memref_slice %arg2[%add3A, %dma_start3A, %dma_start3A_1, %dma_start3A_2] : memref<32x12x4x2000xf32, #tpu.memory_space<hbm>> -> memref<1x1x4x2000xf32, #tpu.memory_space<hbm>>
    %dma_start3A_4 = tpu.memref_squeeze %dma_start3A_3 : memref<1x1x4x2000xf32, #tpu.memory_space<hbm>> -> memref<4x2000xf32, #tpu.memory_space<hbm>>
    %dma_start3A_5 = arith.constant 0 : i32
    %dma_start3A_6 = arith.constant 0 : i32
    %dma_start3A_7 = tpu.memref_slice %arg2[%add3A, %dma_start3A, %dma_start3A_5, %dma_start3A_6] : memref<32x12x4x2000xf32, #tpu.memory_space<hbm>> -> memref<1x1x4x2000xf32, #tpu.memory_space<hbm>>
    %dma_start3A_8 = tpu.memref_squeeze %dma_start3A_7 : memref<1x1x4x2000xf32, #tpu.memory_space<hbm>> -> memref<4x2000xf32, #tpu.memory_space<hbm>>
    tpu.enqueue_dma source(%dma_start3A_8 : memref<4x2000xf32, #tpu.memory_space<hbm>>) target(%arg8 : memref<4x2000xf32, #tpu.memory_space<vmem>>) target_semaphore(%arg17 : memref<!tpu.dma_semaphore, #tpu.memory_space<semaphore_mem>>)
    %lt3A = arith.constant 12 : i32
    %lt3A_9 = arith.cmpi slt, %arg1, %lt3A : i32
    %convert_element_type3A = arith.extui %lt3A_9 : i1 to i32
    %cond3A = arith.constant 0 : i32
    %cond3A_10 = arith.cmpi ne, %convert_element_type3A, %cond3A : i32
    scf.if %cond3A_10 {
      %mul3A_114 = arith.constant 8 : i32
      %mul3A_115 = arith.muli %arg1, %mul3A_114 : i32
      %mul3A_116 = arith.constant 8 : i32
      %mul3A_117 = arith.muli %arg1, %mul3A_116 : i32
      %dma_start3A_118 = arith.constant 0 : i32
      %dma_start3A_119 = tpu.memref_slice %arg10[%mul3A_117, %dma_start3A_118] : memref<104x2000xf32, #tpu.memory_space<vmem_shared>> -> memref<8x2000xf32, #tpu.memory_space<vmem_shared>>
      %dma_start3A_120 = arith.constant 0 : i32
      %dma_start3A_121 = tpu.memref_slice %arg6[%mul3A_115, %dma_start3A_120] : memref<96x2000xf32, #tpu.memory_space<hbm>> -> memref<8x2000xf32, #tpu.memory_space<hbm>>
      tpu.enqueue_dma source(%dma_start3A_121 : memref<8x2000xf32, #tpu.memory_space<hbm>>) target(%dma_start3A_119 : memref<8x2000xf32, #tpu.memory_space<vmem_shared>>) target_semaphore(%arg19 : memref<!tpu.dma_semaphore, #tpu.memory_space<semaphore_mem>>)
      %dma_wait3A_122 = arith.constant 0 : i32
      %dma_wait3A_123 = tpu.memref_slice %arg10[%mul3A_117, %dma_wait3A_122] : memref<104x2000xf32, #tpu.memory_space<vmem_shared>> -> memref<8x2000xf32, #tpu.memory_space<vmem_shared>>
      %dma_wait3A_124 = arith.constant 0 : i32
      %dma_wait3A_125 = tpu.memref_slice %arg6[%mul3A_115, %dma_wait3A_124] : memref<96x2000xf32, #tpu.memory_space<hbm>> -> memref<8x2000xf32, #tpu.memory_space<hbm>>
      tpu.wait_dma2 semaphore(%arg19 : memref<!tpu.dma_semaphore, #tpu.memory_space<semaphore_mem>>) src(%dma_wait3A_125 : memref<8x2000xf32, #tpu.memory_space<hbm>>) dst(%dma_wait3A_123 : memref<8x2000xf32, #tpu.memory_space<vmem_shared>>)
    } else {
    }
    "tpu.region"() ({
      %run_scoped3A = tpu.sem_alloc : memref<!tpu.dma_semaphore, #tpu.memory_space<semaphore_mem>>
      tpu.enqueue_dma source(%arg3 : memref<24xf32, #tpu.memory_space<hbm>>) target(%arg14 : memref<24xf32, #tpu.memory_space<vmem>>) target_semaphore(%run_scoped3A : memref<!tpu.dma_semaphore, #tpu.memory_space<semaphore_mem>>)
      tpu.wait_dma2 semaphore(%run_scoped3A : memref<!tpu.dma_semaphore, #tpu.memory_space<semaphore_mem>>) src(%arg3 : memref<24xf32, #tpu.memory_space<hbm>>) dst(%arg14 : memref<24xf32, #tpu.memory_space<vmem>>)
      tpu.yield
    }) : () -> ()
    "tpu.region"() ({
      %run_scoped3A = tpu.sem_alloc : memref<!tpu.dma_semaphore, #tpu.memory_space<semaphore_mem>>
      tpu.enqueue_dma source(%arg4 : memref<8x24xf32, #tpu.memory_space<hbm>>) target(%arg15 : memref<8x24xf32, #tpu.memory_space<vmem>>) target_semaphore(%run_scoped3A : memref<!tpu.dma_semaphore, #tpu.memory_space<semaphore_mem>>)
      tpu.wait_dma2 semaphore(%run_scoped3A : memref<!tpu.dma_semaphore, #tpu.memory_space<semaphore_mem>>) src(%arg4 : memref<8x24xf32, #tpu.memory_space<hbm>>) dst(%arg15 : memref<8x24xf32, #tpu.memory_space<vmem>>)
      tpu.yield
    }) : () -> ()
    "tpu.region"() ({
      %run_scoped3A = tpu.sem_alloc : memref<!tpu.dma_semaphore, #tpu.memory_space<semaphore_mem>>
      tpu.enqueue_dma source(%arg5 : memref<8x7xf32, #tpu.memory_space<hbm>>) target(%arg16 : memref<8x7xf32, #tpu.memory_space<vmem>>) target_semaphore(%run_scoped3A : memref<!tpu.dma_semaphore, #tpu.memory_space<semaphore_mem>>)
      tpu.wait_dma2 semaphore(%run_scoped3A : memref<!tpu.dma_semaphore, #tpu.memory_space<semaphore_mem>>) src(%arg5 : memref<8x7xf32, #tpu.memory_space<hbm>>) dst(%arg16 : memref<8x7xf32, #tpu.memory_space<vmem>>)
      tpu.yield
    }) : () -> ()
    %barrier3A = arith.constant 0 : index
    tpu.barrier barrier_id(%barrier3A)
    %broadcast_in_dim3A = arith.constant 0 : i32
    %broadcast_in_dim3A_11 = vector.broadcast %broadcast_in_dim3A : i32 to vector<16xi32>
    %add3A_12 = arith.constant 8 : i32
    %add3A_13 = vector.broadcast %add3A_12 : i32 to vector<16xi32>
    %add3A_14 = arith.addi %broadcast_in_dim3A_11, %add3A_13 : vector<16xi32>
    %gather3A = tpu.vector_load_idx %arg14[%add3A_14] : memref<24xf32, #tpu.memory_space<vmem>>[vector<16xi32>], vector<16xf32>,
    %add3A_15 = arith.constant 9 : i32
    %add3A_16 = vector.broadcast %add3A_15 : i32 to vector<16xi32>
    %add3A_17 = arith.addi %broadcast_in_dim3A_11, %add3A_16 : vector<16xi32>
    %gather3A_18 = tpu.vector_load_idx %arg14[%add3A_17] : memref<24xf32, #tpu.memory_space<vmem>>[vector<16xi32>], vector<16xf32>,
    %add3A_19 = arith.constant 10 : i32
    %add3A_20 = vector.broadcast %add3A_19 : i32 to vector<16xi32>
    %add3A_21 = arith.addi %broadcast_in_dim3A_11, %add3A_20 : vector<16xi32>
    %gather3A_22 = tpu.vector_load_idx %arg14[%add3A_21] : memref<24xf32, #tpu.memory_space<vmem>>[vector<16xi32>], vector<16xf32>,
    %add3A_23 = arith.constant 11 : i32
    %add3A_24 = vector.broadcast %add3A_23 : i32 to vector<16xi32>
    %add3A_25 = arith.addi %broadcast_in_dim3A_11, %add3A_24 : vector<16xi32>
    %gather3A_26 = tpu.vector_load_idx %arg14[%add3A_25] : memref<24xf32, #tpu.memory_space<vmem>>[vector<16xi32>], vector<16xf32>,
    %add3A_27 = arith.constant 12 : i32
    %add3A_28 = vector.broadcast %add3A_27 : i32 to vector<16xi32>
    %add3A_29 = arith.addi %broadcast_in_dim3A_11, %add3A_28 : vector<16xi32>
    %gather3A_30 = tpu.vector_load_idx %arg14[%add3A_29] : memref<24xf32, #tpu.memory_space<vmem>>[vector<16xi32>], vector<16xf32>,
    %add3A_31 = arith.constant 13 : i32
    %add3A_32 = vector.broadcast %add3A_31 : i32 to vector<16xi32>
    %add3A_33 = arith.addi %broadcast_in_dim3A_11, %add3A_32 : vector<16xi32>
    %gather3A_34 = tpu.vector_load_idx %arg14[%add3A_33] : memref<24xf32, #tpu.memory_space<vmem>>[vector<16xi32>], vector<16xf32>,
    %add3A_35 = arith.constant 14 : i32
    %add3A_36 = vector.broadcast %add3A_35 : i32 to vector<16xi32>
    %add3A_37 = arith.addi %broadcast_in_dim3A_11, %add3A_36 : vector<16xi32>
    %gather3A_38 = tpu.vector_load_idx %arg14[%add3A_37] : memref<24xf32, #tpu.memory_space<vmem>>[vector<16xi32>], vector<16xf32>,
    %add3A_39 = arith.constant 15 : i32
    %add3A_40 = vector.broadcast %add3A_39 : i32 to vector<16xi32>
    %add3A_41 = arith.addi %broadcast_in_dim3A_11, %add3A_40 : vector<16xi32>
    %gather3A_42 = tpu.vector_load_idx %arg14[%add3A_41] : memref<24xf32, #tpu.memory_space<vmem>>[vector<16xi32>], vector<16xf32>,
    %add3A_43 = arith.constant 16 : i32
    %add3A_44 = vector.broadcast %add3A_43 : i32 to vector<16xi32>
    %add3A_45 = arith.addi %broadcast_in_dim3A_11, %add3A_44 : vector<16xi32>
    %gather3A_46 = tpu.vector_load_idx %arg14[%add3A_45] : memref<24xf32, #tpu.memory_space<vmem>>[vector<16xi32>], vector<16xf32>,
    %add3A_47 = arith.constant 17 : i32
    %add3A_48 = vector.broadcast %add3A_47 : i32 to vector<16xi32>
    %add3A_49 = arith.addi %broadcast_in_dim3A_11, %add3A_48 : vector<16xi32>
    %gather3A_50 = tpu.vector_load_idx %arg14[%add3A_49] : memref<24xf32, #tpu.memory_space<vmem>>[vector<16xi32>], vector<16xf32>,
    %add3A_51 = arith.constant 18 : i32
    %add3A_52 = vector.broadcast %add3A_51 : i32 to vector<16xi32>
    %add3A_53 = arith.addi %broadcast_in_dim3A_11, %add3A_52 : vector<16xi32>
    %gather3A_54 = tpu.vector_load_idx %arg14[%add3A_53] : memref<24xf32, #tpu.memory_space<vmem>>[vector<16xi32>], vector<16xf32>,
    %add3A_55 = arith.constant 19 : i32
    %add3A_56 = vector.broadcast %add3A_55 : i32 to vector<16xi32>
    %add3A_57 = arith.addi %broadcast_in_dim3A_11, %add3A_56 : vector<16xi32>
    %gather3A_58 = tpu.vector_load_idx %arg14[%add3A_57] : memref<24xf32, #tpu.memory_space<vmem>>[vector<16xi32>], vector<16xf32>,
    %add3A_59 = arith.constant 20 : i32
    %add3A_60 = vector.broadcast %add3A_59 : i32 to vector<16xi32>
    %add3A_61 = arith.addi %broadcast_in_dim3A_11, %add3A_60 : vector<16xi32>
    %gather3A_62 = tpu.vector_load_idx %arg14[%add3A_61] : memref<24xf32, #tpu.memory_space<vmem>>[vector<16xi32>], vector<16xf32>,
    %add3A_63 = arith.constant 21 : i32
    %add3A_64 = vector.broadcast %add3A_63 : i32 to vector<16xi32>
    %add3A_65 = arith.addi %broadcast_in_dim3A_11, %add3A_64 : vector<16xi32>
    %gather3A_66 = tpu.vector_load_idx %arg14[%add3A_65] : memref<24xf32, #tpu.memory_space<vmem>>[vector<16xi32>], vector<16xf32>,
    %add3A_67 = arith.constant 22 : i32
    %add3A_68 = vector.broadcast %add3A_67 : i32 to vector<16xi32>
    %add3A_69 = arith.addi %broadcast_in_dim3A_11, %add3A_68 : vector<16xi32>
    %gather3A_70 = tpu.vector_load_idx %arg14[%add3A_69] : memref<24xf32, #tpu.memory_space<vmem>>[vector<16xi32>], vector<16xf32>,
    %add3A_71 = arith.constant 23 : i32
    %add3A_72 = vector.broadcast %add3A_71 : i32 to vector<16xi32>
    %add3A_73 = arith.addi %broadcast_in_dim3A_11, %add3A_72 : vector<16xi32>
    %gather3A_74 = tpu.vector_load_idx %arg14[%add3A_73] : memref<24xf32, #tpu.memory_space<vmem>>[vector<16xi32>], vector<16xf32>,
    %scan3A = arith.constant 0 : i32
    %scan3A_75 = arith.constant 0 : i32
    %scan3A_76 = arith.constant 6 : i32
    %scan3A_77 = arith.addi %scan3A_75, %scan3A_76 : i32
    %scan3A_78 = arith.constant 1 : i32
    scf.for %scan3A_114 = %scan3A_75 to %scan3A_77 step %scan3A_78  : i32 {
      %mul3A_115 = arith.constant 2 : i32
      %mul3A_116 = arith.muli %mul3A_115, %scan3A_114 : i32
      %add3A_117 = arith.constant 1 : i32
      %add3A_118 = arith.addi %mul3A_116, %add3A_117 : i32
      %dma_wait3A_119 = arith.constant 0 : i32
      %dma_wait3A_120 = arith.constant 0 : i32
      %dma_wait3A_121 = tpu.memref_slice %arg2[%add3A, %mul3A_116, %dma_wait3A_119, %dma_wait3A_120] : memref<32x12x4x2000xf32, #tpu.memory_space<hbm>> -> memref<1x1x4x2000xf32, #tpu.memory_space<hbm>>
      %dma_wait3A_122 = tpu.memref_squeeze %dma_wait3A_121 : memref<1x1x4x2000xf32, #tpu.memory_space<hbm>> -> memref<4x2000xf32, #tpu.memory_space<hbm>>
      %dma_wait3A_123 = arith.constant 0 : i32
      %dma_wait3A_124 = arith.constant 0 : i32
      %dma_wait3A_125 = tpu.memref_slice %arg2[%add3A, %mul3A_116, %dma_wait3A_123, %dma_wait3A_124] : memref<32x12x4x2000xf32, #tpu.memory_space<hbm>> -> memref<1x1x4x2000xf32, #tpu.memory_space<hbm>>
      %dma_wait3A_126 = tpu.memref_squeeze %dma_wait3A_125 : memref<1x1x4x2000xf32, #tpu.memory_space<hbm>> -> memref<4x2000xf32, #tpu.memory_space<hbm>>
      tpu.wait_dma2 semaphore(%arg17 : memref<!tpu.dma_semaphore, #tpu.memory_space<semaphore_mem>>) src(%dma_wait3A_126 : memref<4x2000xf32, #tpu.memory_space<hbm>>) dst(%arg8 : memref<4x2000xf32, #tpu.memory_space<vmem>>)
      %gt3A = arith.constant 0 : i32
      %gt3A_127 = arith.cmpi sgt, %mul3A_116, %gt3A : i32
      %convert_element_type3A_128 = arith.extui %gt3A_127 : i1 to i32
      %cond3A_129 = arith.constant 0 : i32
      %cond3A_130 = arith.cmpi ne, %convert_element_type3A_128, %cond3A_129 : i32
      scf.if %cond3A_130 {
        %dma_wait3A_238 = arith.constant 0 : i32
        %dma_wait3A_239 = arith.constant 0 : i32
        %dma_wait3A_240 = tpu.memref_slice %arg7[%add3A, %mul3A_116, %dma_wait3A_238, %dma_wait3A_239] : memref<32x12x32x2000xf32, #tpu.memory_space<hbm>> -> memref<1x1x8x2000xf32, #tpu.memory_space<hbm>>
        %dma_wait3A_241 = tpu.memref_squeeze %dma_wait3A_240 : memref<1x1x8x2000xf32, #tpu.memory_space<hbm>> -> memref<8x2000xf32, #tpu.memory_space<hbm>>
        %dma_wait3A_242 = arith.constant 0 : i32
        %dma_wait3A_243 = arith.constant 0 : i32
        %dma_wait3A_244 = tpu.memref_slice %arg7[%add3A, %mul3A_116, %dma_wait3A_242, %dma_wait3A_243] : memref<32x12x32x2000xf32, #tpu.memory_space<hbm>> -> memref<1x1x8x2000xf32, #tpu.memory_space<hbm>>
        %dma_wait3A_245 = tpu.memref_squeeze %dma_wait3A_244 : memref<1x1x8x2000xf32, #tpu.memory_space<hbm>> -> memref<8x2000xf32, #tpu.memory_space<hbm>>
        tpu.wait_dma2 semaphore(%arg21 : memref<!tpu.dma_semaphore, #tpu.memory_space<semaphore_mem>>) src(%arg11 : memref<8x2000xf32, #tpu.memory_space<vmem>>) dst(%dma_wait3A_245 : memref<8x2000xf32, #tpu.memory_space<hbm>>)
        %dma_wait3A_246 = arith.constant 8 : i32
        %dma_wait3A_247 = arith.constant 0 : i32
        %dma_wait3A_248 = tpu.memref_slice %arg7[%add3A, %mul3A_116, %dma_wait3A_246, %dma_wait3A_247] : memref<32x12x32x2000xf32, #tpu.memory_space<hbm>> -> memref<1x1x8x2000xf32, #tpu.memory_space<hbm>>
        %dma_wait3A_249 = tpu.memref_squeeze %dma_wait3A_248 : memref<1x1x8x2000xf32, #tpu.memory_space<hbm>> -> memref<8x2000xf32, #tpu.memory_space<hbm>>
        %dma_wait3A_250 = arith.constant 8 : i32
        %dma_wait3A_251 = arith.constant 0 : i32
        %dma_wait3A_252 = tpu.memref_slice %arg7[%add3A, %mul3A_116, %dma_wait3A_250, %dma_wait3A_251] : memref<32x12x32x2000xf32, #tpu.memory_space<hbm>> -> memref<1x1x8x2000xf32, #tpu.memory_space<hbm>>
        %dma_wait3A_253 = tpu.memref_squeeze %dma_wait3A_252 : memref<1x1x8x2000xf32, #tpu.memory_space<hbm>> -> memref<8x2000xf32, #tpu.memory_space<hbm>>
        tpu.wait_dma2 semaphore(%arg22 : memref<!tpu.dma_semaphore, #tpu.memory_space<semaphore_mem>>) src(%arg12 : memref<8x2000xf32, #tpu.memory_space<vmem>>) dst(%dma_wait3A_253 : memref<8x2000xf32, #tpu.memory_space<hbm>>)
        %dma_wait3A_254 = arith.constant 16 : i32
        %dma_wait3A_255 = arith.constant 0 : i32
        %dma_wait3A_256 = tpu.memref_slice %arg7[%add3A, %mul3A_116, %dma_wait3A_254, %dma_wait3A_255] : memref<32x12x32x2000xf32, #tpu.memory_space<hbm>> -> memref<1x1x8x2000xf32, #tpu.memory_space<hbm>>
        %dma_wait3A_257 = tpu.memref_squeeze %dma_wait3A_256 : memref<1x1x8x2000xf32, #tpu.memory_space<hbm>> -> memref<8x2000xf32, #tpu.memory_space<hbm>>
        %dma_wait3A_258 = arith.constant 16 : i32
        %dma_wait3A_259 = arith.constant 0 : i32
        %dma_wait3A_260 = tpu.memref_slice %arg7[%add3A, %mul3A_116, %dma_wait3A_258, %dma_wait3A_259] : memref<32x12x32x2000xf32, #tpu.memory_space<hbm>> -> memref<1x1x8x2000xf32, #tpu.memory_space<hbm>>
        %dma_wait3A_261 = tpu.memref_squeeze %dma_wait3A_260 : memref<1x1x8x2000xf32, #tpu.memory_space<hbm>> -> memref<8x2000xf32, #tpu.memory_space<hbm>>
        tpu.wait_dma2 semaphore(%arg23 : memref<!tpu.dma_semaphore, #tpu.memory_space<semaphore_mem>>) src(%arg13 : memref<8x2000xf32, #tpu.memory_space<vmem>>) dst(%dma_wait3A_261 : memref<8x2000xf32, #tpu.memory_space<hbm>>)
        %mul3A_262 = arith.constant 8 : i32
        %mul3A_263 = arith.muli %mul3A_116, %mul3A_262 : i32
        %dma_wait3A_264 = arith.constant 24 : i32
        %dma_wait3A_265 = arith.constant 0 : i32
        %dma_wait3A_266 = tpu.memref_slice %arg7[%add3A, %mul3A_116, %dma_wait3A_264, %dma_wait3A_265] : memref<32x12x32x2000xf32, #tpu.memory_space<hbm>> -> memref<1x1x8x2000xf32, #tpu.memory_space<hbm>>
        %dma_wait3A_267 = tpu.memref_squeeze %dma_wait3A_266 : memref<1x1x8x2000xf32, #tpu.memory_space<hbm>> -> memref<8x2000xf32, #tpu.memory_space<hbm>>
        %dma_wait3A_268 = arith.constant 0 : i32
        %dma_wait3A_269 = tpu.memref_slice %arg10[%mul3A_263, %dma_wait3A_268] : memref<104x2000xf32, #tpu.memory_space<vmem_shared>> -> memref<8x2000xf32, #tpu.memory_space<vmem_shared>>
        tpu.wait_dma2 semaphore(%arg20 : memref<!tpu.dma_semaphore, #tpu.memory_space<semaphore_mem>>) src(%dma_wait3A_269 : memref<8x2000xf32, #tpu.memory_space<vmem_shared>>) dst(%dma_wait3A_267 : memref<8x2000xf32, #tpu.memory_space<hbm>>)
      } else {
      }
      %parallel_loop3A = arith.constant 0 : i32
      %parallel_loop3A_131 = arith.constant 125 : i32
      %parallel_loop3A_132 = arith.constant 1 : i32
      scf.for %parallel_loop3A_238 = %parallel_loop3A to %parallel_loop3A_131 step %parallel_loop3A_132  : i32 {
        %parallel_loop3A_239 = arith.constant 16 : i32
        %parallel_loop3A_240 = arith.muli %parallel_loop3A_238, %parallel_loop3A_239 : i32
        %parallel_loop3A_241 = arith.constant 0 : i32
        %parallel_loop3A_242 = arith.index_cast %parallel_loop3A_241 : i32 to index
        %parallel_loop3A_243 = arith.index_cast %parallel_loop3A_240 : i32 to index
        %parallel_loop3A_244 = tpu.vector_load %arg8[%parallel_loop3A_242, %parallel_loop3A_243] {strides = array<i32>} : memref<4x2000xf32, #tpu.memory_space<vmem>>, vector<16xf32>,
        %parallel_loop3A_245 = arith.mulf %parallel_loop3A_244, %gather3A : vector<16xf32>
        %parallel_loop3A_246 = arith.addf %parallel_loop3A_245, %gather3A_46 : vector<16xf32>
        %parallel_loop3A_247 = arith.constant 16 : i32
        %parallel_loop3A_248 = arith.muli %parallel_loop3A_238, %parallel_loop3A_247 : i32
        %parallel_loop3A_249 = arith.constant 0 : i32
        %parallel_loop3A_250 = arith.index_cast %parallel_loop3A_249 : i32 to index
        %parallel_loop3A_251 = arith.index_cast %parallel_loop3A_248 : i32 to index
        %parallel_loop3A_252 = tpu.vector_load %arg11[%parallel_loop3A_250, %parallel_loop3A_251] {strides = array<i32>} : memref<8x2000xf32, #tpu.memory_space<vmem>>, vector<16xf32>,
        tpu.vector_store %arg11[%parallel_loop3A_250, %parallel_loop3A_251], %parallel_loop3A_246 {strides = array<i32>} : memref<8x2000xf32, #tpu.memory_space<vmem>>, vector<16xf32>,
        %parallel_loop3A_253 = arith.mulf %parallel_loop3A_244, %gather3A_18 : vector<16xf32>
        %parallel_loop3A_254 = arith.addf %parallel_loop3A_253, %gather3A_50 : vector<16xf32>
        %parallel_loop3A_255 = arith.constant 16 : i32
        %parallel_loop3A_256 = arith.muli %parallel_loop3A_238, %parallel_loop3A_255 : i32
        %parallel_loop3A_257 = arith.constant 1 : i32
        %parallel_loop3A_258 = arith.index_cast %parallel_loop3A_257 : i32 to index
        %parallel_loop3A_259 = arith.index_cast %parallel_loop3A_256 : i32 to index
        %parallel_loop3A_260 = tpu.vector_load %arg11[%parallel_loop3A_258, %parallel_loop3A_259] {strides = array<i32>} : memref<8x2000xf32, #tpu.memory_space<vmem>>, vector<16xf32>,
        tpu.vector_store %arg11[%parallel_loop3A_258, %parallel_loop3A_259], %parallel_loop3A_254 {strides = array<i32>} : memref<8x2000xf32, #tpu.memory_space<vmem>>, vector<16xf32>,
        %parallel_loop3A_261 = arith.mulf %parallel_loop3A_244, %gather3A_22 : vector<16xf32>
        %parallel_loop3A_262 = arith.addf %parallel_loop3A_261, %gather3A_54 : vector<16xf32>
        %parallel_loop3A_263 = arith.constant 16 : i32
        %parallel_loop3A_264 = arith.muli %parallel_loop3A_238, %parallel_loop3A_263 : i32
        %parallel_loop3A_265 = arith.constant 2 : i32
        %parallel_loop3A_266 = arith.index_cast %parallel_loop3A_265 : i32 to index
        %parallel_loop3A_267 = arith.index_cast %parallel_loop3A_264 : i32 to index
        %parallel_loop3A_268 = tpu.vector_load %arg11[%parallel_loop3A_266, %parallel_loop3A_267] {strides = array<i32>} : memref<8x2000xf32, #tpu.memory_space<vmem>>, vector<16xf32>,
        tpu.vector_store %arg11[%parallel_loop3A_266, %parallel_loop3A_267], %parallel_loop3A_262 {strides = array<i32>} : memref<8x2000xf32, #tpu.memory_space<vmem>>, vector<16xf32>,
        %parallel_loop3A_269 = arith.mulf %parallel_loop3A_244, %gather3A_26 : vector<16xf32>
        %parallel_loop3A_270 = arith.addf %parallel_loop3A_269, %gather3A_58 : vector<16xf32>
        %parallel_loop3A_271 = arith.constant 16 : i32
        %parallel_loop3A_272 = arith.muli %parallel_loop3A_238, %parallel_loop3A_271 : i32
        %parallel_loop3A_273 = arith.constant 3 : i32
        %parallel_loop3A_274 = arith.index_cast %parallel_loop3A_273 : i32 to index
        %parallel_loop3A_275 = arith.index_cast %parallel_loop3A_272 : i32 to index
        %parallel_loop3A_276 = tpu.vector_load %arg11[%parallel_loop3A_274, %parallel_loop3A_275] {strides = array<i32>} : memref<8x2000xf32, #tpu.memory_space<vmem>>, vector<16xf32>,
        tpu.vector_store %arg11[%parallel_loop3A_274, %parallel_loop3A_275], %parallel_loop3A_270 {strides = array<i32>} : memref<8x2000xf32, #tpu.memory_space<vmem>>, vector<16xf32>,
        %parallel_loop3A_277 = arith.mulf %parallel_loop3A_244, %gather3A_30 : vector<16xf32>
        %parallel_loop3A_278 = arith.addf %parallel_loop3A_277, %gather3A_62 : vector<16xf32>
        %parallel_loop3A_279 = arith.constant 16 : i32
        %parallel_loop3A_280 = arith.muli %parallel_loop3A_238, %parallel_loop3A_279 : i32
        %parallel_loop3A_281 = arith.constant 4 : i32
        %parallel_loop3A_282 = arith.index_cast %parallel_loop3A_281 : i32 to index
        %parallel_loop3A_283 = arith.index_cast %parallel_loop3A_280 : i32 to index
        %parallel_loop3A_284 = tpu.vector_load %arg11[%parallel_loop3A_282, %parallel_loop3A_283] {strides = array<i32>} : memref<8x2000xf32, #tpu.memory_space<vmem>>, vector<16xf32>,
        tpu.vector_store %arg11[%parallel_loop3A_282, %parallel_loop3A_283], %parallel_loop3A_278 {strides = array<i32>} : memref<8x2000xf32, #tpu.memory_space<vmem>>, vector<16xf32>,
        %parallel_loop3A_285 = arith.mulf %parallel_loop3A_244, %gather3A_34 : vector<16xf32>
        %parallel_loop3A_286 = arith.addf %parallel_loop3A_285, %gather3A_66 : vector<16xf32>
        %parallel_loop3A_287 = arith.constant 16 : i32
        %parallel_loop3A_288 = arith.muli %parallel_loop3A_238, %parallel_loop3A_287 : i32
        %parallel_loop3A_289 = arith.constant 5 : i32
        %parallel_loop3A_290 = arith.index_cast %parallel_loop3A_289 : i32 to index
        %parallel_loop3A_291 = arith.index_cast %parallel_loop3A_288 : i32 to index
        %parallel_loop3A_292 = tpu.vector_load %arg11[%parallel_loop3A_290, %parallel_loop3A_291] {strides = array<i32>} : memref<8x2000xf32, #tpu.memory_space<vmem>>, vector<16xf32>,
        tpu.vector_store %arg11[%parallel_loop3A_290, %parallel_loop3A_291], %parallel_loop3A_286 {strides = array<i32>} : memref<8x2000xf32, #tpu.memory_space<vmem>>, vector<16xf32>,
        %parallel_loop3A_293 = arith.mulf %parallel_loop3A_244, %gather3A_38 : vector<16xf32>
        %parallel_loop3A_294 = arith.addf %parallel_loop3A_293, %gather3A_70 : vector<16xf32>
        %parallel_loop3A_295 = arith.constant 16 : i32
        %parallel_loop3A_296 = arith.muli %parallel_loop3A_238, %parallel_loop3A_295 : i32
        %parallel_loop3A_297 = arith.constant 6 : i32
        %parallel_loop3A_298 = arith.index_cast %parallel_loop3A_297 : i32 to index
        %parallel_loop3A_299 = arith.index_cast %parallel_loop3A_296 : i32 to index
        %parallel_loop3A_300 = tpu.vector_load %arg11[%parallel_loop3A_298, %parallel_loop3A_299] {strides = array<i32>} : memref<8x2000xf32, #tpu.memory_space<vmem>>, vector<16xf32>,
        tpu.vector_store %arg11[%parallel_loop3A_298, %parallel_loop3A_299], %parallel_loop3A_294 {strides = array<i32>} : memref<8x2000xf32, #tpu.memory_space<vmem>>, vector<16xf32>,
        %parallel_loop3A_301 = arith.mulf %parallel_loop3A_244, %gather3A_42 : vector<16xf32>
        %parallel_loop3A_302 = arith.addf %parallel_loop3A_301, %gather3A_74 : vector<16xf32>
        %parallel_loop3A_303 = arith.constant 16 : i32
        %parallel_loop3A_304 = arith.muli %parallel_loop3A_238, %parallel_loop3A_303 : i32
        %parallel_loop3A_305 = arith.constant 7 : i32
        %parallel_loop3A_306 = arith.index_cast %parallel_loop3A_305 : i32 to index
        %parallel_loop3A_307 = arith.index_cast %parallel_loop3A_304 : i32 to index
        %parallel_loop3A_308 = tpu.vector_load %arg11[%parallel_loop3A_306, %parallel_loop3A_307] {strides = array<i32>} : memref<8x2000xf32, #tpu.memory_space<vmem>>, vector<16xf32>,
        tpu.vector_store %arg11[%parallel_loop3A_306, %parallel_loop3A_307], %parallel_loop3A_302 {strides = array<i32>} : memref<8x2000xf32, #tpu.memory_space<vmem>>, vector<16xf32>,
      } {sc.loop_unroll_factor = 2 : i64, sc.parallel_access}
      %dma_start3A_133 = arith.constant 0 : i32
      %dma_start3A_134 = arith.constant 0 : i32
      %dma_start3A_135 = tpu.memref_slice %arg7[%add3A, %mul3A_116, %dma_start3A_133, %dma_start3A_134] : memref<32x12x32x2000xf32, #tpu.memory_space<hbm>> -> memref<1x1x8x2000xf32, #tpu.memory_space<hbm>>
      %dma_start3A_136 = tpu.memref_squeeze %dma_start3A_135 : memref<1x1x8x2000xf32, #tpu.memory_space<hbm>> -> memref<8x2000xf32, #tpu.memory_space<hbm>>
      %dma_start3A_137 = arith.constant 0 : i32
      %dma_start3A_138 = arith.constant 0 : i32
      %dma_start3A_139 = tpu.memref_slice %arg7[%add3A, %mul3A_116, %dma_start3A_137, %dma_start3A_138] : memref<32x12x32x2000xf32, #tpu.memory_space<hbm>> -> memref<1x1x8x2000xf32, #tpu.memory_space<hbm>>
      %dma_start3A_140 = tpu.memref_squeeze %dma_start3A_139 : memref<1x1x8x2000xf32, #tpu.memory_space<hbm>> -> memref<8x2000xf32, #tpu.memory_space<hbm>>
      tpu.enqueue_dma source(%arg11 : memref<8x2000xf32, #tpu.memory_space<vmem>>) target(%dma_start3A_140 : memref<8x2000xf32, #tpu.memory_space<hbm>>) target_semaphore(%arg21 : memref<!tpu.dma_semaphore, #tpu.memory_space<semaphore_mem>>)
      %parallel_loop3A_141 = arith.constant 0 : i32
      %parallel_loop3A_142 = arith.constant 125 : i32
      %parallel_loop3A_143 = arith.constant 1 : i32
      scf.for %parallel_loop3A_238 = %parallel_loop3A_141 to %parallel_loop3A_142 step %parallel_loop3A_143  : i32 {
        %parallel_loop3A_239 = arith.constant 16 : i32
        %parallel_loop3A_240 = arith.muli %parallel_loop3A_238, %parallel_loop3A_239 : i32
        %parallel_loop3A_241 = arith.constant 3 : i32
        %parallel_loop3A_242 = arith.index_cast %parallel_loop3A_241 : i32 to index
        %parallel_loop3A_243 = arith.index_cast %parallel_loop3A_240 : i32 to index
        %parallel_loop3A_244 = tpu.vector_load %arg8[%parallel_loop3A_242, %parallel_loop3A_243] {strides = array<i32>} : memref<4x2000xf32, #tpu.memory_space<vmem>>, vector<16xf32>,
        %parallel_loop3A_245 = arith.constant 2.300000e+01 : f32
        %parallel_loop3A_246 = vector.broadcast %parallel_loop3A_245 : f32 to vector<16xf32>
        %parallel_loop3A_247 = arith.mulf %parallel_loop3A_244, %parallel_loop3A_246 : vector<16xf32>
        %parallel_loop3A_248 = arith.fptosi %parallel_loop3A_247 : vector<16xf32> to vector<16xi32>
        %parallel_loop3A_249 = arith.constant 0 : i32
        %parallel_loop3A_250 = vector.broadcast %parallel_loop3A_249 : i32 to vector<16xi32>
        %parallel_loop3A_251 = arith.addi %broadcast_in_dim3A_11, %parallel_loop3A_250 : vector<16xi32>
        %parallel_loop3A_252 = tpu.vector_load_idx %arg15[%parallel_loop3A_251, %parallel_loop3A_248] : memref<8x24xf32, #tpu.memory_space<vmem>>[vector<16xi32>, vector<16xi32>], vector<16xf32>,
        %parallel_loop3A_253 = arith.constant 16 : i32
        %parallel_loop3A_254 = arith.muli %parallel_loop3A_238, %parallel_loop3A_253 : i32
        %parallel_loop3A_255 = arith.constant 0 : i32
        %parallel_loop3A_256 = arith.index_cast %parallel_loop3A_255 : i32 to index
        %parallel_loop3A_257 = arith.index_cast %parallel_loop3A_254 : i32 to index
        %parallel_loop3A_258 = tpu.vector_load %arg12[%parallel_loop3A_256, %parallel_loop3A_257] {strides = array<i32>} : memref<8x2000xf32, #tpu.memory_space<vmem>>, vector<16xf32>,
        tpu.vector_store %arg12[%parallel_loop3A_256, %parallel_loop3A_257], %parallel_loop3A_252 {strides = array<i32>} : memref<8x2000xf32, #tpu.memory_space<vmem>>, vector<16xf32>,
        %parallel_loop3A_259 = arith.constant 1 : i32
        %parallel_loop3A_260 = vector.broadcast %parallel_loop3A_259 : i32 to vector<16xi32>
        %parallel_loop3A_261 = arith.addi %broadcast_in_dim3A_11, %parallel_loop3A_260 : vector<16xi32>
        %parallel_loop3A_262 = tpu.vector_load_idx %arg15[%parallel_loop3A_261, %parallel_loop3A_248] : memref<8x24xf32, #tpu.memory_space<vmem>>[vector<16xi32>, vector<16xi32>], vector<16xf32>,
        %parallel_loop3A_263 = arith.constant 16 : i32
        %parallel_loop3A_264 = arith.muli %parallel_loop3A_238, %parallel_loop3A_263 : i32
        %parallel_loop3A_265 = arith.constant 1 : i32
        %parallel_loop3A_266 = arith.index_cast %parallel_loop3A_265 : i32 to index
        %parallel_loop3A_267 = arith.index_cast %parallel_loop3A_264 : i32 to index
        %parallel_loop3A_268 = tpu.vector_load %arg12[%parallel_loop3A_266, %parallel_loop3A_267] {strides = array<i32>} : memref<8x2000xf32, #tpu.memory_space<vmem>>, vector<16xf32>,
        tpu.vector_store %arg12[%parallel_loop3A_266, %parallel_loop3A_267], %parallel_loop3A_262 {strides = array<i32>} : memref<8x2000xf32, #tpu.memory_space<vmem>>, vector<16xf32>,
        %parallel_loop3A_269 = arith.constant 2 : i32
        %parallel_loop3A_270 = vector.broadcast %parallel_loop3A_269 : i32 to vector<16xi32>
        %parallel_loop3A_271 = arith.addi %broadcast_in_dim3A_11, %parallel_loop3A_270 : vector<16xi32>
        %parallel_loop3A_272 = tpu.vector_load_idx %arg15[%parallel_loop3A_271, %parallel_loop3A_248] : memref<8x24xf32, #tpu.memory_space<vmem>>[vector<16xi32>, vector<16xi32>], vector<16xf32>,
        %parallel_loop3A_273 = arith.constant 16 : i32
        %parallel_loop3A_274 = arith.muli %parallel_loop3A_238, %parallel_loop3A_273 : i32
        %parallel_loop3A_275 = arith.constant 2 : i32
        %parallel_loop3A_276 = arith.index_cast %parallel_loop3A_275 : i32 to index
        %parallel_loop3A_277 = arith.index_cast %parallel_loop3A_274 : i32 to index
        %parallel_loop3A_278 = tpu.vector_load %arg12[%parallel_loop3A_276, %parallel_loop3A_277] {strides = array<i32>} : memref<8x2000xf32, #tpu.memory_space<vmem>>, vector<16xf32>,
        tpu.vector_store %arg12[%parallel_loop3A_276, %parallel_loop3A_277], %parallel_loop3A_272 {strides = array<i32>} : memref<8x2000xf32, #tpu.memory_space<vmem>>, vector<16xf32>,
        %parallel_loop3A_279 = arith.constant 3 : i32
        %parallel_loop3A_280 = vector.broadcast %parallel_loop3A_279 : i32 to vector<16xi32>
        %parallel_loop3A_281 = arith.addi %broadcast_in_dim3A_11, %parallel_loop3A_280 : vector<16xi32>
        %parallel_loop3A_282 = tpu.vector_load_idx %arg15[%parallel_loop3A_281, %parallel_loop3A_248] : memref<8x24xf32, #tpu.memory_space<vmem>>[vector<16xi32>, vector<16xi32>], vector<16xf32>,
        %parallel_loop3A_283 = arith.constant 16 : i32
        %parallel_loop3A_284 = arith.muli %parallel_loop3A_238, %parallel_loop3A_283 : i32
        %parallel_loop3A_285 = arith.constant 3 : i32
        %parallel_loop3A_286 = arith.index_cast %parallel_loop3A_285 : i32 to index
        %parallel_loop3A_287 = arith.index_cast %parallel_loop3A_284 : i32 to index
        %parallel_loop3A_288 = tpu.vector_load %arg12[%parallel_loop3A_286, %parallel_loop3A_287] {strides = array<i32>} : memref<8x2000xf32, #tpu.memory_space<vmem>>, vector<16xf32>,
        tpu.vector_store %arg12[%parallel_loop3A_286, %parallel_loop3A_287], %parallel_loop3A_282 {strides = array<i32>} : memref<8x2000xf32, #tpu.memory_space<vmem>>, vector<16xf32>,
        %parallel_loop3A_289 = arith.constant 4 : i32
        %parallel_loop3A_290 = vector.broadcast %parallel_loop3A_289 : i32 to vector<16xi32>
        %parallel_loop3A_291 = arith.addi %broadcast_in_dim3A_11, %parallel_loop3A_290 : vector<16xi32>
        %parallel_loop3A_292 = tpu.vector_load_idx %arg15[%parallel_loop3A_291, %parallel_loop3A_248] : memref<8x24xf32, #tpu.memory_space<vmem>>[vector<16xi32>, vector<16xi32>], vector<16xf32>,
        %parallel_loop3A_293 = arith.constant 16 : i32
        %parallel_loop3A_294 = arith.muli %parallel_loop3A_238, %parallel_loop3A_293 : i32
        %parallel_loop3A_295 = arith.constant 4 : i32
        %parallel_loop3A_296 = arith.index_cast %parallel_loop3A_295 : i32 to index
        %parallel_loop3A_297 = arith.index_cast %parallel_loop3A_294 : i32 to index
        %parallel_loop3A_298 = tpu.vector_load %arg12[%parallel_loop3A_296, %parallel_loop3A_297] {strides = array<i32>} : memref<8x2000xf32, #tpu.memory_space<vmem>>, vector<16xf32>,
        tpu.vector_store %arg12[%parallel_loop3A_296, %parallel_loop3A_297], %parallel_loop3A_292 {strides = array<i32>} : memref<8x2000xf32, #tpu.memory_space<vmem>>, vector<16xf32>,
        %parallel_loop3A_299 = arith.constant 5 : i32
        %parallel_loop3A_300 = vector.broadcast %parallel_loop3A_299 : i32 to vector<16xi32>
        %parallel_loop3A_301 = arith.addi %broadcast_in_dim3A_11, %parallel_loop3A_300 : vector<16xi32>
        %parallel_loop3A_302 = tpu.vector_load_idx %arg15[%parallel_loop3A_301, %parallel_loop3A_248] : memref<8x24xf32, #tpu.memory_space<vmem>>[vector<16xi32>, vector<16xi32>], vector<16xf32>,
        %parallel_loop3A_303 = arith.constant 16 : i32
        %parallel_loop3A_304 = arith.muli %parallel_loop3A_238, %parallel_loop3A_303 : i32
        %parallel_loop3A_305 = arith.constant 5 : i32
        %parallel_loop3A_306 = arith.index_cast %parallel_loop3A_305 : i32 to index
        %parallel_loop3A_307 = arith.index_cast %parallel_loop3A_304 : i32 to index
        %parallel_loop3A_308 = tpu.vector_load %arg12[%parallel_loop3A_306, %parallel_loop3A_307] {strides = array<i32>} : memref<8x2000xf32, #tpu.memory_space<vmem>>, vector<16xf32>,
        tpu.vector_store %arg12[%parallel_loop3A_306, %parallel_loop3A_307], %parallel_loop3A_302 {strides = array<i32>} : memref<8x2000xf32, #tpu.memory_space<vmem>>, vector<16xf32>,
        %parallel_loop3A_309 = arith.constant 6 : i32
        %parallel_loop3A_310 = vector.broadcast %parallel_loop3A_309 : i32 to vector<16xi32>
        %parallel_loop3A_311 = arith.addi %broadcast_in_dim3A_11, %parallel_loop3A_310 : vector<16xi32>
        %parallel_loop3A_312 = tpu.vector_load_idx %arg15[%parallel_loop3A_311, %parallel_loop3A_248] : memref<8x24xf32, #tpu.memory_space<vmem>>[vector<16xi32>, vector<16xi32>], vector<16xf32>,
        %parallel_loop3A_313 = arith.constant 16 : i32
        %parallel_loop3A_314 = arith.muli %parallel_loop3A_238, %parallel_loop3A_313 : i32
        %parallel_loop3A_315 = arith.constant 6 : i32
        %parallel_loop3A_316 = arith.index_cast %parallel_loop3A_315 : i32 to index
        %parallel_loop3A_317 = arith.index_cast %parallel_loop3A_314 : i32 to index
        %parallel_loop3A_318 = tpu.vector_load %arg12[%parallel_loop3A_316, %parallel_loop3A_317] {strides = array<i32>} : memref<8x2000xf32, #tpu.memory_space<vmem>>, vector<16xf32>,
        tpu.vector_store %arg12[%parallel_loop3A_316, %parallel_loop3A_317], %parallel_loop3A_312 {strides = array<i32>} : memref<8x2000xf32, #tpu.memory_space<vmem>>, vector<16xf32>,
        %parallel_loop3A_319 = arith.constant 7 : i32
        %parallel_loop3A_320 = vector.broadcast %parallel_loop3A_319 : i32 to vector<16xi32>
        %parallel_loop3A_321 = arith.addi %broadcast_in_dim3A_11, %parallel_loop3A_320 : vector<16xi32>
        %parallel_loop3A_322 = tpu.vector_load_idx %arg15[%parallel_loop3A_321, %parallel_loop3A_248] : memref<8x24xf32, #tpu.memory_space<vmem>>[vector<16xi32>, vector<16xi32>], vector<16xf32>,
        %parallel_loop3A_323 = arith.constant 16 : i32
        %parallel_loop3A_324 = arith.muli %parallel_loop3A_238, %parallel_loop3A_323 : i32
        %parallel_loop3A_325 = arith.constant 7 : i32
        %parallel_loop3A_326 = arith.index_cast %parallel_loop3A_325 : i32 to index
        %parallel_loop3A_327 = arith.index_cast %parallel_loop3A_324 : i32 to index
        %parallel_loop3A_328 = tpu.vector_load %arg12[%parallel_loop3A_326, %parallel_loop3A_327] {strides = array<i32>} : memref<8x2000xf32, #tpu.memory_space<vmem>>, vector<16xf32>,
        tpu.vector_store %arg12[%parallel_loop3A_326, %parallel_loop3A_327], %parallel_loop3A_322 {strides = array<i32>} : memref<8x2000xf32, #tpu.memory_space<vmem>>, vector<16xf32>,
      } {sc.loop_unroll_factor = 2 : i64, sc.parallel_access}
      %dma_start3A_144 = arith.constant 8 : i32
      %dma_start3A_145 = arith.constant 0 : i32
      %dma_start3A_146 = tpu.memref_slice %arg7[%add3A, %mul3A_116, %dma_start3A_144, %dma_start3A_145] : memref<32x12x32x2000xf32, #tpu.memory_space<hbm>> -> memref<1x1x8x2000xf32, #tpu.memory_space<hbm>>
      %dma_start3A_147 = tpu.memref_squeeze %dma_start3A_146 : memref<1x1x8x2000xf32, #tpu.memory_space<hbm>> -> memref<8x2000xf32, #tpu.memory_space<hbm>>
      %dma_start3A_148 = arith.constant 8 : i32
      %dma_start3A_149 = arith.constant 0 : i32
      %dma_start3A_150 = tpu.memref_slice %arg7[%add3A, %mul3A_116, %dma_start3A_148, %dma_start3A_149] : memref<32x12x32x2000xf32, #tpu.memory_space<hbm>> -> memref<1x1x8x2000xf32, #tpu.memory_space<hbm>>
      %dma_start3A_151 = tpu.memref_squeeze %dma_start3A_150 : memref<1x1x8x2000xf32, #tpu.memory_space<hbm>> -> memref<8x2000xf32, #tpu.memory_space<hbm>>
      tpu.enqueue_dma source(%arg12 : memref<8x2000xf32, #tpu.memory_space<vmem>>) target(%dma_start3A_151 : memref<8x2000xf32, #tpu.memory_space<hbm>>) target_semaphore(%arg22 : memref<!tpu.dma_semaphore, #tpu.memory_space<semaphore_mem>>)
      %parallel_loop3A_152 = arith.constant 0 : i32
      %parallel_loop3A_153 = arith.constant 125 : i32
      %parallel_loop3A_154 = arith.constant 1 : i32
      scf.for %parallel_loop3A_238 = %parallel_loop3A_152 to %parallel_loop3A_153 step %parallel_loop3A_154  : i32 {
        %parallel_loop3A_239 = arith.constant 16 : i32
        %parallel_loop3A_240 = arith.muli %parallel_loop3A_238, %parallel_loop3A_239 : i32
        %parallel_loop3A_241 = arith.constant 2 : i32
        %parallel_loop3A_242 = arith.index_cast %parallel_loop3A_241 : i32 to index
        %parallel_loop3A_243 = arith.index_cast %parallel_loop3A_240 : i32 to index
        %parallel_loop3A_244 = tpu.vector_load %arg8[%parallel_loop3A_242, %parallel_loop3A_243] {strides = array<i32>} : memref<4x2000xf32, #tpu.memory_space<vmem>>, vector<16xf32>,
        %parallel_loop3A_245 = arith.constant 6.000000e+00 : f32
        %parallel_loop3A_246 = vector.broadcast %parallel_loop3A_245 : f32 to vector<16xf32>
        %parallel_loop3A_247 = arith.mulf %parallel_loop3A_244, %parallel_loop3A_246 : vector<16xf32>
        %parallel_loop3A_248 = arith.fptosi %parallel_loop3A_247 : vector<16xf32> to vector<16xi32>
        %parallel_loop3A_249 = arith.constant 0 : i32
        %parallel_loop3A_250 = vector.broadcast %parallel_loop3A_249 : i32 to vector<16xi32>
        %parallel_loop3A_251 = arith.addi %broadcast_in_dim3A_11, %parallel_loop3A_250 : vector<16xi32>
        %parallel_loop3A_252 = tpu.vector_load_idx %arg16[%parallel_loop3A_251, %parallel_loop3A_248] : memref<8x7xf32, #tpu.memory_space<vmem>>[vector<16xi32>, vector<16xi32>], vector<16xf32>,
        %parallel_loop3A_253 = arith.constant 16 : i32
        %parallel_loop3A_254 = arith.muli %parallel_loop3A_238, %parallel_loop3A_253 : i32
        %parallel_loop3A_255 = arith.constant 0 : i32
        %parallel_loop3A_256 = arith.index_cast %parallel_loop3A_255 : i32 to index
        %parallel_loop3A_257 = arith.index_cast %parallel_loop3A_254 : i32 to index
        %parallel_loop3A_258 = tpu.vector_load %arg13[%parallel_loop3A_256, %parallel_loop3A_257] {strides = array<i32>} : memref<8x2000xf32, #tpu.memory_space<vmem>>, vector<16xf32>,
        tpu.vector_store %arg13[%parallel_loop3A_256, %parallel_loop3A_257], %parallel_loop3A_252 {strides = array<i32>} : memref<8x2000xf32, #tpu.memory_space<vmem>>, vector<16xf32>,
        %parallel_loop3A_259 = arith.constant 1 : i32
        %parallel_loop3A_260 = vector.broadcast %parallel_loop3A_259 : i32 to vector<16xi32>
        %parallel_loop3A_261 = arith.addi %broadcast_in_dim3A_11, %parallel_loop3A_260 : vector<16xi32>
        %parallel_loop3A_262 = tpu.vector_load_idx %arg16[%parallel_loop3A_261, %parallel_loop3A_248] : memref<8x7xf32, #tpu.memory_space<vmem>>[vector<16xi32>, vector<16xi32>], vector<16xf32>,
        %parallel_loop3A_263 = arith.constant 16 : i32
        %parallel_loop3A_264 = arith.muli %parallel_loop3A_238, %parallel_loop3A_263 : i32
        %parallel_loop3A_265 = arith.constant 1 : i32
        %parallel_loop3A_266 = arith.index_cast %parallel_loop3A_265 : i32 to index
        %parallel_loop3A_267 = arith.index_cast %parallel_loop3A_264 : i32 to index
        %parallel_loop3A_268 = tpu.vector_load %arg13[%parallel_loop3A_266, %parallel_loop3A_267] {strides = array<i32>} : memref<8x2000xf32, #tpu.memory_space<vmem>>, vector<16xf32>,
        tpu.vector_store %arg13[%parallel_loop3A_266, %parallel_loop3A_267], %parallel_loop3A_262 {strides = array<i32>} : memref<8x2000xf32, #tpu.memory_space<vmem>>, vector<16xf32>,
        %parallel_loop3A_269 = arith.constant 2 : i32
        %parallel_loop3A_270 = vector.broadcast %parallel_loop3A_269 : i32 to vector<16xi32>
        %parallel_loop3A_271 = arith.addi %broadcast_in_dim3A_11, %parallel_loop3A_270 : vector<16xi32>
        %parallel_loop3A_272 = tpu.vector_load_idx %arg16[%parallel_loop3A_271, %parallel_loop3A_248] : memref<8x7xf32, #tpu.memory_space<vmem>>[vector<16xi32>, vector<16xi32>], vector<16xf32>,
        %parallel_loop3A_273 = arith.constant 16 : i32
        %parallel_loop3A_274 = arith.muli %parallel_loop3A_238, %parallel_loop3A_273 : i32
        %parallel_loop3A_275 = arith.constant 2 : i32
        %parallel_loop3A_276 = arith.index_cast %parallel_loop3A_275 : i32 to index
        %parallel_loop3A_277 = arith.index_cast %parallel_loop3A_274 : i32 to index
        %parallel_loop3A_278 = tpu.vector_load %arg13[%parallel_loop3A_276, %parallel_loop3A_277] {strides = array<i32>} : memref<8x2000xf32, #tpu.memory_space<vmem>>, vector<16xf32>,
        tpu.vector_store %arg13[%parallel_loop3A_276, %parallel_loop3A_277], %parallel_loop3A_272 {strides = array<i32>} : memref<8x2000xf32, #tpu.memory_space<vmem>>, vector<16xf32>,
        %parallel_loop3A_279 = arith.constant 3 : i32
        %parallel_loop3A_280 = vector.broadcast %parallel_loop3A_279 : i32 to vector<16xi32>
        %parallel_loop3A_281 = arith.addi %broadcast_in_dim3A_11, %parallel_loop3A_280 : vector<16xi32>
        %parallel_loop3A_282 = tpu.vector_load_idx %arg16[%parallel_loop3A_281, %parallel_loop3A_248] : memref<8x7xf32, #tpu.memory_space<vmem>>[vector<16xi32>, vector<16xi32>], vector<16xf32>,
        %parallel_loop3A_283 = arith.constant 16 : i32
        %parallel_loop3A_284 = arith.muli %parallel_loop3A_238, %parallel_loop3A_283 : i32
        %parallel_loop3A_285 = arith.constant 3 : i32
        %parallel_loop3A_286 = arith.index_cast %parallel_loop3A_285 : i32 to index
        %parallel_loop3A_287 = arith.index_cast %parallel_loop3A_284 : i32 to index
        %parallel_loop3A_288 = tpu.vector_load %arg13[%parallel_loop3A_286, %parallel_loop3A_287] {strides = array<i32>} : memref<8x2000xf32, #tpu.memory_space<vmem>>, vector<16xf32>,
        tpu.vector_store %arg13[%parallel_loop3A_286, %parallel_loop3A_287], %parallel_loop3A_282 {strides = array<i32>} : memref<8x2000xf32, #tpu.memory_space<vmem>>, vector<16xf32>,
        %parallel_loop3A_289 = arith.constant 4 : i32
        %parallel_loop3A_290 = vector.broadcast %parallel_loop3A_289 : i32 to vector<16xi32>
        %parallel_loop3A_291 = arith.addi %broadcast_in_dim3A_11, %parallel_loop3A_290 : vector<16xi32>
        %parallel_loop3A_292 = tpu.vector_load_idx %arg16[%parallel_loop3A_291, %parallel_loop3A_248] : memref<8x7xf32, #tpu.memory_space<vmem>>[vector<16xi32>, vector<16xi32>], vector<16xf32>,
        %parallel_loop3A_293 = arith.constant 16 : i32
        %parallel_loop3A_294 = arith.muli %parallel_loop3A_238, %parallel_loop3A_293 : i32
        %parallel_loop3A_295 = arith.constant 4 : i32
        %parallel_loop3A_296 = arith.index_cast %parallel_loop3A_295 : i32 to index
        %parallel_loop3A_297 = arith.index_cast %parallel_loop3A_294 : i32 to index
        %parallel_loop3A_298 = tpu.vector_load %arg13[%parallel_loop3A_296, %parallel_loop3A_297] {strides = array<i32>} : memref<8x2000xf32, #tpu.memory_space<vmem>>, vector<16xf32>,
        tpu.vector_store %arg13[%parallel_loop3A_296, %parallel_loop3A_297], %parallel_loop3A_292 {strides = array<i32>} : memref<8x2000xf32, #tpu.memory_space<vmem>>, vector<16xf32>,
        %parallel_loop3A_299 = arith.constant 5 : i32
        %parallel_loop3A_300 = vector.broadcast %parallel_loop3A_299 : i32 to vector<16xi32>
        %parallel_loop3A_301 = arith.addi %broadcast_in_dim3A_11, %parallel_loop3A_300 : vector<16xi32>
        %parallel_loop3A_302 = tpu.vector_load_idx %arg16[%parallel_loop3A_301, %parallel_loop3A_248] : memref<8x7xf32, #tpu.memory_space<vmem>>[vector<16xi32>, vector<16xi32>], vector<16xf32>,
        %parallel_loop3A_303 = arith.constant 16 : i32
        %parallel_loop3A_304 = arith.muli %parallel_loop3A_238, %parallel_loop3A_303 : i32
        %parallel_loop3A_305 = arith.constant 5 : i32
        %parallel_loop3A_306 = arith.index_cast %parallel_loop3A_305 : i32 to index
        %parallel_loop3A_307 = arith.index_cast %parallel_loop3A_304 : i32 to index
        %parallel_loop3A_308 = tpu.vector_load %arg13[%parallel_loop3A_306, %parallel_loop3A_307] {strides = array<i32>} : memref<8x2000xf32, #tpu.memory_space<vmem>>, vector<16xf32>,
        tpu.vector_store %arg13[%parallel_loop3A_306, %parallel_loop3A_307], %parallel_loop3A_302 {strides = array<i32>} : memref<8x2000xf32, #tpu.memory_space<vmem>>, vector<16xf32>,
        %parallel_loop3A_309 = arith.constant 6 : i32
        %parallel_loop3A_310 = vector.broadcast %parallel_loop3A_309 : i32 to vector<16xi32>
        %parallel_loop3A_311 = arith.addi %broadcast_in_dim3A_11, %parallel_loop3A_310 : vector<16xi32>
        %parallel_loop3A_312 = tpu.vector_load_idx %arg16[%parallel_loop3A_311, %parallel_loop3A_248] : memref<8x7xf32, #tpu.memory_space<vmem>>[vector<16xi32>, vector<16xi32>], vector<16xf32>,
        %parallel_loop3A_313 = arith.constant 16 : i32
        %parallel_loop3A_314 = arith.muli %parallel_loop3A_238, %parallel_loop3A_313 : i32
        %parallel_loop3A_315 = arith.constant 6 : i32
        %parallel_loop3A_316 = arith.index_cast %parallel_loop3A_315 : i32 to index
        %parallel_loop3A_317 = arith.index_cast %parallel_loop3A_314 : i32 to index
        %parallel_loop3A_318 = tpu.vector_load %arg13[%parallel_loop3A_316, %parallel_loop3A_317] {strides = array<i32>} : memref<8x2000xf32, #tpu.memory_space<vmem>>, vector<16xf32>,
        tpu.vector_store %arg13[%parallel_loop3A_316, %parallel_loop3A_317], %parallel_loop3A_312 {strides = array<i32>} : memref<8x2000xf32, #tpu.memory_space<vmem>>, vector<16xf32>,
        %parallel_loop3A_319 = arith.constant 7 : i32
        %parallel_loop3A_320 = vector.broadcast %parallel_loop3A_319 : i32 to vector<16xi32>
        %parallel_loop3A_321 = arith.addi %broadcast_in_dim3A_11, %parallel_loop3A_320 : vector<16xi32>
        %parallel_loop3A_322 = tpu.vector_load_idx %arg16[%parallel_loop3A_321, %parallel_loop3A_248] : memref<8x7xf32, #tpu.memory_space<vmem>>[vector<16xi32>, vector<16xi32>], vector<16xf32>,
        %parallel_loop3A_323 = arith.constant 16 : i32
        %parallel_loop3A_324 = arith.muli %parallel_loop3A_238, %parallel_loop3A_323 : i32
        %parallel_loop3A_325 = arith.constant 7 : i32
        %parallel_loop3A_326 = arith.index_cast %parallel_loop3A_325 : i32 to index
        %parallel_loop3A_327 = arith.index_cast %parallel_loop3A_324 : i32 to index
        %parallel_loop3A_328 = tpu.vector_load %arg13[%parallel_loop3A_326, %parallel_loop3A_327] {strides = array<i32>} : memref<8x2000xf32, #tpu.memory_space<vmem>>, vector<16xf32>,
        tpu.vector_store %arg13[%parallel_loop3A_326, %parallel_loop3A_327], %parallel_loop3A_322 {strides = array<i32>} : memref<8x2000xf32, #tpu.memory_space<vmem>>, vector<16xf32>,
      } {sc.loop_unroll_factor = 2 : i64, sc.parallel_access}
      %dma_start3A_155 = arith.constant 16 : i32
      %dma_start3A_156 = arith.constant 0 : i32
      %dma_start3A_157 = tpu.memref_slice %arg7[%add3A, %mul3A_116, %dma_start3A_155, %dma_start3A_156] : memref<32x12x32x2000xf32, #tpu.memory_space<hbm>> -> memref<1x1x8x2000xf32, #tpu.memory_space<hbm>>
      %dma_start3A_158 = tpu.memref_squeeze %dma_start3A_157 : memref<1x1x8x2000xf32, #tpu.memory_space<hbm>> -> memref<8x2000xf32, #tpu.memory_space<hbm>>
      %dma_start3A_159 = arith.constant 16 : i32
      %dma_start3A_160 = arith.constant 0 : i32
      %dma_start3A_161 = tpu.memref_slice %arg7[%add3A, %mul3A_116, %dma_start3A_159, %dma_start3A_160] : memref<32x12x32x2000xf32, #tpu.memory_space<hbm>> -> memref<1x1x8x2000xf32, #tpu.memory_space<hbm>>
      %dma_start3A_162 = tpu.memref_squeeze %dma_start3A_161 : memref<1x1x8x2000xf32, #tpu.memory_space<hbm>> -> memref<8x2000xf32, #tpu.memory_space<hbm>>
      tpu.enqueue_dma source(%arg13 : memref<8x2000xf32, #tpu.memory_space<vmem>>) target(%dma_start3A_162 : memref<8x2000xf32, #tpu.memory_space<hbm>>) target_semaphore(%arg23 : memref<!tpu.dma_semaphore, #tpu.memory_space<semaphore_mem>>)
      %mul3A_163 = arith.constant 8 : i32
      %mul3A_164 = arith.muli %mul3A_116, %mul3A_163 : i32
      %dma_start3A_165 = arith.constant 24 : i32
      %dma_start3A_166 = arith.constant 0 : i32
      %dma_start3A_167 = tpu.memref_slice %arg7[%add3A, %mul3A_116, %dma_start3A_165, %dma_start3A_166] : memref<32x12x32x2000xf32, #tpu.memory_space<hbm>> -> memref<1x1x8x2000xf32, #tpu.memory_space<hbm>>
      %dma_start3A_168 = tpu.memref_squeeze %dma_start3A_167 : memref<1x1x8x2000xf32, #tpu.memory_space<hbm>> -> memref<8x2000xf32, #tpu.memory_space<hbm>>
      %dma_start3A_169 = arith.constant 0 : i32
      %dma_start3A_170 = tpu.memref_slice %arg10[%mul3A_164, %dma_start3A_169] : memref<104x2000xf32, #tpu.memory_space<vmem_shared>> -> memref<8x2000xf32, #tpu.memory_space<vmem_shared>>
      tpu.enqueue_dma source(%dma_start3A_170 : memref<8x2000xf32, #tpu.memory_space<vmem_shared>>) target(%dma_start3A_168 : memref<8x2000xf32, #tpu.memory_space<hbm>>) target_semaphore(%arg20 : memref<!tpu.dma_semaphore, #tpu.memory_space<semaphore_mem>>)
      %dma_start3A_171 = arith.constant 0 : i32
      %dma_start3A_172 = arith.constant 0 : i32
      %dma_start3A_173 = tpu.memref_slice %arg2[%add3A, %add3A_118, %dma_start3A_171, %dma_start3A_172] : memref<32x12x4x2000xf32, #tpu.memory_space<hbm>> -> memref<1x1x4x2000xf32, #tpu.memory_space<hbm>>
      %dma_start3A_174 = tpu.memref_squeeze %dma_start3A_173 : memref<1x1x4x2000xf32, #tpu.memory_space<hbm>> -> memref<4x2000xf32, #tpu.memory_space<hbm>>
      %dma_start3A_175 = arith.constant 0 : i32
      %dma_start3A_176 = arith.constant 0 : i32
      %dma_start3A_177 = tpu.memref_slice %arg2[%add3A, %add3A_118, %dma_start3A_175, %dma_start3A_176] : memref<32x12x4x2000xf32, #tpu.memory_space<hbm>> -> memref<1x1x4x2000xf32, #tpu.memory_space<hbm>>
      %dma_start3A_178 = tpu.memref_squeeze %dma_start3A_177 : memref<1x1x4x2000xf32, #tpu.memory_space<hbm>> -> memref<4x2000xf32, #tpu.memory_space<hbm>>
      tpu.enqueue_dma source(%dma_start3A_178 : memref<4x2000xf32, #tpu.memory_space<hbm>>) target(%arg9 : memref<4x2000xf32, #tpu.memory_space<vmem>>) target_semaphore(%arg18 : memref<!tpu.dma_semaphore, #tpu.memory_space<semaphore_mem>>)
      %dma_wait3A_179 = arith.constant 0 : i32
      %dma_wait3A_180 = arith.constant 0 : i32
      %dma_wait3A_181 = tpu.memref_slice %arg2[%add3A, %add3A_118, %dma_wait3A_179, %dma_wait3A_180] : memref<32x12x4x2000xf32, #tpu.memory_space<hbm>> -> memref<1x1x4x2000xf32, #tpu.memory_space<hbm>>
      %dma_wait3A_182 = tpu.memref_squeeze %dma_wait3A_181 : memref<1x1x4x2000xf32, #tpu.memory_space<hbm>> -> memref<4x2000xf32, #tpu.memory_space<hbm>>
      %dma_wait3A_183 = arith.constant 0 : i32
      %dma_wait3A_184 = arith.constant 0 : i32
      %dma_wait3A_185 = tpu.memref_slice %arg2[%add3A, %add3A_118, %dma_wait3A_183, %dma_wait3A_184] : memref<32x12x4x2000xf32, #tpu.memory_space<hbm>> -> memref<1x1x4x2000xf32, #tpu.memory_space<hbm>>
      %dma_wait3A_186 = tpu.memref_squeeze %dma_wait3A_185 : memref<1x1x4x2000xf32, #tpu.memory_space<hbm>> -> memref<4x2000xf32, #tpu.memory_space<hbm>>
      tpu.wait_dma2 semaphore(%arg18 : memref<!tpu.dma_semaphore, #tpu.memory_space<semaphore_mem>>) src(%dma_wait3A_186 : memref<4x2000xf32, #tpu.memory_space<hbm>>) dst(%arg9 : memref<4x2000xf32, #tpu.memory_space<vmem>>)
      %gt3A_187 = arith.constant 0 : i32
      %gt3A_188 = arith.cmpi sgt, %add3A_118, %gt3A_187 : i32
      %convert_element_type3A_189 = arith.extui %gt3A_188 : i1 to i32
      %cond3A_190 = arith.constant 0 : i32
      %cond3A_191 = arith.cmpi ne, %convert_element_type3A_189, %cond3A_190 : i32
      scf.if %cond3A_191 {
        %dma_wait3A_238 = arith.constant 0 : i32
        %dma_wait3A_239 = arith.constant 0 : i32
        %dma_wait3A_240 = tpu.memref_slice %arg7[%add3A, %add3A_118, %dma_wait3A_238, %dma_wait3A_239] : memref<32x12x32x2000xf32, #tpu.memory_space<hbm>> -> memref<1x1x8x2000xf32, #tpu.memory_space<hbm>>
        %dma_wait3A_241 = tpu.memref_squeeze %dma_wait3A_240 : memref<1x1x8x2000xf32, #tpu.memory_space<hbm>> -> memref<8x2000xf32, #tpu.memory_space<hbm>>
        %dma_wait3A_242 = arith.constant 0 : i32
        %dma_wait3A_243 = arith.constant 0 : i32
        %dma_wait3A_244 = tpu.memref_slice %arg7[%add3A, %add3A_118, %dma_wait3A_242, %dma_wait3A_243] : memref<32x12x32x2000xf32, #tpu.memory_space<hbm>> -> memref<1x1x8x2000xf32, #tpu.memory_space<hbm>>
        %dma_wait3A_245 = tpu.memref_squeeze %dma_wait3A_244 : memref<1x1x8x2000xf32, #tpu.memory_space<hbm>> -> memref<8x2000xf32, #tpu.memory_space<hbm>>
        tpu.wait_dma2 semaphore(%arg21 : memref<!tpu.dma_semaphore, #tpu.memory_space<semaphore_mem>>) src(%arg11 : memref<8x2000xf32, #tpu.memory_space<vmem>>) dst(%dma_wait3A_245 : memref<8x2000xf32, #tpu.memory_space<hbm>>)
        %dma_wait3A_246 = arith.constant 8 : i32
        %dma_wait3A_247 = arith.constant 0 : i32
        %dma_wait3A_248 = tpu.memref_slice %arg7[%add3A, %add3A_118, %dma_wait3A_246, %dma_wait3A_247] : memref<32x12x32x2000xf32, #tpu.memory_space<hbm>> -> memref<1x1x8x2000xf32, #tpu.memory_space<hbm>>
        %dma_wait3A_249 = tpu.memref_squeeze %dma_wait3A_248 : memref<1x1x8x2000xf32, #tpu.memory_space<hbm>> -> memref<8x2000xf32, #tpu.memory_space<hbm>>
        %dma_wait3A_250 = arith.constant 8 : i32
        %dma_wait3A_251 = arith.constant 0 : i32
        %dma_wait3A_252 = tpu.memref_slice %arg7[%add3A, %add3A_118, %dma_wait3A_250, %dma_wait3A_251] : memref<32x12x32x2000xf32, #tpu.memory_space<hbm>> -> memref<1x1x8x2000xf32, #tpu.memory_space<hbm>>
        %dma_wait3A_253 = tpu.memref_squeeze %dma_wait3A_252 : memref<1x1x8x2000xf32, #tpu.memory_space<hbm>> -> memref<8x2000xf32, #tpu.memory_space<hbm>>
        tpu.wait_dma2 semaphore(%arg22 : memref<!tpu.dma_semaphore, #tpu.memory_space<semaphore_mem>>) src(%arg12 : memref<8x2000xf32, #tpu.memory_space<vmem>>) dst(%dma_wait3A_253 : memref<8x2000xf32, #tpu.memory_space<hbm>>)
        %dma_wait3A_254 = arith.constant 16 : i32
        %dma_wait3A_255 = arith.constant 0 : i32
        %dma_wait3A_256 = tpu.memref_slice %arg7[%add3A, %add3A_118, %dma_wait3A_254, %dma_wait3A_255] : memref<32x12x32x2000xf32, #tpu.memory_space<hbm>> -> memref<1x1x8x2000xf32, #tpu.memory_space<hbm>>
        %dma_wait3A_257 = tpu.memref_squeeze %dma_wait3A_256 : memref<1x1x8x2000xf32, #tpu.memory_space<hbm>> -> memref<8x2000xf32, #tpu.memory_space<hbm>>
        %dma_wait3A_258 = arith.constant 16 : i32
        %dma_wait3A_259 = arith.constant 0 : i32
        %dma_wait3A_260 = tpu.memref_slice %arg7[%add3A, %add3A_118, %dma_wait3A_258, %dma_wait3A_259] : memref<32x12x32x2000xf32, #tpu.memory_space<hbm>> -> memref<1x1x8x2000xf32, #tpu.memory_space<hbm>>
        %dma_wait3A_261 = tpu.memref_squeeze %dma_wait3A_260 : memref<1x1x8x2000xf32, #tpu.memory_space<hbm>> -> memref<8x2000xf32, #tpu.memory_space<hbm>>
        tpu.wait_dma2 semaphore(%arg23 : memref<!tpu.dma_semaphore, #tpu.memory_space<semaphore_mem>>) src(%arg13 : memref<8x2000xf32, #tpu.memory_space<vmem>>) dst(%dma_wait3A_261 : memref<8x2000xf32, #tpu.memory_space<hbm>>)
        %mul3A_262 = arith.constant 8 : i32
        %mul3A_263 = arith.muli %add3A_118, %mul3A_262 : i32
        %dma_wait3A_264 = arith.constant 24 : i32
        %dma_wait3A_265 = arith.constant 0 : i32
        %dma_wait3A_266 = tpu.memref_slice %arg7[%add3A, %add3A_118, %dma_wait3A_264, %dma_wait3A_265] : memref<32x12x32x2000xf32, #tpu.memory_space<hbm>> -> memref<1x1x8x2000xf32, #tpu.memory_space<hbm>>
        %dma_wait3A_267 = tpu.memref_squeeze %dma_wait3A_266 : memref<1x1x8x2000xf32, #tpu.memory_space<hbm>> -> memref<8x2000xf32, #tpu.memory_space<hbm>>
        %dma_wait3A_268 = arith.constant 0 : i32
        %dma_wait3A_269 = tpu.memref_slice %arg10[%mul3A_263, %dma_wait3A_268] : memref<104x2000xf32, #tpu.memory_space<vmem_shared>> -> memref<8x2000xf32, #tpu.memory_space<vmem_shared>>
        tpu.wait_dma2 semaphore(%arg20 : memref<!tpu.dma_semaphore, #tpu.memory_space<semaphore_mem>>) src(%dma_wait3A_269 : memref<8x2000xf32, #tpu.memory_space<vmem_shared>>) dst(%dma_wait3A_267 : memref<8x2000xf32, #tpu.memory_space<hbm>>)
      } else {
      }
      %parallel_loop3A_192 = arith.constant 0 : i32
      %parallel_loop3A_193 = arith.constant 125 : i32
      %parallel_loop3A_194 = arith.constant 1 : i32
      scf.for %parallel_loop3A_238 = %parallel_loop3A_192 to %parallel_loop3A_193 step %parallel_loop3A_194  : i32 {
        %parallel_loop3A_239 = arith.constant 16 : i32
        %parallel_loop3A_240 = arith.muli %parallel_loop3A_238, %parallel_loop3A_239 : i32
        %parallel_loop3A_241 = arith.constant 0 : i32
        %parallel_loop3A_242 = arith.index_cast %parallel_loop3A_241 : i32 to index
        %parallel_loop3A_243 = arith.index_cast %parallel_loop3A_240 : i32 to index
        %parallel_loop3A_244 = tpu.vector_load %arg9[%parallel_loop3A_242, %parallel_loop3A_243] {strides = array<i32>} : memref<4x2000xf32, #tpu.memory_space<vmem>>, vector<16xf32>,
        %parallel_loop3A_245 = arith.mulf %parallel_loop3A_244, %gather3A : vector<16xf32>
        %parallel_loop3A_246 = arith.addf %parallel_loop3A_245, %gather3A_46 : vector<16xf32>
        %parallel_loop3A_247 = arith.constant 16 : i32
        %parallel_loop3A_248 = arith.muli %parallel_loop3A_238, %parallel_loop3A_247 : i32
        %parallel_loop3A_249 = arith.constant 0 : i32
        %parallel_loop3A_250 = arith.index_cast %parallel_loop3A_249 : i32 to index
        %parallel_loop3A_251 = arith.index_cast %parallel_loop3A_248 : i32 to index
        %parallel_loop3A_252 = tpu.vector_load %arg11[%parallel_loop3A_250, %parallel_loop3A_251] {strides = array<i32>} : memref<8x2000xf32, #tpu.memory_space<vmem>>, vector<16xf32>,
        tpu.vector_store %arg11[%parallel_loop3A_250, %parallel_loop3A_251], %parallel_loop3A_246 {strides = array<i32>} : memref<8x2000xf32, #tpu.memory_space<vmem>>, vector<16xf32>,
        %parallel_loop3A_253 = arith.mulf %parallel_loop3A_244, %gather3A_18 : vector<16xf32>
        %parallel_loop3A_254 = arith.addf %parallel_loop3A_253, %gather3A_50 : vector<16xf32>
        %parallel_loop3A_255 = arith.constant 16 : i32
        %parallel_loop3A_256 = arith.muli %parallel_loop3A_238, %parallel_loop3A_255 : i32
        %parallel_loop3A_257 = arith.constant 1 : i32
        %parallel_loop3A_258 = arith.index_cast %parallel_loop3A_257 : i32 to index
        %parallel_loop3A_259 = arith.index_cast %parallel_loop3A_256 : i32 to index
        %parallel_loop3A_260 = tpu.vector_load %arg11[%parallel_loop3A_258, %parallel_loop3A_259] {strides = array<i32>} : memref<8x2000xf32, #tpu.memory_space<vmem>>, vector<16xf32>,
        tpu.vector_store %arg11[%parallel_loop3A_258, %parallel_loop3A_259], %parallel_loop3A_254 {strides = array<i32>} : memref<8x2000xf32, #tpu.memory_space<vmem>>, vector<16xf32>,
        %parallel_loop3A_261 = arith.mulf %parallel_loop3A_244, %gather3A_22 : vector<16xf32>
        %parallel_loop3A_262 = arith.addf %parallel_loop3A_261, %gather3A_54 : vector<16xf32>
        %parallel_loop3A_263 = arith.constant 16 : i32
        %parallel_loop3A_264 = arith.muli %parallel_loop3A_238, %parallel_loop3A_263 : i32
        %parallel_loop3A_265 = arith.constant 2 : i32
        %parallel_loop3A_266 = arith.index_cast %parallel_loop3A_265 : i32 to index
        %parallel_loop3A_267 = arith.index_cast %parallel_loop3A_264 : i32 to index
        %parallel_loop3A_268 = tpu.vector_load %arg11[%parallel_loop3A_266, %parallel_loop3A_267] {strides = array<i32>} : memref<8x2000xf32, #tpu.memory_space<vmem>>, vector<16xf32>,
        tpu.vector_store %arg11[%parallel_loop3A_266, %parallel_loop3A_267], %parallel_loop3A_262 {strides = array<i32>} : memref<8x2000xf32, #tpu.memory_space<vmem>>, vector<16xf32>,
        %parallel_loop3A_269 = arith.mulf %parallel_loop3A_244, %gather3A_26 : vector<16xf32>
        %parallel_loop3A_270 = arith.addf %parallel_loop3A_269, %gather3A_58 : vector<16xf32>
        %parallel_loop3A_271 = arith.constant 16 : i32
        %parallel_loop3A_272 = arith.muli %parallel_loop3A_238, %parallel_loop3A_271 : i32
        %parallel_loop3A_273 = arith.constant 3 : i32
        %parallel_loop3A_274 = arith.index_cast %parallel_loop3A_273 : i32 to index
        %parallel_loop3A_275 = arith.index_cast %parallel_loop3A_272 : i32 to index
        %parallel_loop3A_276 = tpu.vector_load %arg11[%parallel_loop3A_274, %parallel_loop3A_275] {strides = array<i32>} : memref<8x2000xf32, #tpu.memory_space<vmem>>, vector<16xf32>,
        tpu.vector_store %arg11[%parallel_loop3A_274, %parallel_loop3A_275], %parallel_loop3A_270 {strides = array<i32>} : memref<8x2000xf32, #tpu.memory_space<vmem>>, vector<16xf32>,
        %parallel_loop3A_277 = arith.mulf %parallel_loop3A_244, %gather3A_30 : vector<16xf32>
        %parallel_loop3A_278 = arith.addf %parallel_loop3A_277, %gather3A_62 : vector<16xf32>
        %parallel_loop3A_279 = arith.constant 16 : i32
        %parallel_loop3A_280 = arith.muli %parallel_loop3A_238, %parallel_loop3A_279 : i32
        %parallel_loop3A_281 = arith.constant 4 : i32
        %parallel_loop3A_282 = arith.index_cast %parallel_loop3A_281 : i32 to index
        %parallel_loop3A_283 = arith.index_cast %parallel_loop3A_280 : i32 to index
        %parallel_loop3A_284 = tpu.vector_load %arg11[%parallel_loop3A_282, %parallel_loop3A_283] {strides = array<i32>} : memref<8x2000xf32, #tpu.memory_space<vmem>>, vector<16xf32>,
        tpu.vector_store %arg11[%parallel_loop3A_282, %parallel_loop3A_283], %parallel_loop3A_278 {strides = array<i32>} : memref<8x2000xf32, #tpu.memory_space<vmem>>, vector<16xf32>,
        %parallel_loop3A_285 = arith.mulf %parallel_loop3A_244, %gather3A_34 : vector<16xf32>
        %parallel_loop3A_286 = arith.addf %parallel_loop3A_285, %gather3A_66 : vector<16xf32>
        %parallel_loop3A_287 = arith.constant 16 : i32
        %parallel_loop3A_288 = arith.muli %parallel_loop3A_238, %parallel_loop3A_287 : i32
        %parallel_loop3A_289 = arith.constant 5 : i32
        %parallel_loop3A_290 = arith.index_cast %parallel_loop3A_289 : i32 to index
        %parallel_loop3A_291 = arith.index_cast %parallel_loop3A_288 : i32 to index
        %parallel_loop3A_292 = tpu.vector_load %arg11[%parallel_loop3A_290, %parallel_loop3A_291] {strides = array<i32>} : memref<8x2000xf32, #tpu.memory_space<vmem>>, vector<16xf32>,
        tpu.vector_store %arg11[%parallel_loop3A_290, %parallel_loop3A_291], %parallel_loop3A_286 {strides = array<i32>} : memref<8x2000xf32, #tpu.memory_space<vmem>>, vector<16xf32>,
        %parallel_loop3A_293 = arith.mulf %parallel_loop3A_244, %gather3A_38 : vector<16xf32>
        %parallel_loop3A_294 = arith.addf %parallel_loop3A_293, %gather3A_70 : vector<16xf32>
        %parallel_loop3A_295 = arith.constant 16 : i32
        %parallel_loop3A_296 = arith.muli %parallel_loop3A_238, %parallel_loop3A_295 : i32
        %parallel_loop3A_297 = arith.constant 6 : i32
        %parallel_loop3A_298 = arith.index_cast %parallel_loop3A_297 : i32 to index
        %parallel_loop3A_299 = arith.index_cast %parallel_loop3A_296 : i32 to index
        %parallel_loop3A_300 = tpu.vector_load %arg11[%parallel_loop3A_298, %parallel_loop3A_299] {strides = array<i32>} : memref<8x2000xf32, #tpu.memory_space<vmem>>, vector<16xf32>,
        tpu.vector_store %arg11[%parallel_loop3A_298, %parallel_loop3A_299], %parallel_loop3A_294 {strides = array<i32>} : memref<8x2000xf32, #tpu.memory_space<vmem>>, vector<16xf32>,
        %parallel_loop3A_301 = arith.mulf %parallel_loop3A_244, %gather3A_42 : vector<16xf32>
        %parallel_loop3A_302 = arith.addf %parallel_loop3A_301, %gather3A_74 : vector<16xf32>
        %parallel_loop3A_303 = arith.constant 16 : i32
        %parallel_loop3A_304 = arith.muli %parallel_loop3A_238, %parallel_loop3A_303 : i32
        %parallel_loop3A_305 = arith.constant 7 : i32
        %parallel_loop3A_306 = arith.index_cast %parallel_loop3A_305 : i32 to index
        %parallel_loop3A_307 = arith.index_cast %parallel_loop3A_304 : i32 to index
        %parallel_loop3A_308 = tpu.vector_load %arg11[%parallel_loop3A_306, %parallel_loop3A_307] {strides = array<i32>} : memref<8x2000xf32, #tpu.memory_space<vmem>>, vector<16xf32>,
        tpu.vector_store %arg11[%parallel_loop3A_306, %parallel_loop3A_307], %parallel_loop3A_302 {strides = array<i32>} : memref<8x2000xf32, #tpu.memory_space<vmem>>, vector<16xf32>,
      } {sc.loop_unroll_factor = 2 : i64, sc.parallel_access}
      %dma_start3A_195 = arith.constant 0 : i32
      %dma_start3A_196 = arith.constant 0 : i32
      %dma_start3A_197 = tpu.memref_slice %arg7[%add3A, %add3A_118, %dma_start3A_195, %dma_start3A_196] : memref<32x12x32x2000xf32, #tpu.memory_space<hbm>> -> memref<1x1x8x2000xf32, #tpu.memory_space<hbm>>
      %dma_start3A_198 = tpu.memref_squeeze %dma_start3A_197 : memref<1x1x8x2000xf32, #tpu.memory_space<hbm>> -> memref<8x2000xf32, #tpu.memory_space<hbm>>
      %dma_start3A_199 = arith.constant 0 : i32
      %dma_start3A_200 = arith.constant 0 : i32
      %dma_start3A_201 = tpu.memref_slice %arg7[%add3A, %add3A_118, %dma_start3A_199, %dma_start3A_200] : memref<32x12x32x2000xf32, #tpu.memory_space<hbm>> -> memref<1x1x8x2000xf32, #tpu.memory_space<hbm>>
      %dma_start3A_202 = tpu.memref_squeeze %dma_start3A_201 : memref<1x1x8x2000xf32, #tpu.memory_space<hbm>> -> memref<8x2000xf32, #tpu.memory_space<hbm>>
      tpu.enqueue_dma source(%arg11 : memref<8x2000xf32, #tpu.memory_space<vmem>>) target(%dma_start3A_202 : memref<8x2000xf32, #tpu.memory_space<hbm>>) target_semaphore(%arg21 : memref<!tpu.dma_semaphore, #tpu.memory_space<semaphore_mem>>)
      %parallel_loop3A_203 = arith.constant 0 : i32
      %parallel_loop3A_204 = arith.constant 125 : i32
      %parallel_loop3A_205 = arith.constant 1 : i32
      scf.for %parallel_loop3A_238 = %parallel_loop3A_203 to %parallel_loop3A_204 step %parallel_loop3A_205  : i32 {
        %parallel_loop3A_239 = arith.constant 16 : i32
        %parallel_loop3A_240 = arith.muli %parallel_loop3A_238, %parallel_loop3A_239 : i32
        %parallel_loop3A_241 = arith.constant 3 : i32
        %parallel_loop3A_242 = arith.index_cast %parallel_loop3A_241 : i32 to index
        %parallel_loop3A_243 = arith.index_cast %parallel_loop3A_240 : i32 to index
        %parallel_loop3A_244 = tpu.vector_load %arg9[%parallel_loop3A_242, %parallel_loop3A_243] {strides = array<i32>} : memref<4x2000xf32, #tpu.memory_space<vmem>>, vector<16xf32>,
        %parallel_loop3A_245 = arith.constant 2.300000e+01 : f32
        %parallel_loop3A_246 = vector.broadcast %parallel_loop3A_245 : f32 to vector<16xf32>
        %parallel_loop3A_247 = arith.mulf %parallel_loop3A_244, %parallel_loop3A_246 : vector<16xf32>
        %parallel_loop3A_248 = arith.fptosi %parallel_loop3A_247 : vector<16xf32> to vector<16xi32>
        %parallel_loop3A_249 = arith.constant 0 : i32
        %parallel_loop3A_250 = vector.broadcast %parallel_loop3A_249 : i32 to vector<16xi32>
        %parallel_loop3A_251 = arith.addi %broadcast_in_dim3A_11, %parallel_loop3A_250 : vector<16xi32>
        %parallel_loop3A_252 = tpu.vector_load_idx %arg15[%parallel_loop3A_251, %parallel_loop3A_248] : memref<8x24xf32, #tpu.memory_space<vmem>>[vector<16xi32>, vector<16xi32>], vector<16xf32>,
        %parallel_loop3A_253 = arith.constant 16 : i32
        %parallel_loop3A_254 = arith.muli %parallel_loop3A_238, %parallel_loop3A_253 : i32
        %parallel_loop3A_255 = arith.constant 0 : i32
        %parallel_loop3A_256 = arith.index_cast %parallel_loop3A_255 : i32 to index
        %parallel_loop3A_257 = arith.index_cast %parallel_loop3A_254 : i32 to index
        %parallel_loop3A_258 = tpu.vector_load %arg12[%parallel_loop3A_256, %parallel_loop3A_257] {strides = array<i32>} : memref<8x2000xf32, #tpu.memory_space<vmem>>, vector<16xf32>,
        tpu.vector_store %arg12[%parallel_loop3A_256, %parallel_loop3A_257], %parallel_loop3A_252 {strides = array<i32>} : memref<8x2000xf32, #tpu.memory_space<vmem>>, vector<16xf32>,
        %parallel_loop3A_259 = arith.constant 1 : i32
        %parallel_loop3A_260 = vector.broadcast %parallel_loop3A_259 : i32 to vector<16xi32>
        %parallel_loop3A_261 = arith.addi %broadcast_in_dim3A_11, %parallel_loop3A_260 : vector<16xi32>
        %parallel_loop3A_262 = tpu.vector_load_idx %arg15[%parallel_loop3A_261, %parallel_loop3A_248] : memref<8x24xf32, #tpu.memory_space<vmem>>[vector<16xi32>, vector<16xi32>], vector<16xf32>,
        %parallel_loop3A_263 = arith.constant 16 : i32
        %parallel_loop3A_264 = arith.muli %parallel_loop3A_238, %parallel_loop3A_263 : i32
        %parallel_loop3A_265 = arith.constant 1 : i32
        %parallel_loop3A_266 = arith.index_cast %parallel_loop3A_265 : i32 to index
        %parallel_loop3A_267 = arith.index_cast %parallel_loop3A_264 : i32 to index
        %parallel_loop3A_268 = tpu.vector_load %arg12[%parallel_loop3A_266, %parallel_loop3A_267] {strides = array<i32>} : memref<8x2000xf32, #tpu.memory_space<vmem>>, vector<16xf32>,
        tpu.vector_store %arg12[%parallel_loop3A_266, %parallel_loop3A_267], %parallel_loop3A_262 {strides = array<i32>} : memref<8x2000xf32, #tpu.memory_space<vmem>>, vector<16xf32>,
        %parallel_loop3A_269 = arith.constant 2 : i32
        %parallel_loop3A_270 = vector.broadcast %parallel_loop3A_269 : i32 to vector<16xi32>
        %parallel_loop3A_271 = arith.addi %broadcast_in_dim3A_11, %parallel_loop3A_270 : vector<16xi32>
        %parallel_loop3A_272 = tpu.vector_load_idx %arg15[%parallel_loop3A_271, %parallel_loop3A_248] : memref<8x24xf32, #tpu.memory_space<vmem>>[vector<16xi32>, vector<16xi32>], vector<16xf32>,
        %parallel_loop3A_273 = arith.constant 16 : i32
        %parallel_loop3A_274 = arith.muli %parallel_loop3A_238, %parallel_loop3A_273 : i32
        %parallel_loop3A_275 = arith.constant 2 : i32
        %parallel_loop3A_276 = arith.index_cast %parallel_loop3A_275 : i32 to index
        %parallel_loop3A_277 = arith.index_cast %parallel_loop3A_274 : i32 to index
        %parallel_loop3A_278 = tpu.vector_load %arg12[%parallel_loop3A_276, %parallel_loop3A_277] {strides = array<i32>} : memref<8x2000xf32, #tpu.memory_space<vmem>>, vector<16xf32>,
        tpu.vector_store %arg12[%parallel_loop3A_276, %parallel_loop3A_277], %parallel_loop3A_272 {strides = array<i32>} : memref<8x2000xf32, #tpu.memory_space<vmem>>, vector<16xf32>,
        %parallel_loop3A_279 = arith.constant 3 : i32
        %parallel_loop3A_280 = vector.broadcast %parallel_loop3A_279 : i32 to vector<16xi32>
        %parallel_loop3A_281 = arith.addi %broadcast_in_dim3A_11, %parallel_loop3A_280 : vector<16xi32>
        %parallel_loop3A_282 = tpu.vector_load_idx %arg15[%parallel_loop3A_281, %parallel_loop3A_248] : memref<8x24xf32, #tpu.memory_space<vmem>>[vector<16xi32>, vector<16xi32>], vector<16xf32>,
        %parallel_loop3A_283 = arith.constant 16 : i32
        %parallel_loop3A_284 = arith.muli %parallel_loop3A_238, %parallel_loop3A_283 : i32
        %parallel_loop3A_285 = arith.constant 3 : i32
        %parallel_loop3A_286 = arith.index_cast %parallel_loop3A_285 : i32 to index
        %parallel_loop3A_287 = arith.index_cast %parallel_loop3A_284 : i32 to index
        %parallel_loop3A_288 = tpu.vector_load %arg12[%parallel_loop3A_286, %parallel_loop3A_287] {strides = array<i32>} : memref<8x2000xf32, #tpu.memory_space<vmem>>, vector<16xf32>,
        tpu.vector_store %arg12[%parallel_loop3A_286, %parallel_loop3A_287], %parallel_loop3A_282 {strides = array<i32>} : memref<8x2000xf32, #tpu.memory_space<vmem>>, vector<16xf32>,
        %parallel_loop3A_289 = arith.constant 4 : i32
        %parallel_loop3A_290 = vector.broadcast %parallel_loop3A_289 : i32 to vector<16xi32>
        %parallel_loop3A_291 = arith.addi %broadcast_in_dim3A_11, %parallel_loop3A_290 : vector<16xi32>
        %parallel_loop3A_292 = tpu.vector_load_idx %arg15[%parallel_loop3A_291, %parallel_loop3A_248] : memref<8x24xf32, #tpu.memory_space<vmem>>[vector<16xi32>, vector<16xi32>], vector<16xf32>,
        %parallel_loop3A_293 = arith.constant 16 : i32
        %parallel_loop3A_294 = arith.muli %parallel_loop3A_238, %parallel_loop3A_293 : i32
        %parallel_loop3A_295 = arith.constant 4 : i32
        %parallel_loop3A_296 = arith.index_cast %parallel_loop3A_295 : i32 to index
        %parallel_loop3A_297 = arith.index_cast %parallel_loop3A_294 : i32 to index
        %parallel_loop3A_298 = tpu.vector_load %arg12[%parallel_loop3A_296, %parallel_loop3A_297] {strides = array<i32>} : memref<8x2000xf32, #tpu.memory_space<vmem>>, vector<16xf32>,
        tpu.vector_store %arg12[%parallel_loop3A_296, %parallel_loop3A_297], %parallel_loop3A_292 {strides = array<i32>} : memref<8x2000xf32, #tpu.memory_space<vmem>>, vector<16xf32>,
        %parallel_loop3A_299 = arith.constant 5 : i32
        %parallel_loop3A_300 = vector.broadcast %parallel_loop3A_299 : i32 to vector<16xi32>
        %parallel_loop3A_301 = arith.addi %broadcast_in_dim3A_11, %parallel_loop3A_300 : vector<16xi32>
        %parallel_loop3A_302 = tpu.vector_load_idx %arg15[%parallel_loop3A_301, %parallel_loop3A_248] : memref<8x24xf32, #tpu.memory_space<vmem>>[vector<16xi32>, vector<16xi32>], vector<16xf32>,
        %parallel_loop3A_303 = arith.constant 16 : i32
        %parallel_loop3A_304 = arith.muli %parallel_loop3A_238, %parallel_loop3A_303 : i32
        %parallel_loop3A_305 = arith.constant 5 : i32
        %parallel_loop3A_306 = arith.index_cast %parallel_loop3A_305 : i32 to index
        %parallel_loop3A_307 = arith.index_cast %parallel_loop3A_304 : i32 to index
        %parallel_loop3A_308 = tpu.vector_load %arg12[%parallel_loop3A_306, %parallel_loop3A_307] {strides = array<i32>} : memref<8x2000xf32, #tpu.memory_space<vmem>>, vector<16xf32>,
        tpu.vector_store %arg12[%parallel_loop3A_306, %parallel_loop3A_307], %parallel_loop3A_302 {strides = array<i32>} : memref<8x2000xf32, #tpu.memory_space<vmem>>, vector<16xf32>,
        %parallel_loop3A_309 = arith.constant 6 : i32
        %parallel_loop3A_310 = vector.broadcast %parallel_loop3A_309 : i32 to vector<16xi32>
        %parallel_loop3A_311 = arith.addi %broadcast_in_dim3A_11, %parallel_loop3A_310 : vector<16xi32>
        %parallel_loop3A_312 = tpu.vector_load_idx %arg15[%parallel_loop3A_311, %parallel_loop3A_248] : memref<8x24xf32, #tpu.memory_space<vmem>>[vector<16xi32>, vector<16xi32>], vector<16xf32>,
        %parallel_loop3A_313 = arith.constant 16 : i32
        %parallel_loop3A_314 = arith.muli %parallel_loop3A_238, %parallel_loop3A_313 : i32
        %parallel_loop3A_315 = arith.constant 6 : i32
        %parallel_loop3A_316 = arith.index_cast %parallel_loop3A_315 : i32 to index
        %parallel_loop3A_317 = arith.index_cast %parallel_loop3A_314 : i32 to index
        %parallel_loop3A_318 = tpu.vector_load %arg12[%parallel_loop3A_316, %parallel_loop3A_317] {strides = array<i32>} : memref<8x2000xf32, #tpu.memory_space<vmem>>, vector<16xf32>,
        tpu.vector_store %arg12[%parallel_loop3A_316, %parallel_loop3A_317], %parallel_loop3A_312 {strides = array<i32>} : memref<8x2000xf32, #tpu.memory_space<vmem>>, vector<16xf32>,
        %parallel_loop3A_319 = arith.constant 7 : i32
        %parallel_loop3A_320 = vector.broadcast %parallel_loop3A_319 : i32 to vector<16xi32>
        %parallel_loop3A_321 = arith.addi %broadcast_in_dim3A_11, %parallel_loop3A_320 : vector<16xi32>
        %parallel_loop3A_322 = tpu.vector_load_idx %arg15[%parallel_loop3A_321, %parallel_loop3A_248] : memref<8x24xf32, #tpu.memory_space<vmem>>[vector<16xi32>, vector<16xi32>], vector<16xf32>,
        %parallel_loop3A_323 = arith.constant 16 : i32
        %parallel_loop3A_324 = arith.muli %parallel_loop3A_238, %parallel_loop3A_323 : i32
        %parallel_loop3A_325 = arith.constant 7 : i32
        %parallel_loop3A_326 = arith.index_cast %parallel_loop3A_325 : i32 to index
        %parallel_loop3A_327 = arith.index_cast %parallel_loop3A_324 : i32 to index
        %parallel_loop3A_328 = tpu.vector_load %arg12[%parallel_loop3A_326, %parallel_loop3A_327] {strides = array<i32>} : memref<8x2000xf32, #tpu.memory_space<vmem>>, vector<16xf32>,
        tpu.vector_store %arg12[%parallel_loop3A_326, %parallel_loop3A_327], %parallel_loop3A_322 {strides = array<i32>} : memref<8x2000xf32, #tpu.memory_space<vmem>>, vector<16xf32>,
      } {sc.loop_unroll_factor = 2 : i64, sc.parallel_access}
      %dma_start3A_206 = arith.constant 8 : i32
      %dma_start3A_207 = arith.constant 0 : i32
      %dma_start3A_208 = tpu.memref_slice %arg7[%add3A, %add3A_118, %dma_start3A_206, %dma_start3A_207] : memref<32x12x32x2000xf32, #tpu.memory_space<hbm>> -> memref<1x1x8x2000xf32, #tpu.memory_space<hbm>>
      %dma_start3A_209 = tpu.memref_squeeze %dma_start3A_208 : memref<1x1x8x2000xf32, #tpu.memory_space<hbm>> -> memref<8x2000xf32, #tpu.memory_space<hbm>>
      %dma_start3A_210 = arith.constant 8 : i32
      %dma_start3A_211 = arith.constant 0 : i32
      %dma_start3A_212 = tpu.memref_slice %arg7[%add3A, %add3A_118, %dma_start3A_210, %dma_start3A_211] : memref<32x12x32x2000xf32, #tpu.memory_space<hbm>> -> memref<1x1x8x2000xf32, #tpu.memory_space<hbm>>
      %dma_start3A_213 = tpu.memref_squeeze %dma_start3A_212 : memref<1x1x8x2000xf32, #tpu.memory_space<hbm>> -> memref<8x2000xf32, #tpu.memory_space<hbm>>
      tpu.enqueue_dma source(%arg12 : memref<8x2000xf32, #tpu.memory_space<vmem>>) target(%dma_start3A_213 : memref<8x2000xf32, #tpu.memory_space<hbm>>) target_semaphore(%arg22 : memref<!tpu.dma_semaphore, #tpu.memory_space<semaphore_mem>>)
      %parallel_loop3A_214 = arith.constant 0 : i32
      %parallel_loop3A_215 = arith.constant 125 : i32
      %parallel_loop3A_216 = arith.constant 1 : i32
      scf.for %parallel_loop3A_238 = %parallel_loop3A_214 to %parallel_loop3A_215 step %parallel_loop3A_216  : i32 {
        %parallel_loop3A_239 = arith.constant 16 : i32
        %parallel_loop3A_240 = arith.muli %parallel_loop3A_238, %parallel_loop3A_239 : i32
        %parallel_loop3A_241 = arith.constant 2 : i32
        %parallel_loop3A_242 = arith.index_cast %parallel_loop3A_241 : i32 to index
        %parallel_loop3A_243 = arith.index_cast %parallel_loop3A_240 : i32 to index
        %parallel_loop3A_244 = tpu.vector_load %arg9[%parallel_loop3A_242, %parallel_loop3A_243] {strides = array<i32>} : memref<4x2000xf32, #tpu.memory_space<vmem>>, vector<16xf32>,
        %parallel_loop3A_245 = arith.constant 6.000000e+00 : f32
        %parallel_loop3A_246 = vector.broadcast %parallel_loop3A_245 : f32 to vector<16xf32>
        %parallel_loop3A_247 = arith.mulf %parallel_loop3A_244, %parallel_loop3A_246 : vector<16xf32>
        %parallel_loop3A_248 = arith.fptosi %parallel_loop3A_247 : vector<16xf32> to vector<16xi32>
        %parallel_loop3A_249 = arith.constant 0 : i32
        %parallel_loop3A_250 = vector.broadcast %parallel_loop3A_249 : i32 to vector<16xi32>
        %parallel_loop3A_251 = arith.addi %broadcast_in_dim3A_11, %parallel_loop3A_250 : vector<16xi32>
        %parallel_loop3A_252 = tpu.vector_load_idx %arg16[%parallel_loop3A_251, %parallel_loop3A_248] : memref<8x7xf32, #tpu.memory_space<vmem>>[vector<16xi32>, vector<16xi32>], vector<16xf32>,
        %parallel_loop3A_253 = arith.constant 16 : i32
        %parallel_loop3A_254 = arith.muli %parallel_loop3A_238, %parallel_loop3A_253 : i32
        %parallel_loop3A_255 = arith.constant 0 : i32
        %parallel_loop3A_256 = arith.index_cast %parallel_loop3A_255 : i32 to index
        %parallel_loop3A_257 = arith.index_cast %parallel_loop3A_254 : i32 to index
        %parallel_loop3A_258 = tpu.vector_load %arg13[%parallel_loop3A_256, %parallel_loop3A_257] {strides = array<i32>} : memref<8x2000xf32, #tpu.memory_space<vmem>>, vector<16xf32>,
        tpu.vector_store %arg13[%parallel_loop3A_256, %parallel_loop3A_257], %parallel_loop3A_252 {strides = array<i32>} : memref<8x2000xf32, #tpu.memory_space<vmem>>, vector<16xf32>,
        %parallel_loop3A_259 = arith.constant 1 : i32
        %parallel_loop3A_260 = vector.broadcast %parallel_loop3A_259 : i32 to vector<16xi32>
        %parallel_loop3A_261 = arith.addi %broadcast_in_dim3A_11, %parallel_loop3A_260 : vector<16xi32>
        %parallel_loop3A_262 = tpu.vector_load_idx %arg16[%parallel_loop3A_261, %parallel_loop3A_248] : memref<8x7xf32, #tpu.memory_space<vmem>>[vector<16xi32>, vector<16xi32>], vector<16xf32>,
        %parallel_loop3A_263 = arith.constant 16 : i32
        %parallel_loop3A_264 = arith.muli %parallel_loop3A_238, %parallel_loop3A_263 : i32
        %parallel_loop3A_265 = arith.constant 1 : i32
        %parallel_loop3A_266 = arith.index_cast %parallel_loop3A_265 : i32 to index
        %parallel_loop3A_267 = arith.index_cast %parallel_loop3A_264 : i32 to index
        %parallel_loop3A_268 = tpu.vector_load %arg13[%parallel_loop3A_266, %parallel_loop3A_267] {strides = array<i32>} : memref<8x2000xf32, #tpu.memory_space<vmem>>, vector<16xf32>,
        tpu.vector_store %arg13[%parallel_loop3A_266, %parallel_loop3A_267], %parallel_loop3A_262 {strides = array<i32>} : memref<8x2000xf32, #tpu.memory_space<vmem>>, vector<16xf32>,
        %parallel_loop3A_269 = arith.constant 2 : i32
        %parallel_loop3A_270 = vector.broadcast %parallel_loop3A_269 : i32 to vector<16xi32>
        %parallel_loop3A_271 = arith.addi %broadcast_in_dim3A_11, %parallel_loop3A_270 : vector<16xi32>
        %parallel_loop3A_272 = tpu.vector_load_idx %arg16[%parallel_loop3A_271, %parallel_loop3A_248] : memref<8x7xf32, #tpu.memory_space<vmem>>[vector<16xi32>, vector<16xi32>], vector<16xf32>,
        %parallel_loop3A_273 = arith.constant 16 : i32
        %parallel_loop3A_274 = arith.muli %parallel_loop3A_238, %parallel_loop3A_273 : i32
        %parallel_loop3A_275 = arith.constant 2 : i32
        %parallel_loop3A_276 = arith.index_cast %parallel_loop3A_275 : i32 to index
        %parallel_loop3A_277 = arith.index_cast %parallel_loop3A_274 : i32 to index
        %parallel_loop3A_278 = tpu.vector_load %arg13[%parallel_loop3A_276, %parallel_loop3A_277] {strides = array<i32>} : memref<8x2000xf32, #tpu.memory_space<vmem>>, vector<16xf32>,
        tpu.vector_store %arg13[%parallel_loop3A_276, %parallel_loop3A_277], %parallel_loop3A_272 {strides = array<i32>} : memref<8x2000xf32, #tpu.memory_space<vmem>>, vector<16xf32>,
        %parallel_loop3A_279 = arith.constant 3 : i32
        %parallel_loop3A_280 = vector.broadcast %parallel_loop3A_279 : i32 to vector<16xi32>
        %parallel_loop3A_281 = arith.addi %broadcast_in_dim3A_11, %parallel_loop3A_280 : vector<16xi32>
        %parallel_loop3A_282 = tpu.vector_load_idx %arg16[%parallel_loop3A_281, %parallel_loop3A_248] : memref<8x7xf32, #tpu.memory_space<vmem>>[vector<16xi32>, vector<16xi32>], vector<16xf32>,
        %parallel_loop3A_283 = arith.constant 16 : i32
        %parallel_loop3A_284 = arith.muli %parallel_loop3A_238, %parallel_loop3A_283 : i32
        %parallel_loop3A_285 = arith.constant 3 : i32
        %parallel_loop3A_286 = arith.index_cast %parallel_loop3A_285 : i32 to index
        %parallel_loop3A_287 = arith.index_cast %parallel_loop3A_284 : i32 to index
        %parallel_loop3A_288 = tpu.vector_load %arg13[%parallel_loop3A_286, %parallel_loop3A_287] {strides = array<i32>} : memref<8x2000xf32, #tpu.memory_space<vmem>>, vector<16xf32>,
        tpu.vector_store %arg13[%parallel_loop3A_286, %parallel_loop3A_287], %parallel_loop3A_282 {strides = array<i32>} : memref<8x2000xf32, #tpu.memory_space<vmem>>, vector<16xf32>,
        %parallel_loop3A_289 = arith.constant 4 : i32
        %parallel_loop3A_290 = vector.broadcast %parallel_loop3A_289 : i32 to vector<16xi32>
        %parallel_loop3A_291 = arith.addi %broadcast_in_dim3A_11, %parallel_loop3A_290 : vector<16xi32>
        %parallel_loop3A_292 = tpu.vector_load_idx %arg16[%parallel_loop3A_291, %parallel_loop3A_248] : memref<8x7xf32, #tpu.memory_space<vmem>>[vector<16xi32>, vector<16xi32>], vector<16xf32>,
        %parallel_loop3A_293 = arith.constant 16 : i32
        %parallel_loop3A_294 = arith.muli %parallel_loop3A_238, %parallel_loop3A_293 : i32
        %parallel_loop3A_295 = arith.constant 4 : i32
        %parallel_loop3A_296 = arith.index_cast %parallel_loop3A_295 : i32 to index
        %parallel_loop3A_297 = arith.index_cast %parallel_loop3A_294 : i32 to index
        %parallel_loop3A_298 = tpu.vector_load %arg13[%parallel_loop3A_296, %parallel_loop3A_297] {strides = array<i32>} : memref<8x2000xf32, #tpu.memory_space<vmem>>, vector<16xf32>,
        tpu.vector_store %arg13[%parallel_loop3A_296, %parallel_loop3A_297], %parallel_loop3A_292 {strides = array<i32>} : memref<8x2000xf32, #tpu.memory_space<vmem>>, vector<16xf32>,
        %parallel_loop3A_299 = arith.constant 5 : i32
        %parallel_loop3A_300 = vector.broadcast %parallel_loop3A_299 : i32 to vector<16xi32>
        %parallel_loop3A_301 = arith.addi %broadcast_in_dim3A_11, %parallel_loop3A_300 : vector<16xi32>
        %parallel_loop3A_302 = tpu.vector_load_idx %arg16[%parallel_loop3A_301, %parallel_loop3A_248] : memref<8x7xf32, #tpu.memory_space<vmem>>[vector<16xi32>, vector<16xi32>], vector<16xf32>,
        %parallel_loop3A_303 = arith.constant 16 : i32
        %parallel_loop3A_304 = arith.muli %parallel_loop3A_238, %parallel_loop3A_303 : i32
        %parallel_loop3A_305 = arith.constant 5 : i32
        %parallel_loop3A_306 = arith.index_cast %parallel_loop3A_305 : i32 to index
        %parallel_loop3A_307 = arith.index_cast %parallel_loop3A_304 : i32 to index
        %parallel_loop3A_308 = tpu.vector_load %arg13[%parallel_loop3A_306, %parallel_loop3A_307] {strides = array<i32>} : memref<8x2000xf32, #tpu.memory_space<vmem>>, vector<16xf32>,
        tpu.vector_store %arg13[%parallel_loop3A_306, %parallel_loop3A_307], %parallel_loop3A_302 {strides = array<i32>} : memref<8x2000xf32, #tpu.memory_space<vmem>>, vector<16xf32>,
        %parallel_loop3A_309 = arith.constant 6 : i32
        %parallel_loop3A_310 = vector.broadcast %parallel_loop3A_309 : i32 to vector<16xi32>
        %parallel_loop3A_311 = arith.addi %broadcast_in_dim3A_11, %parallel_loop3A_310 : vector<16xi32>
        %parallel_loop3A_312 = tpu.vector_load_idx %arg16[%parallel_loop3A_311, %parallel_loop3A_248] : memref<8x7xf32, #tpu.memory_space<vmem>>[vector<16xi32>, vector<16xi32>], vector<16xf32>,
        %parallel_loop3A_313 = arith.constant 16 : i32
        %parallel_loop3A_314 = arith.muli %parallel_loop3A_238, %parallel_loop3A_313 : i32
        %parallel_loop3A_315 = arith.constant 6 : i32
        %parallel_loop3A_316 = arith.index_cast %parallel_loop3A_315 : i32 to index
        %parallel_loop3A_317 = arith.index_cast %parallel_loop3A_314 : i32 to index
        %parallel_loop3A_318 = tpu.vector_load %arg13[%parallel_loop3A_316, %parallel_loop3A_317] {strides = array<i32>} : memref<8x2000xf32, #tpu.memory_space<vmem>>, vector<16xf32>,
        tpu.vector_store %arg13[%parallel_loop3A_316, %parallel_loop3A_317], %parallel_loop3A_312 {strides = array<i32>} : memref<8x2000xf32, #tpu.memory_space<vmem>>, vector<16xf32>,
        %parallel_loop3A_319 = arith.constant 7 : i32
        %parallel_loop3A_320 = vector.broadcast %parallel_loop3A_319 : i32 to vector<16xi32>
        %parallel_loop3A_321 = arith.addi %broadcast_in_dim3A_11, %parallel_loop3A_320 : vector<16xi32>
        %parallel_loop3A_322 = tpu.vector_load_idx %arg16[%parallel_loop3A_321, %parallel_loop3A_248] : memref<8x7xf32, #tpu.memory_space<vmem>>[vector<16xi32>, vector<16xi32>], vector<16xf32>,
        %parallel_loop3A_323 = arith.constant 16 : i32
        %parallel_loop3A_324 = arith.muli %parallel_loop3A_238, %parallel_loop3A_323 : i32
        %parallel_loop3A_325 = arith.constant 7 : i32
        %parallel_loop3A_326 = arith.index_cast %parallel_loop3A_325 : i32 to index
        %parallel_loop3A_327 = arith.index_cast %parallel_loop3A_324 : i32 to index
        %parallel_loop3A_328 = tpu.vector_load %arg13[%parallel_loop3A_326, %parallel_loop3A_327] {strides = array<i32>} : memref<8x2000xf32, #tpu.memory_space<vmem>>, vector<16xf32>,
        tpu.vector_store %arg13[%parallel_loop3A_326, %parallel_loop3A_327], %parallel_loop3A_322 {strides = array<i32>} : memref<8x2000xf32, #tpu.memory_space<vmem>>, vector<16xf32>,
      } {sc.loop_unroll_factor = 2 : i64, sc.parallel_access}
      %dma_start3A_217 = arith.constant 16 : i32
      %dma_start3A_218 = arith.constant 0 : i32
      %dma_start3A_219 = tpu.memref_slice %arg7[%add3A, %add3A_118, %dma_start3A_217, %dma_start3A_218] : memref<32x12x32x2000xf32, #tpu.memory_space<hbm>> -> memref<1x1x8x2000xf32, #tpu.memory_space<hbm>>
      %dma_start3A_220 = tpu.memref_squeeze %dma_start3A_219 : memref<1x1x8x2000xf32, #tpu.memory_space<hbm>> -> memref<8x2000xf32, #tpu.memory_space<hbm>>
      %dma_start3A_221 = arith.constant 16 : i32
      %dma_start3A_222 = arith.constant 0 : i32
      %dma_start3A_223 = tpu.memref_slice %arg7[%add3A, %add3A_118, %dma_start3A_221, %dma_start3A_222] : memref<32x12x32x2000xf32, #tpu.memory_space<hbm>> -> memref<1x1x8x2000xf32, #tpu.memory_space<hbm>>
      %dma_start3A_224 = tpu.memref_squeeze %dma_start3A_223 : memref<1x1x8x2000xf32, #tpu.memory_space<hbm>> -> memref<8x2000xf32, #tpu.memory_space<hbm>>
      tpu.enqueue_dma source(%arg13 : memref<8x2000xf32, #tpu.memory_space<vmem>>) target(%dma_start3A_224 : memref<8x2000xf32, #tpu.memory_space<hbm>>) target_semaphore(%arg23 : memref<!tpu.dma_semaphore, #tpu.memory_space<semaphore_mem>>)
      %mul3A_225 = arith.constant 8 : i32
      %mul3A_226 = arith.muli %add3A_118, %mul3A_225 : i32
      %dma_start3A_227 = arith.constant 24 : i32
      %dma_start3A_228 = arith.constant 0 : i32
      %dma_start3A_229 = tpu.memref_slice %arg7[%add3A, %add3A_118, %dma_start3A_227, %dma_start3A_228] : memref<32x12x32x2000xf32, #tpu.memory_space<hbm>> -> memref<1x1x8x2000xf32, #tpu.memory_space<hbm>>
      %dma_start3A_230 = tpu.memref_squeeze %dma_start3A_229 : memref<1x1x8x2000xf32, #tpu.memory_space<hbm>> -> memref<8x2000xf32, #tpu.memory_space<hbm>>
      %dma_start3A_231 = arith.constant 0 : i32
      %dma_start3A_232 = tpu.memref_slice %arg10[%mul3A_226, %dma_start3A_231] : memref<104x2000xf32, #tpu.memory_space<vmem_shared>> -> memref<8x2000xf32, #tpu.memory_space<vmem_shared>>
      tpu.enqueue_dma source(%dma_start3A_232 : memref<8x2000xf32, #tpu.memory_space<vmem_shared>>) target(%dma_start3A_230 : memref<8x2000xf32, #tpu.memory_space<hbm>>) target_semaphore(%arg20 : memref<!tpu.dma_semaphore, #tpu.memory_space<semaphore_mem>>)
      %lt3A_233 = arith.constant 5 : i32
      %lt3A_234 = arith.cmpi slt, %scan3A_114, %lt3A_233 : i32
      %convert_element_type3A_235 = arith.extui %lt3A_234 : i1 to i32
      %cond3A_236 = arith.constant 0 : i32
      %cond3A_237 = arith.cmpi ne, %convert_element_type3A_235, %cond3A_236 : i32
      scf.if %cond3A_237 {
        %add3A_238 = arith.constant 1 : i32
        %add3A_239 = arith.addi %add3A_118, %add3A_238 : i32
        %dma_start3A_240 = arith.constant 0 : i32
        %dma_start3A_241 = arith.constant 0 : i32
        %dma_start3A_242 = tpu.memref_slice %arg2[%add3A, %add3A_239, %dma_start3A_240, %dma_start3A_241] : memref<32x12x4x2000xf32, #tpu.memory_space<hbm>> -> memref<1x1x4x2000xf32, #tpu.memory_space<hbm>>
        %dma_start3A_243 = tpu.memref_squeeze %dma_start3A_242 : memref<1x1x4x2000xf32, #tpu.memory_space<hbm>> -> memref<4x2000xf32, #tpu.memory_space<hbm>>
        %dma_start3A_244 = arith.constant 0 : i32
        %dma_start3A_245 = arith.constant 0 : i32
        %dma_start3A_246 = tpu.memref_slice %arg2[%add3A, %add3A_239, %dma_start3A_244, %dma_start3A_245] : memref<32x12x4x2000xf32, #tpu.memory_space<hbm>> -> memref<1x1x4x2000xf32, #tpu.memory_space<hbm>>
        %dma_start3A_247 = tpu.memref_squeeze %dma_start3A_246 : memref<1x1x4x2000xf32, #tpu.memory_space<hbm>> -> memref<4x2000xf32, #tpu.memory_space<hbm>>
        tpu.enqueue_dma source(%dma_start3A_247 : memref<4x2000xf32, #tpu.memory_space<hbm>>) target(%arg8 : memref<4x2000xf32, #tpu.memory_space<vmem>>) target_semaphore(%arg17 : memref<!tpu.dma_semaphore, #tpu.memory_space<semaphore_mem>>)
      } else {
      }
    }
    %scan3A_79 = arith.constant 6 : i32
    %dma_wait3A = arith.constant 11 : i32
    %dma_wait3A_80 = arith.constant 0 : i32
    %dma_wait3A_81 = arith.constant 0 : i32
    %dma_wait3A_82 = tpu.memref_slice %arg7[%add3A, %dma_wait3A, %dma_wait3A_80, %dma_wait3A_81] : memref<32x12x32x2000xf32, #tpu.memory_space<hbm>> -> memref<1x1x8x2000xf32, #tpu.memory_space<hbm>>
    %dma_wait3A_83 = tpu.memref_squeeze %dma_wait3A_82 : memref<1x1x8x2000xf32, #tpu.memory_space<hbm>> -> memref<8x2000xf32, #tpu.memory_space<hbm>>
    %dma_wait3A_84 = arith.constant 0 : i32
    %dma_wait3A_85 = arith.constant 0 : i32
    %dma_wait3A_86 = tpu.memref_slice %arg7[%add3A, %dma_wait3A, %dma_wait3A_84, %dma_wait3A_85] : memref<32x12x32x2000xf32, #tpu.memory_space<hbm>> -> memref<1x1x8x2000xf32, #tpu.memory_space<hbm>>
    %dma_wait3A_87 = tpu.memref_squeeze %dma_wait3A_86 : memref<1x1x8x2000xf32, #tpu.memory_space<hbm>> -> memref<8x2000xf32, #tpu.memory_space<hbm>>
    tpu.wait_dma2 semaphore(%arg21 : memref<!tpu.dma_semaphore, #tpu.memory_space<semaphore_mem>>) src(%arg11 : memref<8x2000xf32, #tpu.memory_space<vmem>>) dst(%dma_wait3A_87 : memref<8x2000xf32, #tpu.memory_space<hbm>>)
    %dma_wait3A_88 = arith.constant 11 : i32
    %dma_wait3A_89 = arith.constant 8 : i32
    %dma_wait3A_90 = arith.constant 0 : i32
    %dma_wait3A_91 = tpu.memref_slice %arg7[%add3A, %dma_wait3A_88, %dma_wait3A_89, %dma_wait3A_90] : memref<32x12x32x2000xf32, #tpu.memory_space<hbm>> -> memref<1x1x8x2000xf32, #tpu.memory_space<hbm>>
    %dma_wait3A_92 = tpu.memref_squeeze %dma_wait3A_91 : memref<1x1x8x2000xf32, #tpu.memory_space<hbm>> -> memref<8x2000xf32, #tpu.memory_space<hbm>>
    %dma_wait3A_93 = arith.constant 8 : i32
    %dma_wait3A_94 = arith.constant 0 : i32
    %dma_wait3A_95 = tpu.memref_slice %arg7[%add3A, %dma_wait3A_88, %dma_wait3A_93, %dma_wait3A_94] : memref<32x12x32x2000xf32, #tpu.memory_space<hbm>> -> memref<1x1x8x2000xf32, #tpu.memory_space<hbm>>
    %dma_wait3A_96 = tpu.memref_squeeze %dma_wait3A_95 : memref<1x1x8x2000xf32, #tpu.memory_space<hbm>> -> memref<8x2000xf32, #tpu.memory_space<hbm>>
    tpu.wait_dma2 semaphore(%arg22 : memref<!tpu.dma_semaphore, #tpu.memory_space<semaphore_mem>>) src(%arg12 : memref<8x2000xf32, #tpu.memory_space<vmem>>) dst(%dma_wait3A_96 : memref<8x2000xf32, #tpu.memory_space<hbm>>)
    %dma_wait3A_97 = arith.constant 11 : i32
    %dma_wait3A_98 = arith.constant 16 : i32
    %dma_wait3A_99 = arith.constant 0 : i32
    %dma_wait3A_100 = tpu.memref_slice %arg7[%add3A, %dma_wait3A_97, %dma_wait3A_98, %dma_wait3A_99] : memref<32x12x32x2000xf32, #tpu.memory_space<hbm>> -> memref<1x1x8x2000xf32, #tpu.memory_space<hbm>>
    %dma_wait3A_101 = tpu.memref_squeeze %dma_wait3A_100 : memref<1x1x8x2000xf32, #tpu.memory_space<hbm>> -> memref<8x2000xf32, #tpu.memory_space<hbm>>
    %dma_wait3A_102 = arith.constant 16 : i32
    %dma_wait3A_103 = arith.constant 0 : i32
    %dma_wait3A_104 = tpu.memref_slice %arg7[%add3A, %dma_wait3A_97, %dma_wait3A_102, %dma_wait3A_103] : memref<32x12x32x2000xf32, #tpu.memory_space<hbm>> -> memref<1x1x8x2000xf32, #tpu.memory_space<hbm>>
    %dma_wait3A_105 = tpu.memref_squeeze %dma_wait3A_104 : memref<1x1x8x2000xf32, #tpu.memory_space<hbm>> -> memref<8x2000xf32, #tpu.memory_space<hbm>>
    tpu.wait_dma2 semaphore(%arg23 : memref<!tpu.dma_semaphore, #tpu.memory_space<semaphore_mem>>) src(%arg13 : memref<8x2000xf32, #tpu.memory_space<vmem>>) dst(%dma_wait3A_105 : memref<8x2000xf32, #tpu.memory_space<hbm>>)
    %dma_wait3A_106 = arith.constant 11 : i32
    %dma_wait3A_107 = arith.constant 24 : i32
    %dma_wait3A_108 = arith.constant 0 : i32
    %dma_wait3A_109 = tpu.memref_slice %arg7[%add3A, %dma_wait3A_106, %dma_wait3A_107, %dma_wait3A_108] : memref<32x12x32x2000xf32, #tpu.memory_space<hbm>> -> memref<1x1x8x2000xf32, #tpu.memory_space<hbm>>
    %dma_wait3A_110 = tpu.memref_squeeze %dma_wait3A_109 : memref<1x1x8x2000xf32, #tpu.memory_space<hbm>> -> memref<8x2000xf32, #tpu.memory_space<hbm>>
    %dma_wait3A_111 = arith.constant 88 : i32
    %dma_wait3A_112 = arith.constant 0 : i32
    %dma_wait3A_113 = tpu.memref_slice %arg10[%dma_wait3A_111, %dma_wait3A_112] : memref<104x2000xf32, #tpu.memory_space<vmem_shared>> -> memref<8x2000xf32, #tpu.memory_space<vmem_shared>>
    tpu.wait_dma2 semaphore(%arg20 : memref<!tpu.dma_semaphore, #tpu.memory_space<semaphore_mem>>) src(%dma_wait3A_113 : memref<8x2000xf32, #tpu.memory_space<vmem_shared>>) dst(%dma_wait3A_110 : memref<8x2000xf32, #tpu.memory_space<hbm>>)
    return
  }
}

</mosaic_0001>

<sc_bundles>
// kernel: _run.3.cloned.1.call-start
scs
__scs_entry_jumppad:
0x0: {  	(pc) =	sbr.rel $0x88, $3  }
0x1: {  	(tag) =	ssettag $0x0;
	lr =	simm.s32 $0x1  }
0x2: {  	[smem:$0x3F9C] =	sst lr;
	_ =	strace $0xD0000000  }
0x3: {  	_ = 	snop  }
0x4: {  	_ = 	snop  }
0x5: {  	_ = 	snop  }
0x6: {  	_ = 	snop  }
0x7: {  	_ = 	snop  }
__scs_overlays_trampoline_lowered:
0x8: {  	[smem:$0x3FAB] =	sst s0  }
0x9: {  	[smem:$0x3FAC] =	sst s1  }
0xa: {  	[smem:$0x3FAD] =	sst s2  }
0xb: {  	[smem:$0x3FAE] =	sst s3  }
0xc: {  	[smem:$0x3FAF] =	sst s4  }
0xd: {  	[smem:$0x3FB0] =	sst s5  }
0xe: {  	[smem:$0x3FB1] =	sst s6  }
0xf: {  	[smem:$0x3FB2] =	sst s7  }
0x10: {  	[smem:$0x3FB3] =	sst s8  }
0x11: {  	[smem:$0x3FB4] =	sst s9;
	s0 =	simm.s32 @!p0 $0x0  }
0x12: {  	s1 =	sld [smem:$0x3F9A];
	s0 =	simm.s32 @p0 $0x1  }
0x13: {  	[smem:$0x3FB5] =	sst s0;
	s0 =	simm.s32 @!p1 $0x0  }
0x14: {  	s2 =	sld [smem:$0x3F99];
	s0 =	simm.s32 @p1 $0x1  }
0x15: {  	[smem:$0x3FB6] =	sst s0;
	s0 =	simm.s32 @!p2 $0x0  }
0x16: {  	s3 =	sld [smem:$0x3FDB];
	s0 =	simm.s32 @p2 $0x1  }
0x17: {  	s4 =	simm.s32 $0x1BF5;
	[smem:$0x3FB8] =	sst s0  }
0x18: {  	s0 =	sld [smem:$0x3F9B];
	_ =	swait.ge [sflag:s4], $0x0  }
0x19: {  	s7 =	sld [smem:$0x3F9C]  }
0x1a: {  	s8 =	sadd.s32 $0xFFFFE003, lr  }
0x1b: {  	s9 =	sadd.s32 $0xFFFFFEF7, lr;
	s5 =	simm.s32 $0xFFFFFFFF;
	p2 =	slt.u32 s8, $0xFFFFF086  }
0x1c: {  	p1 =	slt.u32 s9, $0xF7A;
	s5 =	simm.s32 @!p2 $0x0  }
0x1d: {  	s5 =	simm.s32 @p1 $0x1;
	p0 =	seq.s32 s7, s2  }
0x1e: {  	s7 =	smul.u32 @!p0 $0xF7A, s2;
	p2 =	seq.s32 @!p0 s5, $0x0  }
0x1f: {  	s9 =	smul.u32 $0xF7A, s1;
	s8 =	simm.s32 @!p0 $0x1BF5;
	p2 =	por !p2, p0  }
0x20: {  	[sflag:s8] =	ssyncset.s32 @!p0 $0xFFFFF086;
	s6 =	sadd.s32 @!p0 s3, s7;
	s7 =	simm.s32 @!p0 $0x108  }
0x21: {  	s3 =	sadd.s32 s3, s9;
	s6 =	sadd.s32 @!p0 $0x88, s6;
	s7 =	simm.s32 @p2 $0x1082  }
0x22: {  	[simem:s7], [sflag:s8] =	dma.local @!p0 [hbm:s6], $0xF7A  }
0x23: {  	s9 =	sor.u32 $0xD0000000, s2;
	s6 =	simm.s32 $0x108;
	_ =	swait.ge @!p0 [sflag:s8], $0x0  }
0x24: {  	s3 =	sadd.s32 $0x88, s3;
	s6 =	simm.s32 @!p1 $0x1082;
	[sflag:s4] =	ssyncset.s32 $0xFFFFF086  }
0x25: {  	[simem:s6], [sflag:s4] =	dma.local [hbm:s3], $0xF7A  }
0x26: {  	[smem:$0x3F9C] =	sst s1;
	(tag) =	ssettag s2;
	_ =	strace s9  }
0x27: {  	s1 =	sld [smem:$0x3FAC]  }
0x28: {  	s2 =	sld [smem:$0x3FAD]  }
0x29: {  	s4 =	sld [smem:$0x3FAF]  }
0x2a: {  	p0 =	seq.s32 s5, $0x0;
	s5 =	sld [smem:$0x3FB0]  }
0x2b: {  	s6 =	sld [smem:$0x3FB1]  }
0x2c: {  	s7 =	sld [smem:$0x3FB2]  }
0x2d: {  	s3 =	simm.s32 $0x108;
	s8 =	sld [smem:$0x3FB3]  }
0x2e: {  	s3 =	simm.s32 @!p0 $0x1082;
	s9 =	sld [smem:$0x3FB4]  }
0x2f: {  	lr =	sadd.s32 s0, s3;
	s0 =	sld [smem:$0x3FAB]  }
0x30: {  	s3 =	sld [smem:$0x3FAE]  }
0x31: {  	[smem:$0x3FB7] =	sst s10  }
0x32: {  	s10 =	sld [smem:$0x3FB5];
	_ =	sdelay $0x3  }
0x33: {  	p0 =	seq.s32 s10, $0x1;
	s10 =	sld [smem:$0x3FB7];
	_ =	sdelay $0x3  }
0x34: {  	[smem:$0x3FB7] =	sst s10  }
0x35: {  	s10 =	sld [smem:$0x3FB6];
	_ =	sdelay $0x3  }
0x36: {  	p1 =	seq.s32 s10, $0x1;
	s10 =	sld [smem:$0x3FB7];
	_ =	sdelay $0x3  }
0x37: {  	[smem:$0x3FB7] =	sst s10  }
0x38: {  	s10 =	sld [smem:$0x3FB8]  }
0x39: {  	_ = 	snop;
	(pc) =	sbr.ind lr, $3  }
0x3a: {  	_ = 	snop  }
0x3b: {  	_ = 	snop  }
0x3c: {  	p2 =	seq.s32 s10, $0x1;
	s10 =	sld [smem:$0x3FB7]  }
0x3d: {  	_ =	shalt  }
0x3e: {  	_ =	shalt  }
0x3f: {  	_ =	shalt  }
0x40: {  	_ =	shalt  }
0x41: {  	_ =	shalt  }
0x42: {  	_ =	shalt  }
0x43: {  	_ =	shalt  }
0x44: {  	_ =	shalt  }
0x45: {  	_ =	shalt  }
0x46: {  	_ =	shalt  }
0x47: {  	_ =	shalt  }
0x48: {  	_ =	shalt  }
0x49: {  	_ =	shalt  }
0x4a: {  	_ =	shalt  }
0x4b: {  	_ =	shalt  }
0x4c: {  	_ =	shalt  }
0x4d: {  	_ =	shalt  }
0x4e: {  	_ =	shalt  }
0x4f: {  	_ =	shalt  }
0x50: {  	_ =	shalt  }
0x51: {  	_ =	shalt  }
0x52: {  	_ =	shalt  }
0x53: {  	_ =	shalt  }
0x54: {  	_ =	shalt  }
0x55: {  	_ =	shalt  }
0x56: {  	_ =	shalt  }
0x57: {  	_ =	shalt  }
0x58: {  	_ =	shalt  }
0x59: {  	_ =	shalt  }
0x5a: {  	_ =	shalt  }
0x5b: {  	_ =	shalt  }
0x5c: {  	_ =	shalt  }
0x5d: {  	_ =	shalt  }
0x5e: {  	_ =	shalt  }
0x5f: {  	_ =	shalt  }
0x60: {  	_ =	shalt  }
0x61: {  	_ =	shalt  }
0x62: {  	_ =	shalt  }
0x63: {  	_ =	shalt  }
0x64: {  	_ =	shalt  }
0x65: {  	_ =	shalt  }
0x66: {  	_ =	shalt  }
0x67: {  	_ =	shalt  }
0x68: {  	_ =	shalt  }
0x69: {  	_ =	shalt  }
0x6a: {  	_ =	shalt  }
0x6b: {  	_ =	shalt  }
0x6c: {  	_ =	shalt  }
0x6d: {  	_ =	shalt  }
0x6e: {  	_ =	shalt  }
0x6f: {  	_ =	shalt  }
0x70: {  	_ =	shalt  }
0x71: {  	_ =	shalt  }
0x72: {  	_ =	shalt  }
0x73: {  	_ =	shalt  }
0x74: {  	_ =	shalt  }
0x75: {  	_ =	shalt  }
0x76: {  	_ =	shalt  }
0x77: {  	_ =	shalt  }
0x78: {  	_ =	shalt  }
0x79: {  	_ =	shalt  }
0x7a: {  	_ =	shalt  }
0x7b: {  	_ =	shalt  }
0x7c: {  	_ =	shalt  }
0x7d: {  	_ =	shalt  }
0x7e: {  	_ =	shalt  }
0x7f: {  	_ =	shalt  }
0x80: {  	_ =	shalt  }
0x81: {  	_ =	shalt  }
0x82: {  	_ =	shalt  }
0x83: {  	_ =	shalt  }
0x84: {  	_ =	shalt  }
0x85: {  	_ =	shalt  }
0x86: {  	_ =	shalt  }
0x87: {  	_ =	shalt  }
.Lfunc_end0:
.L_simem_size_0:
called_computation_lowered:
.L_overlay_start_0:
0x88: {  	s2 =	sld [smem:$0x3FD9]  }
0x89: {  	s3 =	sld [smem:$0x3FFE];
	_ =	sdelay $0x1  }
0x8a: {  	s1 =	srdreg.scid  }
0x8b: {  	s0 =	sand.u32 $0x1, s1  }
0x8c: {  	s18 =	sshll.u32 s0, $0xA;
	s2 =	sadd.s32 s3, s2  }
0x8d: {  	s2 =	sadd.s32 s2, s18  }
0x8e: {  	[smem:$0x3FC3] =	sst s2  }
0x8f: {  	_ = 	snop  }
0x90: {  	s2 =	sld [smem:$0x3FC9]  }
0x91: {  	s19 =	sld [smem:$0x3FC8]  }
0x92: {  	s4 =	sld [smem:$0x3FC7]  }
0x93: {  	s5 =	sld [smem:$0x3FC6]  }
0x94: {  	s6 =	sld [smem:$0x3FC5]  }
0x95: {  	s7 =	sld [smem:$0x3FD0];
	(tm) =	ssettm $0x1  }
0x96: {  	s8 =	sld [smem:$0x3FFB];
	_ =	sdelay $0x3  }
0x97: {  	_ =	strace s8  }
0x98: {  	s8 =	sld [smem:$0x3FFC];
	_ =	sdelay $0x3  }
0x99: {  	_ =	strace s8  }
0x9a: {  	s8 =	sld [smem:$0x3FFD];
	_ =	sdelay $0x3  }
0x9b: {  	_ =	strace s8  }
0x9c: {  	_ =	strace $0x8FFFFFFF  }
0x9d: {  	s20 =	sld [smem:$0x3FDB];
	_ =	sdelay $0x1  }
0x9e: {  	s9 =	simm.s32 $_scs_section_size  }
0x9f: {  	s10 =	simm.s32 $_size__tile_overlayer_lowered;
	s11 =	simm.s32 $_tile_overlayer_lowered  }
0xa0: {  	s23 =	simm.s32 $0x1BFF;
	s22 =	sshll.u32 s11, $0x1;
	s8 =	sadd.s32 s9, s20  }
0xa1: {  	s12 =	simm.s32 $0x0;
	s21 =	sshll.u32 s10, $0x1;
	s10 =	sadd.s32 s22, s8  }
0xa2: {  	[timem:s12], [sflag:s23] =	dma.local [hbm:s10], s21  }
0xa3: {  	_ =	swait.ge [sflag:s23], s21  }
0xa4: {  	s9 =	ssub.s32 $0x0, s21;
	[sflag:s23] =	ssyncset.done $0x0  }
0xa5: {  	[sflag:s23] =	ssyncadd.s32 s9;
	_ =	sdelay $0x1  }
0xa6: {  	s24 =	simm.s32 $0x1B8B  }
0xa7: {  	_ =	swait.ge [sflag:s24], $0x1  }
0xa8: {  	[sflag:s24] =	ssyncset.done $0x0  }
0xa9: {  	s25 =	simm.s32 $0x1B8E;
	[sflag:s24] =	ssyncadd.s32 $0xFFFFFFFF  }
0xaa: {  	s26 =	simm.s32 $execute0_lowered;
	[smem:$0x3FD2] =	sst s25  }
0xab: {  	s9 =	sshll.u32 s26, $0x1;
	_ =	strace $0x80000046;
	[dreg:$0x1] =	wrdreg $0xFFFFFFFF  }
0xac: {  	s28 =	simm.s32 $_size_execute0_lowered;
	s8 =	sadd.s32 s8, s9;
	[dreg:$0x0] =	wrdreg $0x0  }
0xad: {  	s9 =	sshll.u32 s28, $0x1;
	[dreg:$0x2] =	wrdreg s8  }
0xae: {  	[dreg:$0x3] =	wrdreg s9  }
0xaf: {  	[dreg:$0x4] =	wrdreg $0xC0  }
0xb0: {  	_ =	task [dreg:s12], $0x5FFFF  }
0xb1: {  	[dreg:$0x1] =	wrdreg $0xFFFFFFFF  }
0xb2: {  	[dreg:$0x0] =	wrdreg $0x60  }
0xb3: {  	[dreg:$0x2] =	wrdreg s2  }
0xb4: {  	[dreg:$0x3] =	wrdreg s19  }
0xb5: {  	[dreg:$0x4] =	wrdreg s4  }
0xb6: {  	[dreg:$0x5] =	wrdreg s5  }
0xb7: {  	[dreg:$0x6] =	wrdreg s6  }
0xb8: {  	[dreg:$0x7] =	wrdreg s7  }
0xb9: {  	[dreg:$0x8] =	wrdreg $0x40000  }
0xba: {  	[dreg:$0x9] =	wrdreg $0x9  }
0xbb: {  	_ =	task.clear_ibuf [dreg:s12], $0xAFFFF;
	_ =	strace $0x90000046  }
0xbc: {  	s29 =	simm.s32 $0x9;
	_ =	strace $0x80000048  }
0xbd: {  	_ =	swait.ge [sflag:s29], $0x1  }
0xbe: {  	[sflag:s29] =	ssyncadd.s32 $0xFFFFFFFF  }
0xbf: {  	_ =	strace $0x90000048  }
0xc0: {  	_ =	sfence  }
0xc1: {  	s30 =	sld [smem:$0x0];
	_ =	sdelay $0x2  }
0xc2: {  	s31 =	sshll.u32 s1, $0xD;
	s1 =	sshrl.u32 s1, $0x2  }
0xc3: {  	s3 =	sand.u32 $0x4000, s31;
	s1 =	sadd.s32 s1, s30  }
0xc4: {  	s0 =	sor.u32 s3, s0;
	s1 =	sshll.u32 s1, $0x11  }
0xc5: {  	s0 =	sor.u32 s1, s0  }
0xc6: {  	s0 =	sadd.s32 $0x8F2B, s0  }
0xc7: {  	[sflag:s0] =	ssyncadd.remote.s32 $0x1  }
0xc8: {  	_ =	sfence.sel $0xFFFF  }
0xc9: {  	[dreg:$0x0] =	wrdreg $0xFFFFFFFF;
	(pc) =	sbr.abs _section_cstart, $3  }
0xca: {  	[dreg:$0x1] =	wrdreg $0xFFFFFFFF  }
0xcb: {  	_ =	task.clear_ibuf [dreg:s12], $0x2FFFF;
	_ =	strace $0x9FFFFFFF  }
0xcc: {  	(tm) =	ssettm $0x7FFFFFFF  }
0xcd: {  	_ =	shalt  }
tec
execute0_lowered:
.L_overlay_start_1:
0x0: {  	(tag) =	ssettag $0x1  }
0x1: {  	s4 =	rddreg [dreg:$0x0]  }
0x2: {  	s0 =	rddreg [dreg:$0x4]  }
0x3: {  	s6 =	rddreg [dreg:$0x5];
	s1 =	srdreg.scid  }
0x4: {  	s5 =	stileid.u32;
	s7 =	rddreg [dreg:$0x6]  }
0x5: {  	s8 =	simm.s32 $0x0;
	s22 =	simm.s32 $0x13348;
	s23 =	simm.s32 $0x13748  }
0x6: {  	s30 =	simm.s32 $0x2;
	s31 =	simm.s32 $0x5;
	s1 =	sand.u32 $0x1, s1  }
0x7: {  	s2 =	sshll.u32 s5, $0x1;
	[smem:$0x7FF] =	sst s8;
	s26 =	sshll.u32 s5, $0xB  }
0x8: {  	s28 =	sshll.u32 s5, $0xE;
	s13 =	sadd.s32 $0x800, s6;
	s14 =	sadd.s32 $0x1000, s6  }
0x9: {  	p0 =	sgt.u32 s5, $0xB;
	s15 =	sadd.s32 $0x1800, s6;
	s2 =	sor.u32 s1, s2  }
0xa: {  	s1 =	ssub.s32 $0x2, s1;
	_ =	strace $0x80000047;
	s0 =	sadd.s32 s0, s26  }
0xb: {  	s9 =	smul.u32 $0x18000, s2;
	s3 =	sshrl.u32 s1, $0x1;
	[dreg:$0xa] =	wrdreg s0  }
0xc: {  	s0 =	sadd.s32 s28, s7;
	s12 =	smul.u32 $0xC0000, s2;
	s2 =	sshll.u32 @!p0 s5, $0x6  }
0xd: {  	v0 =	vimm.s32 $0x8;
	s1 =	ssub.s32 s1, s3;
	s0 =	sshrl.u32 @!p0 s0, $0x3;
	[dreg:$0x8] =	wrdreg s9  }
.Ltmp0:
0xe: {  	v1 =	vimm.s32 $0x9;
	v2 =	vimm.s32 $0xA;
	v3 =	vimm.s32 $0xB;
	s29 =	sor.u32 $0x4000, s9;
	[dreg:$0xe] =	wrdreg s0;
	(pc) =	sbr.rel .LBB2_1-.Ltmp0, $4  }
0xf: {  	v4 =	vimm.s32 $0xC;
	v5 =	vimm.s32 $0xD;
	v6 =	vimm.s32 $0xE;
	s25 =	sshrl.u32 s9, $0x3;
	s1 =	smax.u32 s1, $0x1;
	[dreg:$0xb] =	wrdreg s29  }
0x10: {  	v7 =	vimm.s32 $0xF;
	v8 =	vimm.s32 $0x10;
	v9 =	vimm.s32 $0x11;
	s5 =	simm.s32 $0x6;
	s3 =	sadd.s32 s4, s25;
	[dreg:$0xc] =	wrdreg s1  }
0x11: {  	v10 =	vimm.s32 $0x12;
	v11 =	vimm.s32 $0x13;
	v12 =	vimm.s32 $0x14;
	s1 =	sor.u32 @!p0 $0x1C03, s2;
	s2 =	simm.s32 $0x4;
	[dreg:$0x9] =	wrdreg s3  }
0x12: {  	v13 =	vimm.s32 $0x15;
	v14 =	vimm.s32 $0x16;
	v15 =	vimm.s32 $0x17;
	[dreg:$0xd] =	wrdreg s1;
	s1 =	simm.s32 $0x7;
	s3 =	simm.s32 $0x0  }
.LBB2_16:
0x13: {  	_ =	swait.ge [sflag:s31], $0x4000  }
0x14: {  	[sflag:s31] =	ssyncset.done $0x0  }
0x15: {  	[sflag:s31] =	ssyncadd.s32 $0xFFFFC000  }
0x16: {  	_ =	swait.ge [sflag:s5], $0x4000  }
0x17: {  	[sflag:s5] =	ssyncset.done $0x0  }
0x18: {  	[sflag:s5] =	ssyncadd.s32 $0xFFFFC000  }
0x19: {  	_ =	swait.ge [sflag:s1], $0x4000  }
0x1a: {  	[sflag:s1] =	ssyncset.done $0x0  }
0x1b: {  	[sflag:s1] =	ssyncadd.s32 $0xFFFFC000  }
0x1c: {  	_ =	swait.ge [sflag:s2], $0x800  }
0x1d: {  	s3 =	rddreg [dreg:$0xf]  }
0x1e: {  	s0 =	rddreg [dreg:$0xc];
	s3 =	sadd.s32 $0x1, s3  }
0x1f: {  	p1 =	sne.s32 s3, s0  }
.Ltmp1:
0x20: {  	_ = 	snop;
	(pc) =	sbr.rel @!p1 .LBB2_17-.Ltmp1, $3  }
0x21: {  	_ =	sdelay $0x1  }
0x22: {  	[sflag:s2] =	ssyncset.done $0x0  }
0x23: {  	[sflag:s2] =	ssyncadd.s32 $0xFFFFF800  }
.LBB2_1:
0x24: {  	[dreg:$0xf] =	wrdreg s3  }
0x25: {  	s0 =	rddreg [dreg:$0x9]  }
0x26: {  	s3 =	rddreg [dreg:$0xd]  }
0x27: {  	s4 =	rddreg [dreg:$0xe]  }
0x28: {  	[tilespmem:s8], [sflag:$0x1] =	stream.linear.gather [hbm4b:s0+s8], $0x2000, $0x38;
	[tilespmem:$0x13B48] =	vst v63  }
0x29: {  	s0 =	rddreg [dreg:$0xa]  }
0x2a: {  	[spmem:s4], [sflag:s3] =	dma.local @!p0 [hbm:s0], $0x800  }
0x2b: {  	s0 =	simm.s32 @!p0 $0x3  }
0x2c: {  	_ =	swait.ge @!p0 [sflag:s0], $0x800  }
0x2d: {  	[sflag:s0] =	ssyncset.done @!p0 $0x0  }
0x2e: {  	[sflag:s0] =	ssyncadd.s32 @!p0 $0xFFFFF800  }
0x2f: {  	s25 =	simm.s32 $0x132C8;
	s26 =	simm.s32 $0x8;
	s0 =	rddreg [dreg:$0x1]  }
0x30: {  	[tilespmem:s25], [sflag:$0x8] =	stream.linear.gather [hbm4b:s0+s8], $0x80, $0x38;
	[tilespmem:$0x13B48] =	vst v63  }
0x31: {  	_ =	swait.ge [sflag:s26], $0x80  }
0x32: {  	[sflag:s26] =	ssyncset.done $0x0  }
0x33: {  	[sflag:s26] =	ssyncadd.s32 $0xFFFFFF80  }
0x34: {  	s28 =	rddreg [dreg:$0x2]  }
0x35: {  	[tilespmem:s22], [sflag:$0x8] =	stream.linear.gather [hbm4b:s28+s8], $0x400, $0x38;
	[tilespmem:$0x13B48] =	vst v63  }
0x36: {  	_ =	swait.ge [sflag:s26], $0x400  }
0x37: {  	[sflag:s26] =	ssyncset.done $0x0  }
0x38: {  	[sflag:s26] =	ssyncadd.s32 $0xFFFFFC00  }
0x39: {  	s29 =	rddreg [dreg:$0x3]  }
0x3a: {  	[tilespmem:s23], [sflag:$0x8] =	stream.linear.gather [hbm4b:s29+s8], $0x400, $0x38;
	[tilespmem:$0x13B48] =	vst v63  }
0x3b: {  	_ =	swait.ge [sflag:s26], $0x400  }
0x3c: {  	[sflag:s26] =	ssyncset.done $0x0  }
0x3d: {  	[sflag:s26] =	ssyncadd.s32 $0xFFFFFC00  }
0x3e: {  	[bflag:$0x0] =	sbarrier.arrive $0xFFFF  }
0x3f: {  	v16 =	vld.idx.msk [tilespmem:v0+s25+$0x0], $0xffff  }
0x40: {  	v17 =	vld.idx.msk [tilespmem:v1+s25+$0x0], $0xffff  }
0x41: {  	v18 =	vld.idx.msk [tilespmem:v2+s25+$0x0], $0xffff  }
0x42: {  	v19 =	vld.idx.msk [tilespmem:v3+s25+$0x0], $0xffff  }
0x43: {  	v20 =	vld.idx.msk [tilespmem:v4+s25+$0x0], $0xffff  }
0x44: {  	v21 =	vld.idx.msk [tilespmem:v5+s25+$0x0], $0xffff  }
0x45: {  	v22 =	vld.idx.msk [tilespmem:v6+s25+$0x0], $0xffff  }
0x46: {  	v24 =	vld.idx.msk [tilespmem:v8+s25+$0x0], $0xffff  }
0x47: {  	v25 =	vld.idx.msk [tilespmem:v9+s25+$0x0], $0xffff  }
0x48: {  	v27 =	vld.idx.msk [tilespmem:v11+s25+$0x0], $0xffff  }
0x49: {  	v28 =	vld.idx.msk [tilespmem:v12+s25+$0x0], $0xffff  }
0x4a: {  	v29 =	vld.idx.msk [tilespmem:v13+s25+$0x0], $0xffff  }
0x4b: {  	v30 =	vld.idx.msk [tilespmem:v14+s25+$0x0], $0xffff  }
0x4c: {  	v31 =	vld.idx.msk [tilespmem:v15+s25+$0x0], $0xffff  }
0x4d: {  	v26 =	vld.idx.msk [tilespmem:v10+s25+$0x0], $0xffff  }
0x4e: {  	s10 =	simm.s32 $0x0;
	v23 =	vld.idx.msk [tilespmem:v7+s25+$0x0], $0xffff  }
.LBB2_2:
0x4f: {  	s0 =	simm.s32 $0x1  }
0x50: {  	_ =	swait.ge [sflag:s0], $0x2000  }
0x51: {  	p1 =	seq.s32 s10, $0x0;
	[sflag:s0] =	ssyncset.done $0x0  }
0x52: {  	[sflag:s0] =	ssyncadd.s32 $0xFFFFE000;
	s0 =	simm.s32 @!p1 $0x5  }
0x53: {  	_ =	swait.ge @!p1 [sflag:s0], $0x4000  }
0x54: {  	[sflag:s0] =	ssyncset.done @!p1 $0x0  }
0x55: {  	[sflag:s0] =	ssyncadd.s32 @!p1 $0xFFFFC000;
	s0 =	simm.s32 @!p1 $0x6  }
0x56: {  	_ =	swait.ge @!p1 [sflag:s0], $0x4000  }
0x57: {  	[sflag:s0] =	ssyncset.done @!p1 $0x0  }
0x58: {  	[sflag:s0] =	ssyncadd.s32 @!p1 $0xFFFFC000;
	s0 =	simm.s32 @!p1 $0x7  }
0x59: {  	_ =	swait.ge @!p1 [sflag:s0], $0x4000  }
0x5a: {  	[sflag:s0] =	ssyncset.done @!p1 $0x0  }
0x5b: {  	s3 =	simm.s32 $0x0;
	[sflag:s0] =	ssyncadd.s32 @!p1 $0xFFFFC000;
	s0 =	simm.s32 @!p1 $0x4  }
0x5c: {  	s6 =	simm.s32 $0x0;
	s4 =	sand.u32 $0x60, s3;
	_ =	swait.ge @!p1 [sflag:s0], $0x800  }
0x5d: {  	s6 =	sand.u32 $0x3FFFFE00, s6;
	s7 =	sor.u32 $0x10, s4;
	[sflag:s0] =	ssyncset.done @!p1 $0x0  }
0x5e: {  	s26 =	sor.u32 s7, s6;
	[sflag:s0] =	ssyncadd.s32 @!p1 $0xFFFFF800  }
0x5f: {  	s6 =	sor.u32 s4, s6;
	v32 =	vld [tilespmem:s26+$0x0]  }
0x60: {  	v35 =	vld [tilespmem:s6+$0x0];
	_ =	sdelay $0x3  }
0x61: {  	s28 =	simm.s32 $0x0;
	v33 =	vmul.f32 v32, v16;
	v34 =	vmul.f32 v32, v23  }
0x62: {  	s0 =	sand.u32 $0x3FFFFC00, s28;
	v36 =	vmul.f32 v35, v16;
	v37 =	vmul.f32 v35, v17  }
0x63: {  	s29 =	sadd.s32 $0x72C8, s0;
	v39 =	vmul.f32 v35, v18;
	v43 =	vmul.f32 v35, v19;
	v42 =	vadd.f32 v34, v31  }
0x64: {  	s0 =	sadd.s32 s7, s29;
	v41 =	vmul.f32 v35, v20;
	v40 =	vmul.f32 v35, v22;
	v36 =	vadd.f32 v36, v24  }
0x65: {  	s6 =	sadd.s32 s4, s29;
	v38 =	vmul.f32 v35, v23;
	v34 =	vmul.f32 v35, v21;
	v44 =	vadd.f32 v37, v25;
	[tilespmem:s0+$0x380] =	vst v42  }
0x66: {  	v37 =	vmul.f32 v32, v17;
	v35 =	vmul.f32 v32, v18;
	[tilespmem:s6+$0x0] =	vst v36;
	v42 =	vadd.f32 v39, v26  }
0x67: {  	s11 =	sshllo.u32 s10, $0x1;
	s4 =	simm.s32 $0x0;
	v43 =	vadd.f32 v43, v27;
	[tilespmem:s6+$0x80] =	vst v44;
	v39 =	vmul.f32 v32, v19;
	v36 =	vmul.f32 v32, v20  }
.LBB2_3:
0x68: {  	s4 =	sadd.s32 $0x2, s4;
	[tilespmem:s6+$0x100] =	vst v42;
	v41 =	vadd.f32 v41, v28;
	v42 =	vmul.f32 v32, v21;
	v44 =	vmul.f32 v32, v22;
	s3 =	sadd.s32 $0x20, s3  }
0x69: {  	v32 =	vadd.f32 v34, v29;
	v34 =	vadd.f32 v40, v30;
	s7 =	sand.u32 $0x60, s3;
	s9 =	sshll.u32 s4, $0x6;
	p1 =	slt.u32 s4, $0x7A;
	[tilespmem:s6+$0x180] =	vst v43  }
0x6a: {  	v38 =	vadd.f32 v38, v31;
	v33 =	vadd.f32 v33, v24;
	s9 =	sand.u32 $0x3FFFFE00, s9;
	s16 =	sor.u32 $0x10, s7;
	[tilespmem:s6+$0x200] =	vst v41  }
0x6b: {  	v37 =	vadd.f32 v37, v25;
	v35 =	vadd.f32 v35, v26;
	s17 =	sor.u32 s7, s9;
	s9 =	sor.u32 s16, s9;
	[tilespmem:s6+$0x280] =	vst v32  }
0x6c: {  	v36 =	vadd.f32 v36, v28;
	v32 =	vld [tilespmem:s9+$0x0];
	[tilespmem:s6+$0x300] =	vst v34;
	v34 =	vadd.f32 v39, v27  }
0x6d: {  	v40 =	vadd.f32 v44, v30;
	v39 =	vld [tilespmem:s17+$0x0];
	[tilespmem:s6+$0x380] =	vst v38;
	v38 =	vadd.f32 v42, v29  }
0x6e: {  	[tilespmem:s0+$0x0] =	vst v33  }
0x6f: {  	[tilespmem:s0+$0x80] =	vst v37  }
0x70: {  	[tilespmem:s0+$0x100] =	vst v35  }
0x71: {  	s6 =	sshll.u32 s4, $0x7;
	v33 =	vmul.f32 v32, v16;
	v35 =	vmul.f32 v32, v23;
	[tilespmem:s0+$0x180] =	vst v34  }
0x72: {  	s6 =	sand.u32 $0x3FFFFC00, s6;
	v34 =	vmul.f32 v39, v16;
	v37 =	vmul.f32 v39, v17;
	[tilespmem:s0+$0x200] =	vst v36  }
.Ltmp2:
0x73: {  	s9 =	sadd.s32 $0x72C8, s6;
	v36 =	vmul.f32 v39, v18;
	v43 =	vmul.f32 v39, v19;
	v35 =	vadd.f32 v35, v31;
	[tilespmem:s0+$0x280] =	vst v38;
	(pc) =	sbr.rel @p1 .LBB2_3-.Ltmp2, $4  }
0x74: {  	s6 =	sadd.s32 s7, s9;
	v41 =	vmul.f32 v39, v20;
	v42 =	vadd.f32 v34, v24;
	v34 =	vmul.f32 v39, v21;
	[tilespmem:s0+$0x300] =	vst v40;
	s0 =	sadd.s32 s16, s9  }
0x75: {  	v38 =	vmul.f32 v39, v23;
	v44 =	vadd.f32 v37, v25;
	v40 =	vmul.f32 v39, v22;
	[tilespmem:s0+$0x380] =	vst v35  }
0x76: {  	v37 =	vmul.f32 v32, v17;
	v35 =	vmul.f32 v32, v18;
	[tilespmem:s6+$0x0] =	vst v42;
	v42 =	vadd.f32 v36, v26  }
0x77: {  	v43 =	vadd.f32 v43, v27;
	v39 =	vmul.f32 v32, v19;
	v36 =	vmul.f32 v32, v20;
	[tilespmem:s6+$0x80] =	vst v44  }
0x78: {  	[tilespmem:s6+$0x100] =	vst v42;
	v41 =	vadd.f32 v41, v28  }
0x79: {  	v34 =	vadd.f32 v34, v29;
	[tilespmem:s6+$0x180] =	vst v43  }
0x7a: {  	v40 =	vadd.f32 v40, v30;
	[tilespmem:s6+$0x200] =	vst v41  }
0x7b: {  	v38 =	vadd.f32 v38, v31;
	[tilespmem:s6+$0x280] =	vst v34  }
0x7c: {  	v33 =	vadd.f32 v33, v24;
	[tilespmem:s6+$0x300] =	vst v40  }
0x7d: {  	v55 =	vadd.f32 v37, v25;
	[tilespmem:s6+$0x380] =	vst v38  }
0x7e: {  	v35 =	vadd.f32 v35, v26;
	[tilespmem:s0+$0x0] =	vst v33  }
0x7f: {  	v56 =	vmul.f32 v32, v21;
	v57 =	vadd.f32 v39, v27;
	[tilespmem:s0+$0x80] =	vst v55  }
0x80: {  	v58 =	vmul.f32 v32, v22;
	v59 =	vadd.f32 v36, v28;
	[tilespmem:s0+$0x100] =	vst v35  }
0x81: {  	v33 =	vadd.f32 v56, v29;
	[tilespmem:s0+$0x180] =	vst v57  }
0x82: {  	v32 =	vadd.f32 v58, v30;
	[tilespmem:s0+$0x200] =	vst v59  }
0x83: {  	[tilespmem:s0+$0x280] =	vst v33  }
0x84: {  	[tilespmem:s0+$0x300] =	vst v32  }
0x85: {  	v32 =	vld [tilespmem:$0x1E40];
	_ =	sdelay $0x4  }
0x86: {  	v60 =	vmul.f32 v32, v16  }
0x87: {  	v61 =	vmul.f32 v32, v17  }
0x88: {  	v62 =	vmul.f32 v32, v18;
	v33 =	vadd.f32 v60, v24  }
0x89: {  	v63 =	vmul.f32 v32, v19;
	v34 =	vadd.f32 v61, v25  }
0x8a: {  	v41 =	vmul.f32 v32, v20;
	v40 =	vadd.f32 v62, v26;
	[tilespmem:$0xAF08] =	vst v33  }
0x8b: {  	v43 =	vmul.f32 v32, v21;
	v42 =	vadd.f32 v63, v27;
	[tilespmem:$0xAF88] =	vst v34  }
0x8c: {  	v45 =	vmul.f32 v32, v22;
	v44 =	vadd.f32 v41, v28;
	[tilespmem:$0xB008] =	vst v40  }
0x8d: {  	v32 =	vmul.f32 v32, v23;
	v46 =	vadd.f32 v43, v29;
	[tilespmem:$0xB088] =	vst v42  }
0x8e: {  	s17 =	sshll.u32 s10, $0x11;
	v47 =	vadd.f32 v45, v30;
	[tilespmem:$0xB108] =	vst v44  }
0x8f: {  	s16 =	rddreg [dreg:$0x5];
	s9 =	sadd.s32 s12, s17;
	v32 =	vadd.f32 v32, v31;
	[tilespmem:$0xB188] =	vst v46  }
0x90: {  	s3 =	simm.s32 $0x0;
	s4 =	simm.s32 $0x72C8;
	s18 =	sshrl.u32 s9, $0x3;
	[tilespmem:$0xB208] =	vst v47  }
0x91: {  	s20 =	simm.s32 $0x0;
	s19 =	sand.u32 $0x60, s3;
	s0 =	sadd.s32 s16, s18;
	[tilespmem:$0xB288] =	vst v32  }
0x92: {  	[hbm4b:s0+s3] =	stream.linear.scatter [tilespmem:s4], [sflag:$0x5], $0x4000, $0x38;
	[tilespmem:$0x13B48] =	vst v63  }
0x93: {  	s21 =	sor.u32 $0x10, s19;
	s3 =	sand.u32 $0x3FFFFE00, s20  }
0x94: {  	s24 =	sor.u32 s21, s3  }
0x95: {  	v32 =	vld [tilespmem:s24+$0x180];
	_ =	sdelay $0x3  }
0x96: {  	s3 =	sor.u32 s19, s3  }
0x97: {  	s25 =	simm.s32 $0x20;
	v48 =	vld [tilespmem:s3+$0x180];
	v32 =	vmul.f32 $2.300000000e+01, v32  }
0x98: {  	s28 =	simm.s32 $0x80;
	s26 =	sand.u32 $0x60, s25  }
0x99: {  	s7 =	sor.u32 $0x10, s26;
	s3 =	sand.u32 $0x3FFFFE00, s28;
	v32 =	vtrunc.f32 v32  }
0x9a: {  	s16 =	sor.u32 s7, s3;
	v33 =	vcvt.f32.s32 v32  }
0x9b: {  	v37 =	vld [tilespmem:s16+$0x180]  }
0x9c: {  	v32 =	vmul.f32 $2.300000000e+01, v48;
	_ =	sdelay $0x1  }
0x9d: {  	s3 =	sor.u32 s26, s3;
	v32 =	vtrunc.f32 v32  }
0x9e: {  	v51 =	vld [tilespmem:s3+$0x180];
	v34 =	vcvt.f32.s32 v32  }
0x9f: {  	v52 =	vmul.f32 $2.300000000e+01, v37;
	v49 =	vld.idx.msk [tilespmem:v33+s22+$0x0], $0xffff  }
0xa0: {  	s9 =	simm.s32 $0x0;
	v50 =	vadd.s32 $0x80, v33  }
0xa1: {  	s9 =	sand.u32 $0x3FFFFC00, s9;
	v35 =	vtrunc.f32 v52  }
0xa2: {  	s9 =	sadd.s32 $0xB2C8, s9;
	v35 =	vcvt.f32.s32 v35  }
0xa3: {  	s16 =	sadd.s32 s21, s9;
	s3 =	simm.s32 $0x40;
	v32 =	vmul.f32 $2.300000000e+01, v51  }
0xa4: {  	s4 =	simm.s32 $0x100;
	s0 =	sand.u32 $0x60, s3;
	v54 =	vld.idx.msk [tilespmem:v34+s22+$0x0], $0xffff;
	[tilespmem:s16+$0x0] =	vst v49  }
0xa5: {  	s3 =	sand.u32 $0x3FFFFE00, s4;
	s8 =	sor.u32 $0x10, s0;
	v55 =	vadd.s32 $0x80, v34;
	v32 =	vtrunc.f32 v32;
	v38 =	vld.idx.msk [tilespmem:v50+s22+$0x0], $0xffff  }
0xa6: {  	s20 =	sor.u32 s8, s3;
	v53 =	vadd.s32 $0x100, v33;
	v36 =	vcvt.f32.s32 v32  }
0xa7: {  	v42 =	vld [tilespmem:s20+$0x180]  }
0xa8: {  	s19 =	sadd.s32 s19, s9;
	s3 =	sor.u32 s0, s3;
	v59 =	vld.idx.msk [tilespmem:v35+s22+$0x0], $0xffff  }
0xa9: {  	s21 =	simm.s32 $0x100;
	v44 =	vld [tilespmem:s3+$0x180];
	v61 =	vadd.s32 $0x80, v35;
	[tilespmem:s19+$0x0] =	vst v54  }
0xaa: {  	s9 =	sand.u32 $0x3FFFFC00, s21;
	v58 =	vld.idx.msk [tilespmem:v55+s22+$0x0], $0xffff;
	[tilespmem:s16+$0x80] =	vst v38  }
0xab: {  	s9 =	sadd.s32 $0xB2C8, s9;
	v62 =	vadd.s32 $0x100, v34;
	v56 =	vld.idx.msk [tilespmem:v53+s22+$0x0], $0xffff  }
0xac: {  	s3 =	sadd.s32 s7, s9;
	v57 =	vadd.s32 $0x180, v33;
	v60 =	vld.idx.msk [tilespmem:v36+s22+$0x0], $0xffff;
	v50 =	vmul.f32 $2.300000000e+01, v42  }
0xad: {  	v63 =	vadd.s32 $0x80, v36;
	[tilespmem:s3+$0x0] =	vst v59  }
0xae: {  	v48 =	vld.idx.msk [tilespmem:v61+s22+$0x0], $0xffff;
	v32 =	vtrunc.f32 v50  }
0xaf: {  	s24 =	simm.s32 $0x60;
	v51 =	vadd.s32 $0x100, v35;
	v32 =	vcvt.f32.s32 v32;
	[tilespmem:s19+$0x80] =	vst v58  }
0xb0: {  	s25 =	simm.s32 $0x180;
	s21 =	sadd.s32 s26, s9;
	s9 =	sand.u32 $0x60, s24;
	v49 =	vld.idx.msk [tilespmem:v62+s22+$0x0], $0xffff;
	[tilespmem:s16+$0x100] =	vst v56  }
0xb1: {  	s6 =	sand.u32 $0x3FFFFE00, s25;
	s25 =	sor.u32 $0x10, s9;
	v52 =	vadd.s32 $0x180, v34;
	[tilespmem:s21+$0x0] =	vst v60;
	v37 =	vld.idx.msk [tilespmem:v57+s22+$0x0], $0xffff  }
0xb2: {  	s28 =	sor.u32 s25, s6;
	v45 =	vadd.s32 $0x200, v33;
	v53 =	vld.idx.msk [tilespmem:v63+s22+$0x0], $0xffff  }
0xb3: {  	[tilespmem:s3+$0x80] =	vst v48;
	v48 =	vld [tilespmem:s28+$0x180]  }
0xb4: {  	v55 =	vadd.s32 $0x100, v36;
	v38 =	vld.idx.msk [tilespmem:v51+s22+$0x0], $0xffff  }
0xb5: {  	v58 =	vadd.s32 $0x180, v35;
	v62 =	vld.idx.msk [tilespmem:v32+s22+$0x0], $0xffff;
	[tilespmem:s19+$0x100] =	vst v49  }
0xb6: {  	s26 =	simm.s32 $0x200;
	v54 =	vmul.f32 $2.300000000e+01, v44;
	v39 =	vld.idx.msk [tilespmem:v52+s22+$0x0], $0xffff;
	v52 =	vadd.s32 $0x80, v32;
	[tilespmem:s16+$0x180] =	vst v37  }
0xb7: {  	s7 =	sand.u32 $0x3FFFFC00, s26;
	s6 =	sor.u32 s9, s6;
	v61 =	vadd.s32 $0x200, v34;
	v56 =	vld.idx.msk [tilespmem:v45+s22+$0x0], $0xffff  }
0xb8: {  	s7 =	sadd.s32 $0xB2C8, s7;
	[tilespmem:s21+$0x80] =	vst v53;
	v53 =	vld [tilespmem:s6+$0x180];
	v57 =	vadd.s32 $0x280, v33;
	v37 =	vtrunc.f32 v54  }
0xb9: {  	s4 =	sadd.s32 s8, s7;
	v59 =	vld.idx.msk [tilespmem:v55+s22+$0x0], $0xffff;
	[tilespmem:s3+$0x100] =	vst v38;
	v37 =	vcvt.f32.s32 v37  }
0xba: {  	v40 =	vld.idx.msk [tilespmem:v58+s22+$0x0], $0xffff;
	[tilespmem:s4+$0x0] =	vst v62  }
0xbb: {  	s8 =	simm.s32 $0x200;
	s6 =	simm.s32 $0x80;
	v49 =	vadd.s32 $0x180, v36;
	[tilespmem:s19+$0x180] =	vst v39;
	v38 =	vld.idx.msk [tilespmem:v52+s22+$0x0], $0xffff  }
0xbc: {  	s20 =	sadd.s32 s0, s7;
	s29 =	sand.u32 $0x3FFFFE00, s8;
	s0 =	sand.u32 $0x60, s6;
	v43 =	vld.idx.msk [tilespmem:v61+s22+$0x0], $0xffff;
	[tilespmem:s16+$0x200] =	vst v56  }
0xbd: {  	s24 =	sor.u32 s0, s29;
	v54 =	vadd.s32 $0x280, v34;
	v60 =	vld.idx.msk [tilespmem:v57+s22+$0x0], $0xffff  }
0xbe: {  	v46 =	vadd.s32 $0x300, v33;
	v58 =	vmul.f32 $2.300000000e+01, v48;
	v51 =	vld [tilespmem:s24+$0x180]  }
0xbf: {  	v50 =	vadd.s32 $0x200, v35;
	s7 =	sor.u32 $0x10, s0;
	[tilespmem:s21+$0x100] =	vst v59;
	v63 =	vld.idx.msk [tilespmem:v37+s22+$0x0], $0xffff  }
0xc0: {  	s28 =	sor.u32 s7, s29;
	v47 =	vadd.s32 $0x80, v37;
	v61 =	vld.idx.msk [tilespmem:v49+s22+$0x0], $0xffff;
	v56 =	vadd.s32 $0x380, v33;
	v33 =	vtrunc.f32 v58;
	[tilespmem:s4+$0x80] =	vst v38  }
0xc1: {  	v59 =	vadd.s32 $0x100, v32;
	v33 =	vcvt.f32.s32 v33;
	v38 =	vld [tilespmem:s28+$0x180];
	[tilespmem:s19+$0x200] =	vst v43  }
0xc2: {  	v42 =	vld.idx.msk [tilespmem:v54+s22+$0x0], $0xffff;
	[tilespmem:s16+$0x280] =	vst v60  }
0xc3: {  	v62 =	vadd.s32 $0x200, v36;
	[tilespmem:s3+$0x180] =	vst v40;
	v39 =	vmul.f32 $2.300000000e+01, v53;
	v55 =	vld.idx.msk [tilespmem:v46+s22+$0x0], $0xffff  }
0xc4: {  	[tilespmem:s20+$0x0] =	vst v63;
	v63 =	vld.idx.msk [tilespmem:v50+s22+$0x0], $0xffff  }
0xc5: {  	v52 =	vadd.s32 $0x280, v35;
	v39 =	vtrunc.f32 v39;
	v57 =	vld.idx.msk [tilespmem:v47+s22+$0x0], $0xffff  }
0xc6: {  	v54 =	vld.idx.msk [tilespmem:v59+s22+$0x0], $0xffff;
	v60 =	vadd.s32 $0x100, v37;
	v50 =	vcvt.f32.s32 v39  }
0xc7: {  	[tilespmem:s21+$0x180] =	vst v61;
	v58 =	vld.idx.msk [tilespmem:v33+s22+$0x0], $0xffff  }
0xc8: {  	s26 =	simm.s32 $0x300;
	v61 =	vadd.s32 $0x80, v33;
	v46 =	vld.idx.msk [tilespmem:v62+s22+$0x0], $0xffff;
	[tilespmem:s16+$0x300] =	vst v55  }
0xc9: {  	s26 =	sand.u32 $0x3FFFFC00, s26;
	[tilespmem:s3+$0x200] =	vst v63;
	v53 =	vld.idx.msk [tilespmem:v56+s22+$0x0], $0xffff;
	v56 =	vadd.s32 $0x180, v32  }
0xca: {  	s26 =	sadd.s32 $0xB2C8, s26;
	[tilespmem:s20+$0x80] =	vst v57;
	v55 =	vadd.s32 $0x300, v34;
	v57 =	vld.idx.msk [tilespmem:v52+s22+$0x0], $0xffff  }
0xcb: {  	s29 =	sadd.s32 s25, s26;
	[tilespmem:s19+$0x280] =	vst v42;
	v44 =	vld.idx.msk [tilespmem:v60+s22+$0x0], $0xffff;
	v60 =	vadd.s32 $0x300, v35  }
0xcc: {  	v63 =	vadd.s32 $0x180, v37;
	v59 =	vld.idx.msk [tilespmem:v50+s22+$0x0], $0xffff;
	[tilespmem:s29+$0x0] =	vst v58  }
0xcd: {  	v62 =	vadd.s32 $0x80, v50;
	[tilespmem:s4+$0x100] =	vst v54;
	v42 =	vld.idx.msk [tilespmem:v61+s22+$0x0], $0xffff  }
0xce: {  	v45 =	vld.idx.msk [tilespmem:v56+s22+$0x0], $0xffff;
	[tilespmem:s16+$0x380] =	vst v53;
	v53 =	vadd.s32 $0x280, v36  }
0xcf: {  	v52 =	vadd.s32 $0x200, v32;
	v41 =	vld.idx.msk [tilespmem:v55+s22+$0x0], $0xffff;
	[tilespmem:s3+$0x280] =	vst v57  }
0xd0: {  	v47 =	vadd.s32 $0x380, v34;
	s16 =	sadd.s32 s9, s26;
	v43 =	vld.idx.msk [tilespmem:v60+s22+$0x0], $0xffff;
	[tilespmem:s20+$0x100] =	vst v44  }
0xd1: {  	v40 =	vadd.s32 $0x300, v36;
	v56 =	vadd.s32 $0x100, v33;
	[tilespmem:s16+$0x0] =	vst v59;
	v49 =	vld.idx.msk [tilespmem:v63+s22+$0x0], $0xffff  }
0xd2: {  	v39 =	vadd.s32 $0x280, v37;
	v54 =	vadd.s32 $0x380, v35;
	[tilespmem:s21+$0x200] =	vst v46;
	v46 =	vmul.f32 $2.300000000e+01, v38;
	v48 =	vld.idx.msk [tilespmem:v62+s22+$0x0], $0xffff  }
0xd3: {  	v58 =	vadd.s32 $0x200, v37;
	v34 =	vadd.s32 $0x380, v37;
	v57 =	vmul.f32 $2.300000000e+01, v51;
	[tilespmem:s4+$0x180] =	vst v45;
	v61 =	vld.idx.msk [tilespmem:v53+s22+$0x0], $0xffff  }
0xd4: {  	v38 =	vadd.s32 $0x300, v50;
	v60 =	vadd.s32 $0x100, v50;
	v63 =	vtrunc.f32 v46;
	[tilespmem:s19+$0x300] =	vst v41;
	v52 =	vld.idx.msk [tilespmem:v52+s22+$0x0], $0xffff  }
0xd5: {  	[tilespmem:s29+$0x80] =	vst v42;
	v59 =	vtrunc.f32 v57;
	v62 =	vadd.s32 $0x280, v32;
	v42 =	vcvt.f32.s32 v63;
	v55 =	vld.idx.msk [tilespmem:v47+s22+$0x0], $0xffff  }
0xd6: {  	v35 =	vadd.s32 $0x380, v36;
	v36 =	vadd.s32 $0x300, v37;
	v59 =	vcvt.f32.s32 v59;
	[tilespmem:s3+$0x300] =	vst v43;
	v57 =	vld.idx.msk [tilespmem:v56+s22+$0x0], $0xffff  }
0xd7: {  	v44 =	vadd.s32 $0x200, v50;
	v37 =	vadd.s32 $0x380, v50;
	v41 =	vadd.s32 $0x280, v50;
	v53 =	vld.idx.msk [tilespmem:v54+s22+$0x0], $0xffff;
	[tilespmem:s20+$0x180] =	vst v49  }
0xd8: {  	v51 =	vadd.s32 $0x80, v59;
	v46 =	vadd.s32 $0x200, v59;
	v45 =	vadd.s32 $0x180, v50;
	[tilespmem:s16+$0x80] =	vst v48;
	v54 =	vld.idx.msk [tilespmem:v58+s22+$0x0], $0xffff  }
0xd9: {  	v47 =	vadd.s32 $0x280, v59;
	v50 =	vadd.s32 $0x300, v59;
	v58 =	vadd.s32 $0x180, v33;
	v56 =	vld.idx.msk [tilespmem:v60+s22+$0x0], $0xffff;
	[tilespmem:s4+$0x200] =	vst v52  }
0xda: {  	s25 =	simm.s32 $0x8;
	s9 =	simm.s32 $0x8;
	v43 =	vadd.s32 $0x380, v59;
	v49 =	vadd.s32 $0x180, v59;
	v48 =	vadd.s32 $0x100, v59;
	[tilespmem:s21+$0x280] =	vst v61;
	v52 =	vld.idx.msk [tilespmem:v62+s22+$0x0], $0xffff  }
.LBB2_5:
0xdb: {  	s9 =	sadd.s32 $0x2, s9;
	v60 =	vld.idx.msk [tilespmem:v42+s22+$0x0], $0xffff;
	s6 =	sadd.s32 $0x20, s6;
	[tilespmem:s19+$0x380] =	vst v55;
	s19 =	smov.u32 s21  }
0xdc: {  	s26 =	sand.u32 $0x60, s6;
	s21 =	sshll.u32 s9, $0x6;
	p1 =	slt.u32 s9, $0x7A;
	v55 =	vld.idx.msk [tilespmem:v59+s22+$0x0], $0xffff;
	v59 =	vadd.s32 $0x300, v32;
	[tilespmem:s3+$0x380] =	vst v53  }
0xdd: {  	v53 =	vadd.s32 $0x80, v42;
	s3 =	sand.u32 $0x3FFFFE00, s21;
	s28 =	sor.u32 $0x10, s26;
	s21 =	sshll.u32 s25, $0x7;
	[tilespmem:s29+$0x100] =	vst v57;
	v57 =	vld.idx.msk [tilespmem:v40+s22+$0x0], $0xffff;
	v40 =	vmovc v36;
	v36 =	vmov v38;
	v38 =	vmov v50  }
0xde: {  	s8 =	sor.u32 s26, s3;
	s3 =	sor.u32 s28, s3;
	s21 =	sand.u32 $0x3FFFFC00, s21;
	[tilespmem:s16+$0x100] =	vst v56;
	v50 =	vld.idx.msk [tilespmem:v58+s22+$0x0], $0xffff  }
0xdf: {  	s25 =	smov.u32 s9;
	v56 =	vld [tilespmem:s3+$0x180];
	s3 =	sadd.s32 $0xB2C8, s21;
	[tilespmem:s20+$0x200] =	vst v54;
	s21 =	smov.u32 s20  }
0xe0: {  	v58 =	vadd.s32 $0x200, v33;
	v54 =	vld [tilespmem:s8+$0x180];
	s8 =	sadd.s32 s0, s3;
	s24 =	sadd.s32 s7, s3;
	[tilespmem:s4+$0x280] =	vst v52;
	s0 =	smov.u32 s26  }
0xe1: {  	s20 =	smov.u32 s16;
	s7 =	smov.u32 s28;
	[tilespmem:s24+$0x0] =	vst v60;
	v52 =	vld.idx.msk [tilespmem:v59+s22+$0x0], $0xffff;
	s16 =	smov.u32 s8  }
0xe2: {  	s3 =	smov.u32 s4;
	s4 =	smov.u32 s29;
	s29 =	smov.u32 s24;
	[tilespmem:s16+$0x0] =	vst v55;
	v53 =	vld.idx.msk [tilespmem:v53+s22+$0x0], $0xffff  }
0xe3: {  	v60 =	vadd.s32 $0x380, v32;
	v32 =	vmov v33;
	v33 =	vmov v42;
	v51 =	vld.idx.msk [tilespmem:v51+s22+$0x0], $0xffff;
	[tilespmem:s19+$0x300] =	vst v57  }
0xe4: {  	v42 =	vmul.f32 $2.300000000e+01, v56;
	v56 =	vadd.s32 $0x100, v33;
	v61 =	vld.idx.msk [tilespmem:v45+s22+$0x0], $0xffff;
	[tilespmem:s4+$0x180] =	vst v50;
	v45 =	vmov v49  }
0xe5: {  	v49 =	vmul.f32 $2.300000000e+01, v54;
	v50 =	vld.idx.msk [tilespmem:v58+s22+$0x0], $0xffff  }
0xe6: {  	v42 =	vtrunc.f32 v42;
	v62 =	vld.idx.msk [tilespmem:v39+s22+$0x0], $0xffff;
	v39 =	vmov v41;
	v41 =	vmov v47  }
0xe7: {  	v63 =	vadd.s32 $0x280, v32;
	v47 =	vtrunc.f32 v49;
	v42 =	vcvt.f32.s32 v42;
	[tilespmem:s3+$0x300] =	vst v52;
	v55 =	vld.idx.msk [tilespmem:v35+s22+$0x0], $0xffff;
	v35 =	vmovc v34;
	v34 =	vmovc v37  }
.Ltmp3:
0xe8: {  	v37 =	vmov v43;
	v59 =	vcvt.f32.s32 v47;
	[tilespmem:s29+$0x80] =	vst v53;
	v53 =	vld.idx.msk [tilespmem:v60+s22+$0x0], $0xffff;
	(pc) =	sbr.rel @p1 .LBB2_5-.Ltmp3, $4  }
0xe9: {  	[tilespmem:s16+$0x80] =	vst v51;
	v57 =	vld.idx.msk [tilespmem:v56+s22+$0x0], $0xffff  }
0xea: {  	v51 =	vadd.s32 $0x80, v59;
	v49 =	vadd.s32 $0x180, v59;
	v56 =	vld.idx.msk [tilespmem:v48+s22+$0x0], $0xffff;
	v48 =	vadd.s32 $0x100, v59;
	[tilespmem:s20+$0x180] =	vst v61  }
0xeb: {  	v58 =	vadd.s32 $0x180, v33;
	v47 =	vadd.s32 $0x280, v59;
	v54 =	vld.idx.msk [tilespmem:v44+s22+$0x0], $0xffff;
	[tilespmem:s4+$0x200] =	vst v50;
	v44 =	vmovc v46;
	v46 =	vadd.s32 $0x200, v59  }
0xec: {  	v43 =	vadd.s32 $0x380, v59;
	v50 =	vadd.s32 $0x300, v59;
	v52 =	vld.idx.msk [tilespmem:v63+s22+$0x0], $0xffff;
	[tilespmem:s21+$0x280] =	vst v62  }
0xed: {  	_ =	sdelay $0x3  }
0xee: {  	v60 =	vld.idx.msk [tilespmem:v42+s22+$0x0], $0xffff  }
0xef: {  	v59 =	vld.idx.msk [tilespmem:v59+s22+$0x0], $0xffff;
	s6 =	sshll.u32 s25, $0x7;
	v61 =	vadd.s32 $0x80, v42  }
0xf0: {  	s6 =	sand.u32 $0x3FFFFC00, s6  }
0xf1: {  	s8 =	sadd.s32 $0xB2C8, s6  }
0xf2: {  	s6 =	sadd.s32 s7, s8  }
0xf3: {  	s0 =	sadd.s32 s0, s8;
	[tilespmem:s6+$0x0] =	vst v60  }
0xf4: {  	[tilespmem:s0+$0x0] =	vst v59;
	v59 =	vld.idx.msk [tilespmem:v61+s22+$0x0], $0xffff  }
0xf5: {  	v60 =	vadd.s32 $0x100, v42;
	v51 =	vld.idx.msk [tilespmem:v51+s22+$0x0], $0xffff;
	_ =	sdelay $0x3  }
0xf6: {  	[tilespmem:s6+$0x80] =	vst v59  }
0xf7: {  	[tilespmem:s0+$0x80] =	vst v51;
	v60 =	vld.idx.msk [tilespmem:v60+s22+$0x0], $0xffff  }
0xf8: {  	v61 =	vadd.s32 $0x180, v42;
	v48 =	vld.idx.msk [tilespmem:v48+s22+$0x0], $0xffff  }
0xf9: {  	[tilespmem:s19+$0x380] =	vst v55  }
0xfa: {  	[tilespmem:s16+$0x100] =	vst v56  }
0xfb: {  	[tilespmem:s29+$0x100] =	vst v57;
	v45 =	vld.idx.msk [tilespmem:v45+s22+$0x0], $0xffff  }
0xfc: {  	v62 =	vld.idx.msk [tilespmem:v58+s22+$0x0], $0xffff;
	[tilespmem:s6+$0x100] =	vst v60  }
0xfd: {  	v63 =	vadd.s32 $0x200, v33;
	[tilespmem:s0+$0x100] =	vst v48;
	v57 =	vld.idx.msk [tilespmem:v61+s22+$0x0], $0xffff  }
0xfe: {  	[tilespmem:s3+$0x380] =	vst v53;
	v58 =	vadd.s32 $0x200, v42;
	v49 =	vld.idx.msk [tilespmem:v49+s22+$0x0], $0xffff  }
0xff: {  	[tilespmem:s20+$0x200] =	vst v54  }
0x100: {  	v40 =	vld.idx.msk [tilespmem:v40+s22+$0x0], $0xffff;
	[tilespmem:s16+$0x180] =	vst v45  }
0x101: {  	[tilespmem:s29+$0x180] =	vst v62;
	v44 =	vld.idx.msk [tilespmem:v44+s22+$0x0], $0xffff  }
0x102: {  	v60 =	vld.idx.msk [tilespmem:v63+s22+$0x0], $0xffff;
	[tilespmem:s6+$0x180] =	vst v57  }
0x103: {  	v61 =	vadd.s32 $0x280, v33;
	[tilespmem:s0+$0x180] =	vst v49;
	v48 =	vld.idx.msk [tilespmem:v58+s22+$0x0], $0xffff  }
0x104: {  	[tilespmem:s4+$0x280] =	vst v52;
	v62 =	vadd.s32 $0x280, v42;
	v46 =	vld.idx.msk [tilespmem:v46+s22+$0x0], $0xffff  }
0x105: {  	v39 =	vld.idx.msk [tilespmem:v39+s22+$0x0], $0xffff;
	[tilespmem:s21+$0x300] =	vst v40  }
0x106: {  	v35 =	vld.idx.msk [tilespmem:v35+s22+$0x0], $0xffff;
	[tilespmem:s16+$0x200] =	vst v44  }
0x107: {  	v59 =	vadd.s32 $0x300, v32;
	v41 =	vld.idx.msk [tilespmem:v41+s22+$0x0], $0xffff;
	[tilespmem:s29+$0x200] =	vst v60  }
0x108: {  	v52 =	vld.idx.msk [tilespmem:v61+s22+$0x0], $0xffff;
	[tilespmem:s6+$0x200] =	vst v48  }
0x109: {  	v53 =	vadd.s32 $0x300, v33;
	[tilespmem:s0+$0x200] =	vst v46;
	v54 =	vld.idx.msk [tilespmem:v62+s22+$0x0], $0xffff  }
0x10a: {  	v55 =	vadd.s32 $0x300, v42;
	[tilespmem:s20+$0x280] =	vst v39;
	v47 =	vld.idx.msk [tilespmem:v47+s22+$0x0], $0xffff  }
0x10b: {  	v36 =	vld.idx.msk [tilespmem:v36+s22+$0x0], $0xffff;
	[tilespmem:s21+$0x380] =	vst v35  }
0x10c: {  	v63 =	vld.idx.msk [tilespmem:v59+s22+$0x0], $0xffff;
	[tilespmem:s16+$0x280] =	vst v41  }
0x10d: {  	v56 =	vadd.s32 $0x380, v32;
	v38 =	vld.idx.msk [tilespmem:v38+s22+$0x0], $0xffff;
	[tilespmem:s29+$0x280] =	vst v52  }
0x10e: {  	v57 =	vld.idx.msk [tilespmem:v53+s22+$0x0], $0xffff;
	[tilespmem:s6+$0x280] =	vst v54  }
0x10f: {  	v58 =	vadd.s32 $0x380, v33;
	[tilespmem:s0+$0x280] =	vst v47;
	v59 =	vld.idx.msk [tilespmem:v55+s22+$0x0], $0xffff  }
0x110: {  	[tilespmem:s20+$0x300] =	vst v36;
	v60 =	vadd.s32 $0x380, v42;
	v61 =	vld.idx.msk [tilespmem:v50+s22+$0x0], $0xffff  }
0x111: {  	v34 =	vld.idx.msk [tilespmem:v34+s22+$0x0], $0xffff;
	[tilespmem:s4+$0x300] =	vst v63  }
0x112: {  	v32 =	vld.idx.msk [tilespmem:v56+s22+$0x0], $0xffff;
	[tilespmem:s16+$0x300] =	vst v38  }
0x113: {  	v62 =	vld.idx.msk [tilespmem:v37+s22+$0x0], $0xffff;
	[tilespmem:s29+$0x300] =	vst v57  }
0x114: {  	v33 =	vld.idx.msk [tilespmem:v58+s22+$0x0], $0xffff;
	[tilespmem:s6+$0x300] =	vst v59  }
0x115: {  	[tilespmem:s0+$0x300] =	vst v61;
	v35 =	vld.idx.msk [tilespmem:v60+s22+$0x0], $0xffff  }
0x116: {  	[tilespmem:s20+$0x380] =	vst v34;
	v63 =	vld.idx.msk [tilespmem:v43+s22+$0x0], $0xffff  }
0x117: {  	[tilespmem:s4+$0x380] =	vst v32  }
0x118: {  	[tilespmem:s16+$0x380] =	vst v62  }
0x119: {  	[tilespmem:s29+$0x380] =	vst v33  }
0x11a: {  	[tilespmem:s6+$0x380] =	vst v35  }
0x11b: {  	[tilespmem:s0+$0x380] =	vst v63  }
0x11c: {  	v32 =	vld [tilespmem:$0x1FC0];
	_ =	sdelay $0x4  }
0x11d: {  	v32 =	vmul.f32 $2.300000000e+01, v32;
	_ =	sdelay $0x1  }
0x11e: {  	v32 =	vtrunc.f32 v32  }
0x11f: {  	v32 =	vcvt.f32.s32 v32;
	_ =	sdelay $0x5  }
0x120: {  	v33 =	vld.idx.msk [tilespmem:v32+s22+$0x0], $0xffff  }
0x121: {  	v37 =	vadd.s32 $0x80, v32;
	_ =	sdelay $0x3  }
0x122: {  	[tilespmem:$0xEF08] =	vst v33  }
0x123: {  	v33 =	vld.idx.msk [tilespmem:v37+s22+$0x0], $0xffff  }
0x124: {  	v38 =	vadd.s32 $0x100, v32;
	_ =	sdelay $0x3  }
0x125: {  	[tilespmem:$0xEF88] =	vst v33  }
0x126: {  	v33 =	vld.idx.msk [tilespmem:v38+s22+$0x0], $0xffff  }
0x127: {  	v39 =	vadd.s32 $0x180, v32;
	_ =	sdelay $0x3  }
0x128: {  	[tilespmem:$0xF008] =	vst v33  }
0x129: {  	v33 =	vld.idx.msk [tilespmem:v39+s22+$0x0], $0xffff  }
0x12a: {  	v40 =	vadd.s32 $0x200, v32;
	_ =	sdelay $0x3  }
0x12b: {  	[tilespmem:$0xF088] =	vst v33  }
0x12c: {  	v33 =	vld.idx.msk [tilespmem:v40+s22+$0x0], $0xffff  }
0x12d: {  	v41 =	vadd.s32 $0x280, v32;
	_ =	sdelay $0x3  }
0x12e: {  	[tilespmem:$0xF108] =	vst v33  }
0x12f: {  	v33 =	vld.idx.msk [tilespmem:v41+s22+$0x0], $0xffff  }
0x130: {  	v42 =	vadd.s32 $0x300, v32;
	_ =	sdelay $0x3  }
0x131: {  	[tilespmem:$0xF188] =	vst v33  }
0x132: {  	v33 =	vld.idx.msk [tilespmem:v42+s22+$0x0], $0xffff  }
0x133: {  	v32 =	vadd.s32 $0x380, v32;
	_ =	sdelay $0x3  }
0x134: {  	[tilespmem:$0xF208] =	vst v33  }
0x135: {  	v32 =	vld.idx.msk [tilespmem:v32+s22+$0x0], $0xffff;
	_ =	sdelay $0x1  }
0x136: {  	s25 =	simm.s32 $0x0  }
0x137: {  	s28 =	sand.u32 $0x60, s25;
	s6 =	simm.s32 $0x0  }
0x138: {  	s7 =	sor.u32 $0x10, s28;
	s3 =	sand.u32 $0x3FFFFE00, s6  }
0x139: {  	s24 =	sadd.s32 s18, s13;
	s26 =	simm.s32 $0xB2C8;
	s9 =	sor.u32 s7, s3;
	[tilespmem:$0xF288] =	vst v32  }
0x13a: {  	[hbm4b:s24+s25] =	stream.linear.scatter [tilespmem:s26], [sflag:$0x6], $0x4000, $0x38;
	[tilespmem:$0x13B48] =	vst v63  }
0x13b: {  	v32 =	vld [tilespmem:s9+$0x100];
	_ =	sdelay $0x4  }
0x13c: {  	v32 =	vmul.f32 $6.000000000e+00, v32  }
0x13d: {  	s3 =	sor.u32 s28, s3  }
0x13e: {  	v43 =	vld [tilespmem:s3+$0x100];
	v32 =	vtrunc.f32 v32  }
0x13f: {  	v33 =	vcvt.f32.s32 v32  }
0x140: {  	s16 =	simm.s32 $0x20  }
0x141: {  	s19 =	simm.s32 $0x80;
	s6 =	sand.u32 $0x60, s16  }
0x142: {  	s20 =	sor.u32 $0x10, s6;
	s3 =	sand.u32 $0x3FFFFE00, s19  }
0x143: {  	s9 =	sor.u32 s20, s3;
	v32 =	vmul.f32 $6.000000000e+00, v43  }
0x144: {  	v45 =	vld [tilespmem:s9+$0x100]  }
0x145: {  	s3 =	sor.u32 s6, s3;
	v32 =	vtrunc.f32 v32;
	v35 =	vld.idx.msk [tilespmem:v33+s23+$0x0], $0xffff  }
0x146: {  	s21 =	simm.s32 $0x0;
	v46 =	vld [tilespmem:s3+$0x100];
	v44 =	vadd.s32 $0x80, v33;
	v34 =	vcvt.f32.s32 v32  }
0x147: {  	s8 =	sand.u32 $0x3FFFFC00, s21  }
0x148: {  	s8 =	sadd.s32 $0xF2C8, s8  }
0x149: {  	s16 =	sadd.s32 s7, s8  }
0x14a: {  	s24 =	simm.s32 $0x40;
	v47 =	vmul.f32 $6.000000000e+00, v45;
	[tilespmem:s16+$0x0] =	vst v35  }
0x14b: {  	s25 =	simm.s32 $0x100;
	s0 =	sand.u32 $0x60, s24;
	v32 =	vmul.f32 $6.000000000e+00, v46;
	v38 =	vld.idx.msk [tilespmem:v44+s23+$0x0], $0xffff  }
0x14c: {  	s4 =	sor.u32 $0x10, s0;
	s3 =	sand.u32 $0x3FFFFE00, s25;
	v48 =	vadd.s32 $0x100, v33;
	v39 =	vld.idx.msk [tilespmem:v34+s23+$0x0], $0xffff;
	v35 =	vtrunc.f32 v47  }
0x14d: {  	s19 =	sadd.s32 s28, s8;
	s28 =	sor.u32 s4, s3;
	v49 =	vadd.s32 $0x80, v34;
	v32 =	vtrunc.f32 v32;
	v35 =	vcvt.f32.s32 v35  }
0x14e: {  	v57 =	vld [tilespmem:s28+$0x100];
	v36 =	vcvt.f32.s32 v32;
	_ =	sdelay $0x1  }
0x14f: {  	[tilespmem:s16+$0x80] =	vst v38  }
0x150: {  	[tilespmem:s19+$0x0] =	vst v39;
	v50 =	vld.idx.msk [tilespmem:v48+s23+$0x0], $0xffff  }
0x151: {  	v51 =	vadd.s32 $0x180, v33;
	v52 =	vld.idx.msk [tilespmem:v49+s23+$0x0], $0xffff  }
0x152: {  	v63 =	vmul.f32 $6.000000000e+00, v57;
	v56 =	vadd.s32 $0x100, v34;
	v53 =	vld.idx.msk [tilespmem:v35+s23+$0x0], $0xffff  }
0x153: {  	s26 =	simm.s32 $0x100;
	v54 =	vld.idx.msk [tilespmem:v36+s23+$0x0], $0xffff;
	v55 =	vadd.s32 $0x80, v35  }
0x154: {  	s8 =	sand.u32 $0x3FFFFC00, s26;
	s3 =	sor.u32 s0, s3;
	v32 =	vtrunc.f32 v63;
	v58 =	vadd.s32 $0x80, v36  }
0x155: {  	s8 =	sadd.s32 $0xF2C8, s8;
	v59 =	vld [tilespmem:s3+$0x100];
	v32 =	vcvt.f32.s32 v32;
	[tilespmem:s16+$0x100] =	vst v50  }
0x156: {  	s3 =	sadd.s32 s20, s8;
	[tilespmem:s19+$0x80] =	vst v52;
	v37 =	vld.idx.msk [tilespmem:v51+s23+$0x0], $0xffff  }
0x157: {  	s21 =	sadd.s32 s6, s8;
	v60 =	vadd.s32 $0x200, v33;
	v62 =	vld.idx.msk [tilespmem:v56+s23+$0x0], $0xffff;
	[tilespmem:s3+$0x0] =	vst v53  }
0x158: {  	v49 =	vadd.s32 $0x180, v34;
	[tilespmem:s21+$0x0] =	vst v54;
	v61 =	vld.idx.msk [tilespmem:v55+s23+$0x0], $0xffff  }
0x159: {  	v48 =	vadd.s32 $0x100, v35;
	v50 =	vld.idx.msk [tilespmem:v58+s23+$0x0], $0xffff  }
0x15a: {  	v52 =	vadd.s32 $0x100, v36;
	v51 =	vmul.f32 $6.000000000e+00, v59  }
0x15b: {  	v58 =	vld.idx.msk [tilespmem:v32+s23+$0x0], $0xffff;
	[tilespmem:s16+$0x180] =	vst v37  }
0x15c: {  	s7 =	simm.s32 $0x60;
	[tilespmem:s19+$0x100] =	vst v62;
	v37 =	vtrunc.f32 v51;
	v53 =	vld.idx.msk [tilespmem:v60+s23+$0x0], $0xffff  }
0x15d: {  	s9 =	sand.u32 $0x60, s7;
	s8 =	simm.s32 $0x180;
	v54 =	vadd.s32 $0x280, v33;
	v39 =	vld.idx.msk [tilespmem:v49+s23+$0x0], $0xffff;
	[tilespmem:s3+$0x80] =	vst v61;
	v37 =	vcvt.f32.s32 v37  }
0x15e: {  	s25 =	sor.u32 $0x10, s9;
	s6 =	sand.u32 $0x3FFFFE00, s8;
	[tilespmem:s21+$0x80] =	vst v50;
	v38 =	vld.idx.msk [tilespmem:v48+s23+$0x0], $0xffff  }
0x15f: {  	s24 =	sor.u32 s25, s6;
	s6 =	sor.u32 s9, s6;
	v55 =	vadd.s32 $0x180, v35;
	v41 =	vld.idx.msk [tilespmem:v52+s23+$0x0], $0xffff  }
0x160: {  	v57 =	vadd.s32 $0x200, v34;
	v52 =	vld [tilespmem:s6+$0x100]  }
0x161: {  	s20 =	simm.s32 $0x200;
	v61 =	vadd.s32 $0x80, v32;
	v48 =	vld [tilespmem:s24+$0x100];
	[tilespmem:s16+$0x200] =	vst v53  }
0x162: {  	s7 =	sand.u32 $0x3FFFFC00, s20;
	v63 =	vadd.s32 $0x180, v36;
	v56 =	vld.idx.msk [tilespmem:v54+s23+$0x0], $0xffff  }
0x163: {  	s7 =	sadd.s32 $0xF2C8, s7;
	v60 =	vadd.s32 $0x300, v33;
	[tilespmem:s3+$0x100] =	vst v38;
	v59 =	vld.idx.msk [tilespmem:v37+s23+$0x0], $0xffff  }
0x164: {  	s4 =	sadd.s32 s4, s7;
	v62 =	vadd.s32 $0x80, v37;
	[tilespmem:s19+$0x180] =	vst v39;
	v40 =	vld.idx.msk [tilespmem:v55+s23+$0x0], $0xffff  }
0x165: {  	[tilespmem:s4+$0x0] =	vst v58;
	v43 =	vld.idx.msk [tilespmem:v57+s23+$0x0], $0xffff;
	v39 =	vmul.f32 $6.000000000e+00, v52;
	v53 =	vadd.s32 $0x200, v35  }
0x166: {  	[tilespmem:s21+$0x100] =	vst v41;
	v38 =	vld.idx.msk [tilespmem:v61+s23+$0x0], $0xffff  }
0x167: {  	s20 =	sadd.s32 s0, s7;
	s6 =	simm.s32 $0x80;
	v61 =	vld.idx.msk [tilespmem:v63+s23+$0x0], $0xffff;
	v54 =	vadd.s32 $0x280, v34;
	v39 =	vtrunc.f32 v39;
	[tilespmem:s16+$0x280] =	vst v56  }
0x168: {  	s26 =	simm.s32 $0x200;
	s0 =	sand.u32 $0x60, s6;
	v58 =	vmul.f32 $6.000000000e+00, v48;
	v50 =	vcvt.f32.s32 v39;
	[tilespmem:s20+$0x0] =	vst v59;
	v59 =	vadd.s32 $0x100, v32;
	v55 =	vld.idx.msk [tilespmem:v60+s23+$0x0], $0xffff  }
0x169: {  	s28 =	sand.u32 $0x3FFFFE00, s26;
	s7 =	sor.u32 $0x10, s0;
	[tilespmem:s3+$0x180] =	vst v40;
	v57 =	vld.idx.msk [tilespmem:v62+s23+$0x0], $0xffff  }
0x16a: {  	s26 =	sor.u32 s7, s28;
	v56 =	vadd.s32 $0x380, v33;
	v33 =	vtrunc.f32 v58;
	v63 =	vld.idx.msk [tilespmem:v53+s23+$0x0], $0xffff  }
0x16b: {  	v51 =	vld [tilespmem:s26+$0x100];
	v52 =	vadd.s32 $0x280, v35;
	[tilespmem:s19+$0x200] =	vst v43;
	v33 =	vcvt.f32.s32 v33  }
0x16c: {  	[tilespmem:s4+$0x80] =	vst v38;
	v42 =	vld.idx.msk [tilespmem:v54+s23+$0x0], $0xffff  }
0x16d: {  	v60 =	vadd.s32 $0x100, v37;
	v54 =	vld.idx.msk [tilespmem:v59+s23+$0x0], $0xffff;
	[tilespmem:s16+$0x300] =	vst v55  }
0x16e: {  	v62 =	vadd.s32 $0x200, v36;
	v59 =	vld.idx.msk [tilespmem:v50+s23+$0x0], $0xffff;
	[tilespmem:s20+$0x80] =	vst v57  }
0x16f: {  	v57 =	vadd.s32 $0x180, v32;
	[tilespmem:s3+$0x200] =	vst v63;
	v53 =	vld.idx.msk [tilespmem:v56+s23+$0x0], $0xffff  }
0x170: {  	v55 =	vadd.s32 $0x300, v34;
	v43 =	vld.idx.msk [tilespmem:v52+s23+$0x0], $0xffff  }
0x171: {  	[tilespmem:s21+$0x180] =	vst v61;
	v58 =	vld.idx.msk [tilespmem:v33+s23+$0x0], $0xffff  }
0x172: {  	s24 =	simm.s32 $0x300;
	[tilespmem:s19+$0x280] =	vst v42;
	v56 =	vld.idx.msk [tilespmem:v60+s23+$0x0], $0xffff;
	v60 =	vadd.s32 $0x300, v35  }
0x173: {  	s24 =	sand.u32 $0x3FFFFC00, s24;
	v61 =	vadd.s32 $0x80, v33;
	v40 =	vld.idx.msk [tilespmem:v62+s23+$0x0], $0xffff;
	[tilespmem:s4+$0x100] =	vst v54  }
0x174: {  	s8 =	sor.u32 s0, s28;
	s28 =	sadd.s32 $0xF2C8, s24;
	v63 =	vadd.s32 $0x180, v37;
	v45 =	vld.idx.msk [tilespmem:v57+s23+$0x0], $0xffff;
	[tilespmem:s16+$0x380] =	vst v53  }
0x175: {  	s29 =	sadd.s32 s25, s28;
	v62 =	vadd.s32 $0x80, v50;
	v41 =	vld.idx.msk [tilespmem:v55+s23+$0x0], $0xffff;
	[tilespmem:s3+$0x280] =	vst v43  }
0x176: {  	v52 =	vld [tilespmem:s8+$0x100];
	v53 =	vadd.s32 $0x200, v32;
	[tilespmem:s29+$0x0] =	vst v58  }
0x177: {  	v43 =	vadd.s32 $0x280, v36;
	s16 =	sadd.s32 s9, s28;
	[tilespmem:s20+$0x100] =	vst v56;
	v46 =	vld.idx.msk [tilespmem:v60+s23+$0x0], $0xffff  }
0x178: {  	v47 =	vadd.s32 $0x380, v34;
	[tilespmem:s16+$0x0] =	vst v59;
	v48 =	vld.idx.msk [tilespmem:v61+s23+$0x0], $0xffff  }
0x179: {  	v39 =	vadd.s32 $0x380, v36;
	v54 =	vadd.s32 $0x380, v35;
	v49 =	vld.idx.msk [tilespmem:v63+s23+$0x0], $0xffff;
	[tilespmem:s4+$0x180] =	vst v45  }
0x17a: {  	v44 =	vadd.s32 $0x200, v50;
	v57 =	vadd.s32 $0x100, v33;
	v56 =	vld.idx.msk [tilespmem:v62+s23+$0x0], $0xffff;
	[tilespmem:s19+$0x300] =	vst v41;
	v41 =	vmul.f32 $6.000000000e+00, v51  }
0x17b: {  	v38 =	vadd.s32 $0x280, v37;
	[tilespmem:s21+$0x200] =	vst v40;
	v58 =	vadd.s32 $0x200, v37;
	v59 =	vmul.f32 $6.000000000e+00, v52;
	v61 =	vld.idx.msk [tilespmem:v53+s23+$0x0], $0xffff  }
0x17c: {  	v42 =	vadd.s32 $0x300, v36;
	v60 =	vadd.s32 $0x100, v50;
	v62 =	vld.idx.msk [tilespmem:v43+s23+$0x0], $0xffff;
	v41 =	vtrunc.f32 v41  }
0x17d: {  	v63 =	vadd.s32 $0x280, v32;
	v36 =	vtrunc.f32 v59;
	v55 =	vld.idx.msk [tilespmem:v47+s23+$0x0], $0xffff;
	[tilespmem:s3+$0x300] =	vst v46;
	v41 =	vcvt.f32.s32 v41  }
0x17e: {  	v34 =	vadd.s32 $0x380, v37;
	v35 =	vadd.s32 $0x300, v37;
	v59 =	vcvt.f32.s32 v36;
	[tilespmem:s29+$0x80] =	vst v48;
	v54 =	vld.idx.msk [tilespmem:v54+s23+$0x0], $0xffff  }
0x17f: {  	v40 =	vadd.s32 $0x280, v50;
	v37 =	vadd.s32 $0x300, v50;
	v45 =	vadd.s32 $0x180, v50;
	[tilespmem:s20+$0x180] =	vst v49;
	v57 =	vld.idx.msk [tilespmem:v57+s23+$0x0], $0xffff  }
0x180: {  	v36 =	vadd.s32 $0x380, v50;
	v52 =	vadd.s32 $0x80, v59;
	v48 =	vadd.s32 $0x100, v59;
	[tilespmem:s16+$0x80] =	vst v56;
	v53 =	vld.idx.msk [tilespmem:v58+s23+$0x0], $0xffff  }
0x181: {  	v49 =	vadd.s32 $0x180, v59;
	v46 =	vadd.s32 $0x200, v59;
	v58 =	vadd.s32 $0x180, v33;
	v56 =	vld.idx.msk [tilespmem:v60+s23+$0x0], $0xffff;
	[tilespmem:s4+$0x200] =	vst v61  }
0x182: {  	s25 =	simm.s32 $0x8;
	s9 =	simm.s32 $0x8;
	v47 =	vadd.s32 $0x280, v59;
	v50 =	vadd.s32 $0x300, v59;
	v43 =	vadd.s32 $0x380, v59;
	[tilespmem:s21+$0x280] =	vst v62;
	v51 =	vld.idx.msk [tilespmem:v63+s23+$0x0], $0xffff  }
.LBB2_7:
0x183: {  	s9 =	sadd.s32 $0x2, s9;
	v60 =	vld.idx.msk [tilespmem:v41+s23+$0x0], $0xffff;
	s6 =	sadd.s32 $0x20, s6;
	[tilespmem:s19+$0x380] =	vst v55;
	s19 =	smov.u32 s21  }
0x184: {  	s8 =	sand.u32 $0x60, s6;
	s21 =	sshll.u32 s9, $0x6;
	p1 =	slt.u32 s9, $0x7A;
	v55 =	vld.idx.msk [tilespmem:v59+s23+$0x0], $0xffff;
	v59 =	vadd.s32 $0x300, v32;
	[tilespmem:s3+$0x380] =	vst v54  }
0x185: {  	v54 =	vadd.s32 $0x80, v41;
	s3 =	sand.u32 $0x3FFFFE00, s21;
	s24 =	sor.u32 $0x10, s8;
	s21 =	sshll.u32 s25, $0x7;
	[tilespmem:s29+$0x100] =	vst v57;
	v57 =	vld.idx.msk [tilespmem:v42+s23+$0x0], $0xffff;
	v42 =	vmovc v35;
	v35 =	vmov v37;
	v37 =	vmov v50  }
0x186: {  	s26 =	sor.u32 s8, s3;
	s3 =	sor.u32 s24, s3;
	s21 =	sand.u32 $0x3FFFFC00, s21;
	[tilespmem:s16+$0x100] =	vst v56;
	v50 =	vld.idx.msk [tilespmem:v58+s23+$0x0], $0xffff  }
0x187: {  	s25 =	smov.u32 s9;
	v56 =	vld [tilespmem:s3+$0x100];
	s3 =	sadd.s32 $0xF2C8, s21;
	[tilespmem:s20+$0x200] =	vst v53;
	s21 =	smov.u32 s20  }
0x188: {  	v58 =	vadd.s32 $0x200, v33;
	v53 =	vld [tilespmem:s26+$0x100];
	s26 =	sadd.s32 s0, s3;
	s28 =	sadd.s32 s7, s3;
	[tilespmem:s4+$0x280] =	vst v51;
	s0 =	smov.u32 s8  }
0x189: {  	s20 =	smov.u32 s16;
	s7 =	smov.u32 s24;
	[tilespmem:s28+$0x0] =	vst v60;
	v51 =	vld.idx.msk [tilespmem:v59+s23+$0x0], $0xffff;
	s16 =	smov.u32 s26  }
0x18a: {  	s3 =	smov.u32 s4;
	s4 =	smov.u32 s29;
	s29 =	smov.u32 s28;
	[tilespmem:s16+$0x0] =	vst v55;
	v54 =	vld.idx.msk [tilespmem:v54+s23+$0x0], $0xffff  }
0x18b: {  	v60 =	vadd.s32 $0x380, v32;
	v32 =	vmov v33;
	v33 =	vmov v41;
	v52 =	vld.idx.msk [tilespmem:v52+s23+$0x0], $0xffff;
	[tilespmem:s19+$0x300] =	vst v57  }
0x18c: {  	v41 =	vmul.f32 $6.000000000e+00, v56;
	v56 =	vadd.s32 $0x100, v33;
	v61 =	vld.idx.msk [tilespmem:v45+s23+$0x0], $0xffff;
	[tilespmem:s4+$0x180] =	vst v50;
	v45 =	vmov v49  }
0x18d: {  	v49 =	vmul.f32 $6.000000000e+00, v53;
	v50 =	vld.idx.msk [tilespmem:v58+s23+$0x0], $0xffff  }
0x18e: {  	v41 =	vtrunc.f32 v41;
	v62 =	vld.idx.msk [tilespmem:v38+s23+$0x0], $0xffff;
	v38 =	vmov v40;
	v40 =	vmov v47  }
0x18f: {  	v63 =	vadd.s32 $0x280, v32;
	v47 =	vtrunc.f32 v49;
	v41 =	vcvt.f32.s32 v41;
	[tilespmem:s3+$0x300] =	vst v51;
	v55 =	vld.idx.msk [tilespmem:v39+s23+$0x0], $0xffff;
	v39 =	vmovc v34;
	v34 =	vmovc v36  }
.Ltmp4:
0x190: {  	v36 =	vmov v43;
	v59 =	vcvt.f32.s32 v47;
	[tilespmem:s29+$0x80] =	vst v54;
	v54 =	vld.idx.msk [tilespmem:v60+s23+$0x0], $0xffff;
	(pc) =	sbr.rel @p1 .LBB2_7-.Ltmp4, $4  }
0x191: {  	[tilespmem:s16+$0x80] =	vst v52;
	v57 =	vld.idx.msk [tilespmem:v56+s23+$0x0], $0xffff  }
0x192: {  	v52 =	vadd.s32 $0x80, v59;
	v49 =	vadd.s32 $0x180, v59;
	v56 =	vld.idx.msk [tilespmem:v48+s23+$0x0], $0xffff;
	v48 =	vadd.s32 $0x100, v59;
	[tilespmem:s20+$0x180] =	vst v61  }
0x193: {  	v58 =	vadd.s32 $0x180, v33;
	v47 =	vadd.s32 $0x280, v59;
	v53 =	vld.idx.msk [tilespmem:v44+s23+$0x0], $0xffff;
	[tilespmem:s4+$0x200] =	vst v50;
	v44 =	vmovc v46;
	v46 =	vadd.s32 $0x200, v59  }
0x194: {  	v43 =	vadd.s32 $0x380, v59;
	v50 =	vadd.s32 $0x300, v59;
	v51 =	vld.idx.msk [tilespmem:v63+s23+$0x0], $0xffff;
	[tilespmem:s21+$0x280] =	vst v62  }
0x195: {  	_ =	sdelay $0x3  }
0x196: {  	v60 =	vld.idx.msk [tilespmem:v41+s23+$0x0], $0xffff  }
0x197: {  	v59 =	vld.idx.msk [tilespmem:v59+s23+$0x0], $0xffff;
	s6 =	sshll.u32 s25, $0x7;
	v61 =	vadd.s32 $0x80, v41  }
0x198: {  	s6 =	sand.u32 $0x3FFFFC00, s6  }
0x199: {  	s8 =	sadd.s32 $0xF2C8, s6  }
0x19a: {  	s6 =	sadd.s32 s7, s8  }
0x19b: {  	s0 =	sadd.s32 s0, s8;
	[tilespmem:s6+$0x0] =	vst v60  }
0x19c: {  	[tilespmem:s0+$0x0] =	vst v59;
	v59 =	vld.idx.msk [tilespmem:v61+s23+$0x0], $0xffff  }
0x19d: {  	v60 =	vadd.s32 $0x100, v41;
	v52 =	vld.idx.msk [tilespmem:v52+s23+$0x0], $0xffff;
	_ =	sdelay $0x3  }
0x19e: {  	[tilespmem:s6+$0x80] =	vst v59  }
0x19f: {  	[tilespmem:s0+$0x80] =	vst v52;
	v62 =	vld.idx.msk [tilespmem:v60+s23+$0x0], $0xffff  }
0x1a0: {  	v63 =	vadd.s32 $0x180, v41;
	v48 =	vld.idx.msk [tilespmem:v48+s23+$0x0], $0xffff  }
0x1a1: {  	[tilespmem:s16+$0x100] =	vst v56  }
0x1a2: {  	[tilespmem:s19+$0x380] =	vst v55;
	v45 =	vld.idx.msk [tilespmem:v45+s23+$0x0], $0xffff  }
0x1a3: {  	v42 =	vld.idx.msk [tilespmem:v42+s23+$0x0], $0xffff;
	[tilespmem:s29+$0x100] =	vst v57  }
0x1a4: {  	v60 =	vld.idx.msk [tilespmem:v58+s23+$0x0], $0xffff;
	[tilespmem:s6+$0x100] =	vst v62  }
0x1a5: {  	v61 =	vadd.s32 $0x200, v33;
	[tilespmem:s0+$0x100] =	vst v48;
	v62 =	vld.idx.msk [tilespmem:v63+s23+$0x0], $0xffff  }
0x1a6: {  	[tilespmem:s3+$0x380] =	vst v54;
	v63 =	vadd.s32 $0x200, v41;
	v49 =	vld.idx.msk [tilespmem:v49+s23+$0x0], $0xffff  }
0x1a7: {  	[tilespmem:s16+$0x180] =	vst v45  }
0x1a8: {  	[tilespmem:s21+$0x300] =	vst v42;
	v44 =	vld.idx.msk [tilespmem:v44+s23+$0x0], $0xffff  }
0x1a9: {  	v39 =	vld.idx.msk [tilespmem:v39+s23+$0x0], $0xffff;
	[tilespmem:s29+$0x180] =	vst v60  }
0x1aa: {  	v56 =	vld.idx.msk [tilespmem:v61+s23+$0x0], $0xffff;
	[tilespmem:s6+$0x180] =	vst v62  }
0x1ab: {  	v57 =	vadd.s32 $0x280, v33;
	[tilespmem:s0+$0x180] =	vst v49;
	v42 =	vld.idx.msk [tilespmem:v63+s23+$0x0], $0xffff  }
0x1ac: {  	[tilespmem:s20+$0x200] =	vst v53;
	v58 =	vadd.s32 $0x280, v41;
	v46 =	vld.idx.msk [tilespmem:v46+s23+$0x0], $0xffff  }
0x1ad: {  	v38 =	vld.idx.msk [tilespmem:v38+s23+$0x0], $0xffff;
	[tilespmem:s16+$0x200] =	vst v44  }
0x1ae: {  	[tilespmem:s21+$0x380] =	vst v39;
	v40 =	vld.idx.msk [tilespmem:v40+s23+$0x0], $0xffff  }
0x1af: {  	[tilespmem:s29+$0x200] =	vst v56  }
0x1b0: {  	v59 =	vadd.s32 $0x300, v32;
	v45 =	vld.idx.msk [tilespmem:v57+s23+$0x0], $0xffff;
	[tilespmem:s6+$0x200] =	vst v42  }
0x1b1: {  	v60 =	vadd.s32 $0x300, v33;
	[tilespmem:s0+$0x200] =	vst v46;
	v39 =	vld.idx.msk [tilespmem:v58+s23+$0x0], $0xffff  }
0x1b2: {  	[tilespmem:s20+$0x280] =	vst v38;
	v61 =	vadd.s32 $0x300, v41;
	v46 =	vld.idx.msk [tilespmem:v47+s23+$0x0], $0xffff  }
0x1b3: {  	v35 =	vld.idx.msk [tilespmem:v35+s23+$0x0], $0xffff;
	[tilespmem:s16+$0x280] =	vst v40  }
0x1b4: {  	[tilespmem:s4+$0x280] =	vst v51;
	v37 =	vld.idx.msk [tilespmem:v37+s23+$0x0], $0xffff  }
0x1b5: {  	v62 =	vld.idx.msk [tilespmem:v59+s23+$0x0], $0xffff;
	[tilespmem:s29+$0x280] =	vst v45  }
0x1b6: {  	v63 =	vadd.s32 $0x380, v32;
	v44 =	vld.idx.msk [tilespmem:v60+s23+$0x0], $0xffff;
	[tilespmem:s6+$0x280] =	vst v39  }
0x1b7: {  	v45 =	vadd.s32 $0x380, v33;
	[tilespmem:s0+$0x280] =	vst v46;
	v39 =	vld.idx.msk [tilespmem:v61+s23+$0x0], $0xffff  }
0x1b8: {  	[tilespmem:s20+$0x300] =	vst v35;
	v47 =	vadd.s32 $0x380, v41;
	v48 =	vld.idx.msk [tilespmem:v50+s23+$0x0], $0xffff  }
0x1b9: {  	v34 =	vld.idx.msk [tilespmem:v34+s23+$0x0], $0xffff;
	[tilespmem:s16+$0x300] =	vst v37  }
0x1ba: {  	v49 =	vld.idx.msk [tilespmem:v36+s23+$0x0], $0xffff;
	[tilespmem:s4+$0x300] =	vst v62  }
0x1bb: {  	v32 =	vld.idx.msk [tilespmem:v63+s23+$0x0], $0xffff;
	[tilespmem:s29+$0x300] =	vst v44  }
0x1bc: {  	v33 =	vld.idx.msk [tilespmem:v45+s23+$0x0], $0xffff;
	[tilespmem:s6+$0x300] =	vst v39  }
0x1bd: {  	[tilespmem:s0+$0x300] =	vst v48;
	v50 =	vld.idx.msk [tilespmem:v47+s23+$0x0], $0xffff  }
0x1be: {  	[tilespmem:s20+$0x380] =	vst v34;
	v51 =	vld.idx.msk [tilespmem:v43+s23+$0x0], $0xffff  }
0x1bf: {  	[tilespmem:s16+$0x380] =	vst v49  }
0x1c0: {  	[tilespmem:s4+$0x380] =	vst v32  }
0x1c1: {  	[tilespmem:s29+$0x380] =	vst v33  }
0x1c2: {  	[tilespmem:s6+$0x380] =	vst v50  }
0x1c3: {  	[tilespmem:s0+$0x380] =	vst v51  }
0x1c4: {  	v32 =	vld [tilespmem:$0x1F40];
	_ =	sdelay $0x4  }
0x1c5: {  	v32 =	vmul.f32 $6.000000000e+00, v32;
	_ =	sdelay $0x1  }
0x1c6: {  	v32 =	vtrunc.f32 v32  }
0x1c7: {  	v32 =	vcvt.f32.s32 v32;
	_ =	sdelay $0x5  }
0x1c8: {  	v33 =	vld.idx.msk [tilespmem:v32+s23+$0x0], $0xffff  }
0x1c9: {  	v52 =	vadd.s32 $0x80, v32;
	_ =	sdelay $0x3  }
0x1ca: {  	[tilespmem:$0x12F08] =	vst v33  }
0x1cb: {  	v33 =	vld.idx.msk [tilespmem:v52+s23+$0x0], $0xffff  }
0x1cc: {  	v53 =	vadd.s32 $0x100, v32;
	_ =	sdelay $0x3  }
0x1cd: {  	[tilespmem:$0x12F88] =	vst v33  }
0x1ce: {  	v33 =	vld.idx.msk [tilespmem:v53+s23+$0x0], $0xffff  }
0x1cf: {  	v54 =	vadd.s32 $0x180, v32;
	_ =	sdelay $0x3  }
0x1d0: {  	[tilespmem:$0x13008] =	vst v33  }
0x1d1: {  	v33 =	vld.idx.msk [tilespmem:v54+s23+$0x0], $0xffff  }
0x1d2: {  	v55 =	vadd.s32 $0x200, v32;
	_ =	sdelay $0x3  }
0x1d3: {  	[tilespmem:$0x13088] =	vst v33  }
0x1d4: {  	v33 =	vld.idx.msk [tilespmem:v55+s23+$0x0], $0xffff  }
0x1d5: {  	v56 =	vadd.s32 $0x280, v32;
	_ =	sdelay $0x3  }
0x1d6: {  	[tilespmem:$0x13108] =	vst v33  }
0x1d7: {  	v33 =	vld.idx.msk [tilespmem:v56+s23+$0x0], $0xffff  }
0x1d8: {  	v57 =	vadd.s32 $0x300, v32;
	_ =	sdelay $0x3  }
0x1d9: {  	[tilespmem:$0x13188] =	vst v33  }
0x1da: {  	v33 =	vld.idx.msk [tilespmem:v57+s23+$0x0], $0xffff  }
0x1db: {  	v32 =	vadd.s32 $0x380, v32;
	_ =	sdelay $0x3  }
0x1dc: {  	[tilespmem:$0x13208] =	vst v33  }
0x1dd: {  	v32 =	vld.idx.msk [tilespmem:v32+s23+$0x0], $0xffff;
	_ =	sdelay $0x1  }
0x1de: {  	s28 =	sadd.s32 s18, s14;
	s9 =	sadd.s32 s18, s15  }
0x1df: {  	s7 =	rddreg [dreg:$0x6];
	s8 =	stileid.u32;
	s6 =	sshrl.u32 s17, $0x2  }
0x1e0: {  	s4 =	sshll.u32 s8, $0x6;
	s29 =	simm.s32 $0xF2C8;
	s3 =	sadd.s32 s6, s7  }
0x1e1: {  	s0 =	simm.s32 $0x0;
	s17 =	sor.u32 $0x1C04, s4;
	s3 =	sshrl.u32 s3, $0x3;
	[tilespmem:$0x13288] =	vst v32  }
0x1e2: {  	[hbm4b:s28+s0] =	stream.linear.scatter [tilespmem:s29], [sflag:$0x7], $0x4000, $0x38;
	[tilespmem:$0x13B48] =	vst v63  }
0x1e3: {  	[hbm:s9], [sflag:s17] =	dma.local [spmem:s3], $0x800  }
0x1e4: {  	s16 =	sshll.u32 s11, $0xD;
	s18 =	rddreg [dreg:$0x8]  }
0x1e5: {  	s3 =	sadd.s32 s18, s16  }
0x1e6: {  	s19 =	rddreg [dreg:$0x0];
	s3 =	sshrl.u32 s3, $0x3  }
0x1e7: {  	s20 =	simm.s32 $0x2000;
	s3 =	sadd.s32 s19, s3  }
0x1e8: {  	[tilespmem:s20], [sflag:$0x2] =	stream.linear.gather [hbm4b:s3+s0], $0x2000, $0x38;
	[tilespmem:$0x13B48] =	vst v63  }
0x1e9: {  	_ =	swait.ge [sflag:s30], $0x2000  }
0x1ea: {  	[sflag:s30] =	ssyncset.done $0x0  }
0x1eb: {  	[sflag:s30] =	ssyncadd.s32 $0xFFFFE000  }
0x1ec: {  	_ =	swait.ge [sflag:s31], $0x4000  }
0x1ed: {  	[sflag:s31] =	ssyncset.done $0x0  }
0x1ee: {  	[sflag:s31] =	ssyncadd.s32 $0xFFFFC000  }
0x1ef: {  	_ =	swait.ge [sflag:s5], $0x4000  }
0x1f0: {  	[sflag:s5] =	ssyncset.done $0x0  }
0x1f1: {  	[sflag:s5] =	ssyncadd.s32 $0xFFFFC000  }
0x1f2: {  	_ =	swait.ge [sflag:s1], $0x4000  }
0x1f3: {  	[sflag:s1] =	ssyncset.done $0x0  }
0x1f4: {  	s21 =	simm.s32 $0x0;
	[sflag:s1] =	ssyncadd.s32 $0xFFFFC000  }
0x1f5: {  	s24 =	sand.u32 $0x60, s0;
	s3 =	sand.u32 $0x3FFFFE00, s21;
	_ =	swait.ge [sflag:s2], $0x800  }
0x1f6: {  	s25 =	sor.u32 $0x10, s24;
	s3 =	sadd.s32 $0x2000, s3;
	[sflag:s2] =	ssyncset.done $0x0  }
0x1f7: {  	s26 =	sor.u32 s25, s3;
	[sflag:s2] =	ssyncadd.s32 $0xFFFFF800  }
0x1f8: {  	s3 =	sor.u32 s24, s3;
	v32 =	vld [tilespmem:s26+$0x0]  }
0x1f9: {  	v58 =	vld [tilespmem:s3+$0x0];
	_ =	sdelay $0x3  }
0x1fa: {  	s28 =	simm.s32 $0x0;
	v33 =	vmul.f32 v32, v16;
	v59 =	vmul.f32 v32, v23  }
0x1fb: {  	s3 =	sand.u32 $0x3FFFFC00, s28;
	v60 =	vmul.f32 v58, v16;
	v61 =	vmul.f32 v58, v17  }
0x1fc: {  	s29 =	sadd.s32 $0x72C8, s3;
	v62 =	vmul.f32 v58, v18;
	v39 =	vmul.f32 v58, v19;
	v63 =	vadd.f32 v59, v31  }
0x1fd: {  	s3 =	sadd.s32 s25, s29;
	v40 =	vmul.f32 v58, v20;
	v35 =	vmul.f32 v58, v21;
	v36 =	vadd.f32 v60, v24  }
0x1fe: {  	s6 =	sadd.s32 s24, s29;
	v38 =	vmul.f32 v58, v22;
	v37 =	vmul.f32 v58, v23;
	v41 =	vadd.f32 v61, v25;
	[tilespmem:s3+$0x380] =	vst v63  }
0x1ff: {  	s4 =	simm.s32 $0x0;
	v34 =	vmul.f32 v32, v18;
	v42 =	vadd.f32 v62, v26;
	[tilespmem:s6+$0x0] =	vst v36;
	v36 =	vmul.f32 v32, v17  }
.LBB2_9:
0x200: {  	s4 =	sadd.s32 $0x2, s4;
	[tilespmem:s6+$0x80] =	vst v41;
	v39 =	vadd.f32 v39, v27;
	v41 =	vmul.f32 v32, v19;
	v43 =	vmul.f32 v32, v20  }
0x201: {  	v40 =	vadd.f32 v40, v28;
	v44 =	vmul.f32 v32, v22;
	s0 =	sadd.s32 $0x20, s0;
	s7 =	sshll.u32 s4, $0x6;
	p1 =	slt.u32 s4, $0x7A;
	[tilespmem:s6+$0x100] =	vst v42;
	v42 =	vmul.f32 v32, v21  }
0x202: {  	s8 =	sand.u32 $0x60, s0;
	v32 =	vadd.f32 v35, v29;
	v35 =	vadd.f32 v38, v30;
	s7 =	sand.u32 $0x3FFFFE00, s7;
	[tilespmem:s6+$0x180] =	vst v39  }
0x203: {  	v37 =	vadd.f32 v37, v31;
	v33 =	vadd.f32 v33, v24;
	s9 =	sor.u32 $0x10, s8;
	s7 =	sadd.s32 $0x2000, s7;
	[tilespmem:s6+$0x200] =	vst v40  }
0x204: {  	v36 =	vadd.f32 v36, v25;
	v34 =	vadd.f32 v34, v26;
	s16 =	sor.u32 s8, s7;
	s7 =	sor.u32 s9, s7;
	[tilespmem:s6+$0x280] =	vst v32  }
0x205: {  	v38 =	vadd.f32 v43, v28;
	v32 =	vld [tilespmem:s7+$0x0];
	[tilespmem:s6+$0x300] =	vst v35;
	v35 =	vadd.f32 v41, v27  }
0x206: {  	v41 =	vadd.f32 v44, v30;
	v43 =	vld [tilespmem:s16+$0x0];
	[tilespmem:s6+$0x380] =	vst v37;
	v37 =	vadd.f32 v42, v29  }
0x207: {  	[tilespmem:s3+$0x0] =	vst v33  }
0x208: {  	[tilespmem:s3+$0x80] =	vst v36  }
0x209: {  	[tilespmem:s3+$0x100] =	vst v34  }
0x20a: {  	s6 =	sshll.u32 s4, $0x7;
	v33 =	vmul.f32 v32, v16;
	v34 =	vmul.f32 v32, v23;
	[tilespmem:s3+$0x180] =	vst v35  }
.Ltmp5:
0x20b: {  	s6 =	sand.u32 $0x3FFFFC00, s6;
	v35 =	vmul.f32 v43, v16;
	v36 =	vmul.f32 v43, v17;
	[tilespmem:s3+$0x200] =	vst v38;
	(pc) =	sbr.rel @p1 .LBB2_9-.Ltmp5, $4  }
0x20c: {  	s7 =	sadd.s32 $0x72C8, s6;
	v42 =	vmul.f32 v43, v18;
	v39 =	vmul.f32 v43, v19;
	v34 =	vadd.f32 v34, v31;
	[tilespmem:s3+$0x280] =	vst v37  }
0x20d: {  	s6 =	sadd.s32 s8, s7;
	v40 =	vmul.f32 v43, v20;
	v44 =	vadd.f32 v35, v24;
	v35 =	vmul.f32 v43, v21;
	[tilespmem:s3+$0x300] =	vst v41;
	s3 =	sadd.s32 s9, s7  }
0x20e: {  	v38 =	vmul.f32 v43, v22;
	v37 =	vmul.f32 v43, v23;
	v41 =	vadd.f32 v36, v25;
	[tilespmem:s3+$0x380] =	vst v34  }
0x20f: {  	v42 =	vadd.f32 v42, v26;
	v36 =	vmul.f32 v32, v17;
	v34 =	vmul.f32 v32, v18;
	[tilespmem:s6+$0x0] =	vst v44  }
0x210: {  	[tilespmem:s6+$0x80] =	vst v41;
	v39 =	vadd.f32 v39, v27  }
0x211: {  	v40 =	vadd.f32 v40, v28;
	[tilespmem:s6+$0x100] =	vst v42  }
0x212: {  	v35 =	vadd.f32 v35, v29;
	[tilespmem:s6+$0x180] =	vst v39  }
0x213: {  	v38 =	vadd.f32 v38, v30;
	[tilespmem:s6+$0x200] =	vst v40  }
0x214: {  	v37 =	vadd.f32 v37, v31;
	[tilespmem:s6+$0x280] =	vst v35  }
0x215: {  	v33 =	vadd.f32 v33, v24;
	[tilespmem:s6+$0x300] =	vst v38  }
0x216: {  	v59 =	vmul.f32 v32, v19;
	v36 =	vadd.f32 v36, v25;
	[tilespmem:s6+$0x380] =	vst v37  }
0x217: {  	v60 =	vmul.f32 v32, v20;
	v34 =	vadd.f32 v34, v26;
	[tilespmem:s3+$0x0] =	vst v33  }
0x218: {  	v61 =	vmul.f32 v32, v21;
	v35 =	vadd.f32 v59, v27;
	[tilespmem:s3+$0x80] =	vst v36  }
0x219: {  	v62 =	vmul.f32 v32, v22;
	v63 =	vadd.f32 v60, v28;
	[tilespmem:s3+$0x100] =	vst v34  }
0x21a: {  	v33 =	vadd.f32 v61, v29;
	[tilespmem:s3+$0x180] =	vst v35  }
0x21b: {  	v32 =	vadd.f32 v62, v30;
	[tilespmem:s3+$0x200] =	vst v63  }
0x21c: {  	[tilespmem:s3+$0x280] =	vst v33  }
0x21d: {  	[tilespmem:s3+$0x300] =	vst v32  }
0x21e: {  	v32 =	vld [tilespmem:$0x3E40];
	_ =	sdelay $0x4  }
0x21f: {  	v38 =	vmul.f32 v32, v16  }
0x220: {  	v39 =	vmul.f32 v32, v17  }
0x221: {  	v40 =	vmul.f32 v32, v18;
	v33 =	vadd.f32 v38, v24  }
0x222: {  	v41 =	vmul.f32 v32, v19;
	v34 =	vadd.f32 v39, v25  }
0x223: {  	v43 =	vmul.f32 v32, v20;
	v42 =	vadd.f32 v40, v26;
	[tilespmem:$0xAF08] =	vst v33  }
0x224: {  	v45 =	vmul.f32 v32, v21;
	v44 =	vadd.f32 v41, v27;
	[tilespmem:$0xAF88] =	vst v34  }
0x225: {  	v47 =	vmul.f32 v32, v22;
	v46 =	vadd.f32 v43, v28;
	[tilespmem:$0xB008] =	vst v42  }
0x226: {  	v32 =	vmul.f32 v32, v23;
	v48 =	vadd.f32 v45, v29;
	[tilespmem:$0xB088] =	vst v44  }
0x227: {  	s11 =	sshll.u32 s11, $0x10;
	v49 =	vadd.f32 v47, v30;
	[tilespmem:$0xB108] =	vst v46  }
0x228: {  	s0 =	sadd.s32 s12, s11;
	v32 =	vadd.f32 v32, v31;
	[tilespmem:$0xB188] =	vst v48  }
0x229: {  	s7 =	rddreg [dreg:$0x5];
	s8 =	simm.s32 $0x0;
	s18 =	sshrl.u32 s0, $0x3;
	[tilespmem:$0xB208] =	vst v49  }
0x22a: {  	s4 =	simm.s32 $0x72C8;
	s9 =	simm.s32 $0x0;
	s0 =	sadd.s32 s7, s18;
	[tilespmem:$0xB288] =	vst v32  }
0x22b: {  	[hbm4b:s0+s8] =	stream.linear.scatter [tilespmem:s4], [sflag:$0x5], $0x4000, $0x38;
	[tilespmem:$0x13B48] =	vst v63  }
0x22c: {  	s3 =	sand.u32 $0x60, s8;
	s0 =	sand.u32 $0x3FFFFE00, s9  }
0x22d: {  	s16 =	sor.u32 $0x10, s3;
	s0 =	sadd.s32 $0x2000, s0  }
0x22e: {  	s19 =	sor.u32 s16, s0  }
0x22f: {  	v32 =	vld [tilespmem:s19+$0x180];
	_ =	sdelay $0x1  }
0x230: {  	s0 =	sor.u32 s3, s0  }
0x231: {  	v50 =	vld [tilespmem:s0+$0x180];
	_ =	sdelay $0x1  }
0x232: {  	v32 =	vmul.f32 $2.300000000e+01, v32  }
0x233: {  	s20 =	simm.s32 $0x80;
	s21 =	simm.s32 $0x20  }
0x234: {  	s6 =	sand.u32 $0x60, s21;
	s0 =	sand.u32 $0x3FFFFE00, s20;
	v32 =	vtrunc.f32 v32  }
0x235: {  	s7 =	sor.u32 $0x10, s6;
	s0 =	sadd.s32 $0x2000, s0;
	v33 =	vcvt.f32.s32 v32;
	v32 =	vmul.f32 $2.300000000e+01, v50  }
0x236: {  	s9 =	sor.u32 s7, s0  }
0x237: {  	s0 =	sor.u32 s6, s0;
	v53 =	vld [tilespmem:s9+$0x180];
	v32 =	vtrunc.f32 v32  }
0x238: {  	v54 =	vld [tilespmem:s0+$0x180];
	v34 =	vcvt.f32.s32 v32;
	_ =	sdelay $0x1  }
0x239: {  	s8 =	simm.s32 $0x0  }
0x23a: {  	s8 =	sand.u32 $0x3FFFFC00, s8;
	v51 =	vld.idx.msk [tilespmem:v33+s22+$0x0], $0xffff  }
0x23b: {  	s24 =	simm.s32 $0x100;
	s25 =	simm.s32 $0x40;
	s8 =	sadd.s32 $0xB2C8, s8;
	v55 =	vmul.f32 $2.300000000e+01, v53;
	v52 =	vadd.s32 $0x80, v33  }
0x23c: {  	s21 =	sadd.s32 s3, s8;
	s3 =	sand.u32 $0x3FFFFE00, s24;
	s0 =	sand.u32 $0x60, s25;
	v32 =	vmul.f32 $2.300000000e+01, v54  }
0x23d: {  	s3 =	sadd.s32 $0x2000, s3;
	s4 =	sor.u32 $0x10, s0;
	v35 =	vtrunc.f32 v55;
	v39 =	vld.idx.msk [tilespmem:v34+s22+$0x0], $0xffff  }
0x23e: {  	s16 =	sadd.s32 s16, s8;
	s28 =	sor.u32 s4, s3;
	v36 =	vcvt.f32.s32 v35;
	v57 =	vadd.s32 $0x80, v34;
	v32 =	vtrunc.f32 v32  }
0x23f: {  	v42 =	vld [tilespmem:s28+$0x180];
	v35 =	vcvt.f32.s32 v32;
	[tilespmem:s16+$0x0] =	vst v51  }
0x240: {  	v38 =	vld.idx.msk [tilespmem:v52+s22+$0x0], $0xffff  }
0x241: {  	v56 =	vadd.s32 $0x100, v33  }
0x242: {  	[tilespmem:s21+$0x0] =	vst v39  }
0x243: {  	v60 =	vld.idx.msk [tilespmem:v57+s22+$0x0], $0xffff  }
0x244: {  	v48 =	vadd.s32 $0x100, v34;
	v61 =	vld.idx.msk [tilespmem:v36+s22+$0x0], $0xffff  }
0x245: {  	s26 =	simm.s32 $0x100;
	v63 =	vadd.s32 $0x80, v36;
	v51 =	vmul.f32 $2.300000000e+01, v42;
	v62 =	vld.idx.msk [tilespmem:v35+s22+$0x0], $0xffff;
	[tilespmem:s16+$0x80] =	vst v38  }
0x246: {  	s8 =	sand.u32 $0x3FFFFC00, s26;
	v43 =	vadd.s32 $0x80, v35;
	v58 =	vld.idx.msk [tilespmem:v56+s22+$0x0], $0xffff  }
0x247: {  	s8 =	sadd.s32 $0xB2C8, s8;
	s3 =	sor.u32 s0, s3;
	v59 =	vadd.s32 $0x180, v33;
	v32 =	vtrunc.f32 v51  }
0x248: {  	v44 =	vld [tilespmem:s3+$0x180];
	s3 =	sadd.s32 s7, s8;
	v32 =	vcvt.f32.s32 v32;
	[tilespmem:s21+$0x80] =	vst v60  }
0x249: {  	s19 =	sadd.s32 s6, s8;
	[tilespmem:s3+$0x0] =	vst v61;
	v50 =	vld.idx.msk [tilespmem:v48+s22+$0x0], $0xffff  }
0x24a: {  	v53 =	vadd.s32 $0x180, v34;
	v49 =	vld.idx.msk [tilespmem:v63+s22+$0x0], $0xffff;
	[tilespmem:s19+$0x0] =	vst v62  }
0x24b: {  	v52 =	vadd.s32 $0x100, v36;
	v54 =	vld.idx.msk [tilespmem:v43+s22+$0x0], $0xffff;
	[tilespmem:s16+$0x100] =	vst v58  }
0x24c: {  	v37 =	vld.idx.msk [tilespmem:v59+s22+$0x0], $0xffff  }
0x24d: {  	s9 =	simm.s32 $0x60;
	s8 =	simm.s32 $0x180;
	v56 =	vadd.s32 $0x100, v35  }
0x24e: {  	s9 =	sand.u32 $0x60, s9;
	s6 =	sand.u32 $0x3FFFFE00, s8;
	v63 =	vld.idx.msk [tilespmem:v32+s22+$0x0], $0xffff;
	[tilespmem:s21+$0x100] =	vst v50  }
0x24f: {  	s25 =	sor.u32 $0x10, s9;
	s6 =	sadd.s32 $0x2000, s6;
	v45 =	vadd.s32 $0x200, v33;
	v55 =	vmul.f32 $2.300000000e+01, v44;
	[tilespmem:s3+$0x80] =	vst v49;
	v39 =	vld.idx.msk [tilespmem:v53+s22+$0x0], $0xffff  }
0x250: {  	s24 =	sor.u32 s25, s6;
	v62 =	vadd.s32 $0x200, v34;
	v38 =	vld.idx.msk [tilespmem:v52+s22+$0x0], $0xffff;
	[tilespmem:s19+$0x80] =	vst v54  }
0x251: {  	s20 =	simm.s32 $0x200;
	v48 =	vld [tilespmem:s24+$0x180];
	v53 =	vadd.s32 $0x80, v32;
	[tilespmem:s16+$0x180] =	vst v37;
	v37 =	vtrunc.f32 v55  }
0x252: {  	s7 =	sand.u32 $0x3FFFFC00, s20;
	s6 =	sor.u32 s9, s6;
	v59 =	vadd.s32 $0x180, v36;
	v60 =	vld.idx.msk [tilespmem:v56+s22+$0x0], $0xffff;
	v37 =	vcvt.f32.s32 v37  }
0x253: {  	s7 =	sadd.s32 $0xB2C8, s7;
	v54 =	vld [tilespmem:s6+$0x180]  }
0x254: {  	s4 =	sadd.s32 s4, s7;
	v49 =	vadd.s32 $0x180, v35;
	v57 =	vld.idx.msk [tilespmem:v45+s22+$0x0], $0xffff;
	[tilespmem:s21+$0x180] =	vst v39  }
0x255: {  	v58 =	vadd.s32 $0x280, v33;
	[tilespmem:s4+$0x0] =	vst v63;
	v43 =	vld.idx.msk [tilespmem:v62+s22+$0x0], $0xffff  }
0x256: {  	[tilespmem:s3+$0x100] =	vst v38;
	v55 =	vadd.s32 $0x280, v34;
	v38 =	vld.idx.msk [tilespmem:v53+s22+$0x0], $0xffff  }
0x257: {  	v40 =	vld.idx.msk [tilespmem:v59+s22+$0x0], $0xffff;
	[tilespmem:s19+$0x100] =	vst v60;
	v60 =	vadd.s32 $0x100, v32  }
0x258: {  	v50 =	vadd.s32 $0x200, v36;
	v52 =	vld.idx.msk [tilespmem:v37+s22+$0x0], $0xffff  }
0x259: {  	v47 =	vadd.s32 $0x80, v37;
	v62 =	vld.idx.msk [tilespmem:v49+s22+$0x0], $0xffff;
	[tilespmem:s16+$0x200] =	vst v57  }
0x25a: {  	v61 =	vld.idx.msk [tilespmem:v58+s22+$0x0], $0xffff;
	[tilespmem:s21+$0x200] =	vst v43  }
0x25b: {  	s26 =	simm.s32 $0x200;
	v46 =	vadd.s32 $0x300, v33;
	[tilespmem:s4+$0x80] =	vst v38;
	v42 =	vld.idx.msk [tilespmem:v55+s22+$0x0], $0xffff  }
0x25c: {  	s20 =	sadd.s32 s0, s7;
	s7 =	sand.u32 $0x3FFFFE00, s26;
	s6 =	simm.s32 $0x80;
	v63 =	vadd.s32 $0x200, v35;
	v59 =	vmul.f32 $2.300000000e+01, v48;
	[tilespmem:s3+$0x180] =	vst v40;
	v55 =	vld.idx.msk [tilespmem:v60+s22+$0x0], $0xffff  }
0x25d: {  	s28 =	sadd.s32 $0x2000, s7;
	s0 =	sand.u32 $0x60, s6;
	v39 =	vmul.f32 $2.300000000e+01, v54;
	v60 =	vadd.s32 $0x300, v34;
	[tilespmem:s20+$0x0] =	vst v52;
	v52 =	vld.idx.msk [tilespmem:v50+s22+$0x0], $0xffff  }
0x25e: {  	s8 =	sor.u32 s0, s28;
	v53 =	vadd.s32 $0x280, v36;
	v57 =	vadd.s32 $0x380, v33;
	v33 =	vtrunc.f32 v59;
	v58 =	vld.idx.msk [tilespmem:v47+s22+$0x0], $0xffff  }
0x25f: {  	v51 =	vld [tilespmem:s8+$0x180];
	v33 =	vcvt.f32.s32 v33;
	[tilespmem:s16+$0x280] =	vst v61;
	v61 =	vadd.s32 $0x100, v37  }
0x260: {  	v39 =	vtrunc.f32 v39;
	[tilespmem:s19+$0x180] =	vst v62;
	v56 =	vld.idx.msk [tilespmem:v46+s22+$0x0], $0xffff  }
0x261: {  	v62 =	vld.idx.msk [tilespmem:v63+s22+$0x0], $0xffff;
	v50 =	vcvt.f32.s32 v39;
	[tilespmem:s21+$0x280] =	vst v42  }
0x262: {  	v41 =	vld.idx.msk [tilespmem:v60+s22+$0x0], $0xffff;
	[tilespmem:s3+$0x200] =	vst v52  }
0x263: {  	[tilespmem:s20+$0x80] =	vst v58;
	v63 =	vld.idx.msk [tilespmem:v53+s22+$0x0], $0xffff  }
0x264: {  	v44 =	vld.idx.msk [tilespmem:v61+s22+$0x0], $0xffff;
	v61 =	vadd.s32 $0x180, v32  }
0x265: {  	[tilespmem:s16+$0x300] =	vst v56;
	v56 =	vld.idx.msk [tilespmem:v33+s22+$0x0], $0xffff;
	v58 =	vadd.s32 $0x300, v36  }
0x266: {  	s24 =	simm.s32 $0x300;
	s7 =	sor.u32 $0x10, s0;
	v59 =	vadd.s32 $0x80, v33;
	[tilespmem:s4+$0x100] =	vst v55;
	v54 =	vld.idx.msk [tilespmem:v57+s22+$0x0], $0xffff  }
0x267: {  	s24 =	sand.u32 $0x3FFFFC00, s24;
	s26 =	sor.u32 s7, s28;
	[tilespmem:s19+$0x200] =	vst v62;
	v53 =	vadd.s32 $0x280, v35;
	v57 =	vld.idx.msk [tilespmem:v50+s22+$0x0], $0xffff  }
0x268: {  	s28 =	sadd.s32 $0xB2C8, s24;
	v38 =	vld [tilespmem:s26+$0x180];
	v60 =	vadd.s32 $0x80, v50;
	[tilespmem:s21+$0x300] =	vst v41  }
0x269: {  	s29 =	sadd.s32 s25, s28;
	[tilespmem:s3+$0x280] =	vst v63;
	v45 =	vld.idx.msk [tilespmem:v61+s22+$0x0], $0xffff;
	v61 =	vadd.s32 $0x180, v37  }
0x26a: {  	v52 =	vadd.s32 $0x200, v32;
	[tilespmem:s29+$0x0] =	vst v56;
	v47 =	vld.idx.msk [tilespmem:v58+s22+$0x0], $0xffff  }
0x26b: {  	v55 =	vadd.s32 $0x380, v36;
	[tilespmem:s16+$0x380] =	vst v54;
	s16 =	sadd.s32 s9, s28;
	v42 =	vld.idx.msk [tilespmem:v59+s22+$0x0], $0xffff  }
0x26c: {  	v40 =	vadd.s32 $0x300, v35;
	v46 =	vmul.f32 $2.300000000e+01, v51;
	v51 =	vld.idx.msk [tilespmem:v53+s22+$0x0], $0xffff;
	v54 =	vadd.s32 $0x380, v34;
	[tilespmem:s16+$0x0] =	vst v57  }
0x26d: {  	v39 =	vadd.s32 $0x280, v37;
	v62 =	vmul.f32 $2.300000000e+01, v38;
	[tilespmem:s20+$0x100] =	vst v44;
	v57 =	vadd.s32 $0x100, v33;
	v56 =	vld.idx.msk [tilespmem:v60+s22+$0x0], $0xffff  }
0x26e: {  	v43 =	vadd.s32 $0x200, v50;
	v46 =	vtrunc.f32 v46;
	v58 =	vld.idx.msk [tilespmem:v61+s22+$0x0], $0xffff;
	[tilespmem:s4+$0x180] =	vst v45;
	v45 =	vadd.s32 $0x100, v50  }
0x26f: {  	v48 =	vcvt.f32.s32 v46;
	v63 =	vtrunc.f32 v62;
	v59 =	vadd.s32 $0x200, v37;
	[tilespmem:s3+$0x300] =	vst v47;
	v60 =	vld.idx.msk [tilespmem:v52+s22+$0x0], $0xffff  }
0x270: {  	v38 =	vadd.s32 $0x300, v50;
	[tilespmem:s29+$0x80] =	vst v42;
	v42 =	vcvt.f32.s32 v63;
	v52 =	vld.idx.msk [tilespmem:v55+s22+$0x0], $0xffff;
	v55 =	vadd.s32 $0x280, v32  }
0x271: {  	v35 =	vadd.s32 $0x380, v35;
	v36 =	vadd.s32 $0x300, v37;
	v49 =	vadd.s32 $0x180, v48;
	v53 =	vld.idx.msk [tilespmem:v54+s22+$0x0], $0xffff  }
0x272: {  	v46 =	vadd.s32 $0x280, v48;
	v41 =	vadd.s32 $0x280, v50;
	v34 =	vadd.s32 $0x380, v37;
	v57 =	vld.idx.msk [tilespmem:v57+s22+$0x0], $0xffff;
	[tilespmem:s16+$0x80] =	vst v56  }
0x273: {  	v44 =	vadd.s32 $0x180, v50;
	v37 =	vadd.s32 $0x380, v50;
	v50 =	vadd.s32 $0x80, v48;
	v56 =	vld.idx.msk [tilespmem:v45+s22+$0x0], $0xffff;
	[tilespmem:s20+$0x180] =	vst v58  }
0x274: {  	s25 =	simm.s32 $0x8;
	s9 =	simm.s32 $0x8;
	v47 =	vadd.s32 $0x100, v48;
	v45 =	vadd.s32 $0x200, v48;
	v58 =	vadd.s32 $0x180, v33;
	v54 =	vld.idx.msk [tilespmem:v59+s22+$0x0], $0xffff;
	[tilespmem:s4+$0x200] =	vst v60  }
.LBB2_11:
0x275: {  	s9 =	sadd.s32 $0x2, s9;
	v59 =	vadd.s32 $0x300, v48;
	v60 =	vadd.s32 $0x380, v48;
	v55 =	vld.idx.msk [tilespmem:v55+s22+$0x0], $0xffff;
	[tilespmem:s19+$0x280] =	vst v51  }
0x276: {  	s6 =	sadd.s32 $0x20, s6;
	s8 =	sshll.u32 s9, $0x6;
	p1 =	slt.u32 s9, $0x7A;
	v51 =	vld.idx.msk [tilespmem:v42+s22+$0x0], $0xffff;
	[tilespmem:s21+$0x380] =	vst v53  }
0x277: {  	s24 =	sand.u32 $0x60, s6;
	v53 =	vadd.s32 $0x300, v32;
	s21 =	smov.u32 s19;
	s8 =	sand.u32 $0x3FFFFE00, s8;
	v48 =	vld.idx.msk [tilespmem:v48+s22+$0x0], $0xffff;
	[tilespmem:s3+$0x380] =	vst v52  }
0x278: {  	s19 =	sshll.u32 s25, $0x7;
	v52 =	vadd.s32 $0x80, v42;
	s3 =	sadd.s32 $0x2000, s8;
	s8 =	sor.u32 $0x10, s24;
	[tilespmem:s29+$0x100] =	vst v57;
	v57 =	vld.idx.msk [tilespmem:v40+s22+$0x0], $0xffff;
	v40 =	vmovc v36;
	v36 =	vmov v38;
	v38 =	vmov v59  }
0x279: {  	s19 =	sand.u32 $0x3FFFFC00, s19;
	s26 =	sor.u32 s24, s3;
	s3 =	sor.u32 s8, s3;
	[tilespmem:s16+$0x100] =	vst v56;
	v56 =	vld.idx.msk [tilespmem:v58+s22+$0x0], $0xffff  }
0x27a: {  	s25 =	smov.u32 s9;
	v58 =	vld [tilespmem:s3+$0x180];
	s3 =	sadd.s32 $0xB2C8, s19;
	[tilespmem:s20+$0x200] =	vst v54;
	s19 =	smov.u32 s20  }
0x27b: {  	v59 =	vadd.s32 $0x200, v33;
	v54 =	vld [tilespmem:s26+$0x180];
	s26 =	sadd.s32 s0, s3;
	s28 =	sadd.s32 s7, s3;
	[tilespmem:s4+$0x280] =	vst v55;
	s0 =	smov.u32 s24  }
0x27c: {  	s20 =	smov.u32 s16;
	s7 =	smov.u32 s8;
	[tilespmem:s28+$0x0] =	vst v51;
	v53 =	vld.idx.msk [tilespmem:v53+s22+$0x0], $0xffff;
	s16 =	smov.u32 s26  }
0x27d: {  	s3 =	smov.u32 s4;
	s4 =	smov.u32 s29;
	s29 =	smov.u32 s28;
	[tilespmem:s16+$0x0] =	vst v48;
	v52 =	vld.idx.msk [tilespmem:v52+s22+$0x0], $0xffff  }
0x27e: {  	v61 =	vadd.s32 $0x380, v32;
	v32 =	vmov v33;
	v33 =	vmov v42;
	v50 =	vld.idx.msk [tilespmem:v50+s22+$0x0], $0xffff;
	[tilespmem:s21+$0x300] =	vst v57  }
0x27f: {  	v57 =	vadd.s32 $0x100, v33;
	v42 =	vmul.f32 $2.300000000e+01, v58;
	v58 =	vld.idx.msk [tilespmem:v44+s22+$0x0], $0xffff;
	[tilespmem:s4+$0x180] =	vst v56;
	v44 =	vmov v49  }
0x280: {  	v48 =	vmul.f32 $2.300000000e+01, v54;
	v59 =	vld.idx.msk [tilespmem:v59+s22+$0x0], $0xffff  }
0x281: {  	v42 =	vtrunc.f32 v42;
	v51 =	vld.idx.msk [tilespmem:v39+s22+$0x0], $0xffff;
	v39 =	vmov v41;
	v41 =	vmov v46  }
.Ltmp6:
0x282: {  	v55 =	vadd.s32 $0x280, v32;
	v46 =	vtrunc.f32 v48;
	v42 =	vcvt.f32.s32 v42;
	[tilespmem:s3+$0x300] =	vst v53;
	v53 =	vld.idx.msk [tilespmem:v35+s22+$0x0], $0xffff;
	v35 =	vmovc v34;
	v34 =	vmovc v37;
	(pc) =	sbr.rel @p1 .LBB2_11-.Ltmp6, $4  }
0x283: {  	v37 =	vmov v60;
	v48 =	vcvt.f32.s32 v46;
	[tilespmem:s29+$0x80] =	vst v52;
	v52 =	vld.idx.msk [tilespmem:v61+s22+$0x0], $0xffff  }
0x284: {  	[tilespmem:s16+$0x80] =	vst v50;
	v57 =	vld.idx.msk [tilespmem:v57+s22+$0x0], $0xffff  }
0x285: {  	v50 =	vadd.s32 $0x80, v48;
	v49 =	vadd.s32 $0x180, v48;
	v56 =	vld.idx.msk [tilespmem:v47+s22+$0x0], $0xffff;
	v47 =	vadd.s32 $0x100, v48;
	[tilespmem:s20+$0x180] =	vst v58  }
0x286: {  	v46 =	vadd.s32 $0x280, v48;
	v58 =	vadd.s32 $0x180, v33;
	v54 =	vld.idx.msk [tilespmem:v43+s22+$0x0], $0xffff;
	[tilespmem:s4+$0x200] =	vst v59;
	v43 =	vmovc v45;
	v45 =	vadd.s32 $0x200, v48  }
0x287: {  	_ =	sdelay $0x3  }
0x288: {  	v59 =	vld.idx.msk [tilespmem:v42+s22+$0x0], $0xffff  }
0x289: {  	v60 =	vld.idx.msk [tilespmem:v48+s22+$0x0], $0xffff;
	s6 =	sshll.u32 s25, $0x7;
	v61 =	vadd.s32 $0x80, v42  }
0x28a: {  	s6 =	sand.u32 $0x3FFFFC00, s6  }
0x28b: {  	s8 =	sadd.s32 $0xB2C8, s6  }
0x28c: {  	s6 =	sadd.s32 s7, s8  }
0x28d: {  	s0 =	sadd.s32 s0, s8;
	[tilespmem:s6+$0x0] =	vst v59  }
0x28e: {  	[tilespmem:s0+$0x0] =	vst v60;
	v59 =	vld.idx.msk [tilespmem:v61+s22+$0x0], $0xffff  }
0x28f: {  	v60 =	vadd.s32 $0x100, v42;
	v50 =	vld.idx.msk [tilespmem:v50+s22+$0x0], $0xffff;
	_ =	sdelay $0x3  }
0x290: {  	[tilespmem:s6+$0x80] =	vst v59  }
0x291: {  	[tilespmem:s0+$0x80] =	vst v50;
	v63 =	vld.idx.msk [tilespmem:v60+s22+$0x0], $0xffff  }
0x292: {  	[tilespmem:s19+$0x280] =	vst v51;
	v47 =	vld.idx.msk [tilespmem:v47+s22+$0x0], $0xffff;
	v60 =	vadd.s32 $0x180, v42  }
0x293: {  	[tilespmem:s21+$0x380] =	vst v53  }
0x294: {  	[tilespmem:s16+$0x100] =	vst v56  }
0x295: {  	[tilespmem:s29+$0x100] =	vst v57;
	v44 =	vld.idx.msk [tilespmem:v44+s22+$0x0], $0xffff  }
0x296: {  	v61 =	vld.idx.msk [tilespmem:v58+s22+$0x0], $0xffff;
	[tilespmem:s6+$0x100] =	vst v63  }
0x297: {  	v62 =	vadd.s32 $0x200, v33;
	[tilespmem:s0+$0x100] =	vst v47;
	v63 =	vld.idx.msk [tilespmem:v60+s22+$0x0], $0xffff  }
0x298: {  	[tilespmem:s3+$0x380] =	vst v52;
	v57 =	vadd.s32 $0x200, v42;
	v49 =	vld.idx.msk [tilespmem:v49+s22+$0x0], $0xffff  }
0x299: {  	v40 =	vld.idx.msk [tilespmem:v40+s22+$0x0], $0xffff;
	[tilespmem:s20+$0x200] =	vst v54  }
0x29a: {  	v39 =	vld.idx.msk [tilespmem:v39+s22+$0x0], $0xffff;
	[tilespmem:s16+$0x180] =	vst v44  }
0x29b: {  	v43 =	vld.idx.msk [tilespmem:v43+s22+$0x0], $0xffff;
	[tilespmem:s29+$0x180] =	vst v61  }
0x29c: {  	v53 =	vld.idx.msk [tilespmem:v62+s22+$0x0], $0xffff;
	[tilespmem:s6+$0x180] =	vst v63  }
0x29d: {  	v60 =	vadd.s32 $0x280, v33;
	[tilespmem:s0+$0x180] =	vst v49;
	v47 =	vld.idx.msk [tilespmem:v57+s22+$0x0], $0xffff  }
0x29e: {  	[tilespmem:s19+$0x300] =	vst v40;
	v61 =	vadd.s32 $0x280, v42;
	v45 =	vld.idx.msk [tilespmem:v45+s22+$0x0], $0xffff  }
0x29f: {  	v58 =	vld.idx.msk [tilespmem:v55+s22+$0x0], $0xffff;
	[tilespmem:s20+$0x280] =	vst v39  }
0x2a0: {  	v35 =	vld.idx.msk [tilespmem:v35+s22+$0x0], $0xffff;
	[tilespmem:s16+$0x200] =	vst v43  }
0x2a1: {  	v59 =	vadd.s32 $0x300, v32;
	v41 =	vld.idx.msk [tilespmem:v41+s22+$0x0], $0xffff;
	[tilespmem:s29+$0x200] =	vst v53  }
0x2a2: {  	v63 =	vld.idx.msk [tilespmem:v60+s22+$0x0], $0xffff;
	[tilespmem:s6+$0x200] =	vst v47  }
0x2a3: {  	v51 =	vadd.s32 $0x300, v33;
	[tilespmem:s0+$0x200] =	vst v45;
	v52 =	vld.idx.msk [tilespmem:v61+s22+$0x0], $0xffff  }
0x2a4: {  	[tilespmem:s4+$0x280] =	vst v58;
	v53 =	vadd.s32 $0x300, v42;
	v46 =	vld.idx.msk [tilespmem:v46+s22+$0x0], $0xffff  }
0x2a5: {  	v54 =	vadd.s32 $0x300, v48;
	v36 =	vld.idx.msk [tilespmem:v36+s22+$0x0], $0xffff;
	[tilespmem:s19+$0x380] =	vst v35  }
0x2a6: {  	v62 =	vld.idx.msk [tilespmem:v59+s22+$0x0], $0xffff;
	[tilespmem:s16+$0x280] =	vst v41  }
0x2a7: {  	v55 =	vadd.s32 $0x380, v32;
	v38 =	vld.idx.msk [tilespmem:v38+s22+$0x0], $0xffff;
	[tilespmem:s29+$0x280] =	vst v63  }
0x2a8: {  	v56 =	vld.idx.msk [tilespmem:v51+s22+$0x0], $0xffff;
	[tilespmem:s6+$0x280] =	vst v52  }
0x2a9: {  	v57 =	vadd.s32 $0x380, v33;
	[tilespmem:s0+$0x280] =	vst v46;
	v58 =	vld.idx.msk [tilespmem:v53+s22+$0x0], $0xffff  }
0x2aa: {  	v59 =	vadd.s32 $0x380, v42;
	[tilespmem:s20+$0x300] =	vst v36;
	v60 =	vld.idx.msk [tilespmem:v54+s22+$0x0], $0xffff  }
0x2ab: {  	v34 =	vld.idx.msk [tilespmem:v34+s22+$0x0], $0xffff;
	[tilespmem:s4+$0x300] =	vst v62;
	v61 =	vadd.s32 $0x380, v48  }
0x2ac: {  	v32 =	vld.idx.msk [tilespmem:v55+s22+$0x0], $0xffff;
	[tilespmem:s16+$0x300] =	vst v38  }
0x2ad: {  	v62 =	vld.idx.msk [tilespmem:v37+s22+$0x0], $0xffff;
	[tilespmem:s29+$0x300] =	vst v56  }
0x2ae: {  	v33 =	vld.idx.msk [tilespmem:v57+s22+$0x0], $0xffff;
	[tilespmem:s6+$0x300] =	vst v58  }
0x2af: {  	[tilespmem:s0+$0x300] =	vst v60;
	v35 =	vld.idx.msk [tilespmem:v59+s22+$0x0], $0xffff  }
0x2b0: {  	[tilespmem:s20+$0x380] =	vst v34;
	v63 =	vld.idx.msk [tilespmem:v61+s22+$0x0], $0xffff  }
0x2b1: {  	[tilespmem:s4+$0x380] =	vst v32  }
0x2b2: {  	[tilespmem:s16+$0x380] =	vst v62  }
0x2b3: {  	[tilespmem:s29+$0x380] =	vst v33  }
0x2b4: {  	[tilespmem:s6+$0x380] =	vst v35  }
0x2b5: {  	[tilespmem:s0+$0x380] =	vst v63  }
0x2b6: {  	v32 =	vld [tilespmem:$0x3FC0];
	_ =	sdelay $0x4  }
0x2b7: {  	v32 =	vmul.f32 $2.300000000e+01, v32;
	_ =	sdelay $0x1  }
0x2b8: {  	v32 =	vtrunc.f32 v32  }
0x2b9: {  	v32 =	vcvt.f32.s32 v32;
	_ =	sdelay $0x5  }
0x2ba: {  	v33 =	vld.idx.msk [tilespmem:v32+s22+$0x0], $0xffff  }
0x2bb: {  	v36 =	vadd.s32 $0x80, v32;
	_ =	sdelay $0x3  }
0x2bc: {  	[tilespmem:$0xEF08] =	vst v33  }
0x2bd: {  	v33 =	vld.idx.msk [tilespmem:v36+s22+$0x0], $0xffff  }
0x2be: {  	v37 =	vadd.s32 $0x100, v32;
	_ =	sdelay $0x3  }
0x2bf: {  	[tilespmem:$0xEF88] =	vst v33  }
0x2c0: {  	v33 =	vld.idx.msk [tilespmem:v37+s22+$0x0], $0xffff  }
0x2c1: {  	v38 =	vadd.s32 $0x180, v32;
	_ =	sdelay $0x3  }
0x2c2: {  	[tilespmem:$0xF008] =	vst v33  }
0x2c3: {  	v33 =	vld.idx.msk [tilespmem:v38+s22+$0x0], $0xffff  }
0x2c4: {  	v39 =	vadd.s32 $0x200, v32;
	_ =	sdelay $0x3  }
0x2c5: {  	[tilespmem:$0xF088] =	vst v33  }
0x2c6: {  	v33 =	vld.idx.msk [tilespmem:v39+s22+$0x0], $0xffff  }
0x2c7: {  	v40 =	vadd.s32 $0x280, v32;
	_ =	sdelay $0x3  }
0x2c8: {  	[tilespmem:$0xF108] =	vst v33  }
0x2c9: {  	v33 =	vld.idx.msk [tilespmem:v40+s22+$0x0], $0xffff  }
0x2ca: {  	v41 =	vadd.s32 $0x300, v32;
	_ =	sdelay $0x3  }
0x2cb: {  	[tilespmem:$0xF188] =	vst v33  }
0x2cc: {  	v33 =	vld.idx.msk [tilespmem:v41+s22+$0x0], $0xffff  }
0x2cd: {  	v32 =	vadd.s32 $0x380, v32;
	_ =	sdelay $0x3  }
0x2ce: {  	[tilespmem:$0xF208] =	vst v33  }
0x2cf: {  	v32 =	vld.idx.msk [tilespmem:v32+s22+$0x0], $0xffff;
	_ =	sdelay $0x1  }
0x2d0: {  	s26 =	simm.s32 $0x0;
	s6 =	simm.s32 $0x0  }
0x2d1: {  	s3 =	sand.u32 $0x60, s26;
	s0 =	sand.u32 $0x3FFFFE00, s6  }
0x2d2: {  	s7 =	sor.u32 $0x10, s3;
	s0 =	sadd.s32 $0x2000, s0  }
0x2d3: {  	s25 =	sadd.s32 s18, s13;
	s28 =	simm.s32 $0xB2C8;
	s9 =	sor.u32 s7, s0;
	[tilespmem:$0xF288] =	vst v32  }
0x2d4: {  	[hbm4b:s25+s26] =	stream.linear.scatter [tilespmem:s28], [sflag:$0x6], $0x4000, $0x38;
	[tilespmem:$0x13B48] =	vst v63  }
0x2d5: {  	v32 =	vld [tilespmem:s9+$0x100];
	_ =	sdelay $0x4  }
0x2d6: {  	v32 =	vmul.f32 $6.000000000e+00, v32;
	_ =	sdelay $0x1  }
0x2d7: {  	v32 =	vtrunc.f32 v32  }
0x2d8: {  	v33 =	vcvt.f32.s32 v32  }
0x2d9: {  	s0 =	sor.u32 s3, s0  }
0x2da: {  	v42 =	vld [tilespmem:s0+$0x100]  }
0x2db: {  	s19 =	simm.s32 $0x20;
	s16 =	simm.s32 $0x80  }
0x2dc: {  	s6 =	sand.u32 $0x60, s19;
	s0 =	sand.u32 $0x3FFFFE00, s16  }
0x2dd: {  	s20 =	sor.u32 $0x10, s6;
	s0 =	sadd.s32 $0x2000, s0  }
0x2de: {  	s9 =	sor.u32 s20, s0;
	v35 =	vld.idx.msk [tilespmem:v33+s23+$0x0], $0xffff  }
0x2df: {  	s21 =	simm.s32 $0x0;
	v44 =	vld [tilespmem:s9+$0x100];
	v32 =	vmul.f32 $6.000000000e+00, v42;
	v43 =	vadd.s32 $0x80, v33  }
0x2e0: {  	s8 =	sand.u32 $0x3FFFFC00, s21  }
0x2e1: {  	s8 =	sadd.s32 $0xF2C8, s8;
	v32 =	vtrunc.f32 v32  }
0x2e2: {  	s16 =	sadd.s32 s7, s8;
	s0 =	sor.u32 s6, s0;
	v34 =	vcvt.f32.s32 v32  }
0x2e3: {  	v45 =	vld [tilespmem:s0+$0x100];
	[tilespmem:s16+$0x0] =	vst v35  }
0x2e4: {  	v46 =	vmul.f32 $6.000000000e+00, v44;
	v38 =	vld.idx.msk [tilespmem:v43+s23+$0x0], $0xffff  }
0x2e5: {  	s24 =	simm.s32 $0x100;
	s25 =	simm.s32 $0x40;
	v47 =	vadd.s32 $0x100, v33  }
0x2e6: {  	s21 =	sadd.s32 s3, s8;
	s3 =	sand.u32 $0x3FFFFE00, s24;
	s0 =	sand.u32 $0x60, s25;
	v35 =	vtrunc.f32 v46  }
0x2e7: {  	s3 =	sadd.s32 $0x2000, s3;
	s4 =	sor.u32 $0x10, s0;
	v36 =	vcvt.f32.s32 v35  }
0x2e8: {  	s28 =	sor.u32 s4, s3;
	v39 =	vld.idx.msk [tilespmem:v34+s23+$0x0], $0xffff  }
0x2e9: {  	v56 =	vld [tilespmem:s28+$0x100];
	v32 =	vmul.f32 $6.000000000e+00, v45;
	v48 =	vadd.s32 $0x80, v34;
	[tilespmem:s16+$0x80] =	vst v38  }
0x2ea: {  	v49 =	vld.idx.msk [tilespmem:v47+s23+$0x0], $0xffff  }
0x2eb: {  	v50 =	vadd.s32 $0x180, v33;
	v32 =	vtrunc.f32 v32  }
0x2ec: {  	v35 =	vcvt.f32.s32 v32  }
0x2ed: {  	s26 =	simm.s32 $0x100;
	[tilespmem:s21+$0x0] =	vst v39;
	v52 =	vld.idx.msk [tilespmem:v36+s23+$0x0], $0xffff  }
0x2ee: {  	s8 =	sand.u32 $0x3FFFFC00, s26;
	s3 =	sor.u32 s0, s3;
	v61 =	vmul.f32 $6.000000000e+00, v56;
	v54 =	vadd.s32 $0x80, v36;
	v51 =	vld.idx.msk [tilespmem:v48+s23+$0x0], $0xffff  }
0x2ef: {  	s8 =	sadd.s32 $0xF2C8, s8;
	v44 =	vld [tilespmem:s3+$0x100];
	v55 =	vadd.s32 $0x100, v34;
	[tilespmem:s16+$0x100] =	vst v49  }
0x2f0: {  	s19 =	sadd.s32 s6, s8;
	v32 =	vtrunc.f32 v61;
	v37 =	vld.idx.msk [tilespmem:v50+s23+$0x0], $0xffff  }
0x2f1: {  	s9 =	simm.s32 $0x60;
	s3 =	sadd.s32 s20, s8;
	s8 =	simm.s32 $0x180;
	v58 =	vadd.s32 $0x200, v33;
	v32 =	vcvt.f32.s32 v32  }
0x2f2: {  	s9 =	sand.u32 $0x60, s9;
	s6 =	sand.u32 $0x3FFFFE00, s8;
	v53 =	vld.idx.msk [tilespmem:v35+s23+$0x0], $0xffff;
	[tilespmem:s3+$0x0] =	vst v52  }
0x2f3: {  	s25 =	sor.u32 $0x10, s9;
	s6 =	sadd.s32 $0x2000, s6;
	v57 =	vadd.s32 $0x80, v35;
	[tilespmem:s21+$0x80] =	vst v51;
	v59 =	vld.idx.msk [tilespmem:v54+s23+$0x0], $0xffff  }
0x2f4: {  	s24 =	sor.u32 s25, s6;
	v62 =	vadd.s32 $0x100, v36;
	v60 =	vld.idx.msk [tilespmem:v55+s23+$0x0], $0xffff;
	v49 =	vmul.f32 $6.000000000e+00, v44  }
0x2f5: {  	v63 =	vadd.s32 $0x180, v34;
	v61 =	vld [tilespmem:s24+$0x100];
	[tilespmem:s16+$0x180] =	vst v37  }
0x2f6: {  	v37 =	vtrunc.f32 v49;
	v51 =	vld.idx.msk [tilespmem:v58+s23+$0x0], $0xffff  }
0x2f7: {  	v56 =	vld.idx.msk [tilespmem:v32+s23+$0x0], $0xffff;
	[tilespmem:s19+$0x0] =	vst v53;
	v52 =	vadd.s32 $0x280, v33;
	v37 =	vcvt.f32.s32 v37  }
0x2f8: {  	v48 =	vld.idx.msk [tilespmem:v57+s23+$0x0], $0xffff;
	[tilespmem:s3+$0x80] =	vst v59  }
0x2f9: {  	v50 =	vadd.s32 $0x100, v35;
	[tilespmem:s21+$0x100] =	vst v60;
	v38 =	vld.idx.msk [tilespmem:v62+s23+$0x0], $0xffff  }
0x2fa: {  	s6 =	sor.u32 s9, s6;
	v53 =	vadd.s32 $0x180, v36;
	v39 =	vld.idx.msk [tilespmem:v63+s23+$0x0], $0xffff  }
0x2fb: {  	v55 =	vadd.s32 $0x200, v34;
	v63 =	vld [tilespmem:s6+$0x100];
	[tilespmem:s16+$0x200] =	vst v51  }
0x2fc: {  	s20 =	simm.s32 $0x200;
	v59 =	vadd.s32 $0x80, v32;
	v54 =	vld.idx.msk [tilespmem:v52+s23+$0x0], $0xffff  }
0x2fd: {  	s7 =	sand.u32 $0x3FFFFC00, s20;
	[tilespmem:s19+$0x80] =	vst v48;
	v58 =	vadd.s32 $0x300, v33;
	v57 =	vld.idx.msk [tilespmem:v37+s23+$0x0], $0xffff  }
0x2fe: {  	s7 =	sadd.s32 $0xF2C8, s7;
	v41 =	vld.idx.msk [tilespmem:v50+s23+$0x0], $0xffff;
	v60 =	vadd.s32 $0x80, v37;
	[tilespmem:s3+$0x100] =	vst v38  }
0x2ff: {  	s4 =	sadd.s32 s4, s7;
	v62 =	vadd.s32 $0x180, v35;
	[tilespmem:s21+$0x180] =	vst v39;
	v40 =	vld.idx.msk [tilespmem:v53+s23+$0x0], $0xffff  }
0x300: {  	[tilespmem:s4+$0x0] =	vst v56;
	v43 =	vld.idx.msk [tilespmem:v55+s23+$0x0], $0xffff;
	v52 =	vadd.s32 $0x200, v36  }
0x301: {  	s20 =	sadd.s32 s0, s7;
	v38 =	vld.idx.msk [tilespmem:v59+s23+$0x0], $0xffff;
	[tilespmem:s16+$0x280] =	vst v54  }
0x302: {  	s26 =	simm.s32 $0x200;
	v53 =	vadd.s32 $0x280, v34;
	[tilespmem:s20+$0x0] =	vst v57;
	v54 =	vld.idx.msk [tilespmem:v58+s23+$0x0], $0xffff  }
0x303: {  	s7 =	sand.u32 $0x3FFFFE00, s26;
	s6 =	simm.s32 $0x80;
	[tilespmem:s19+$0x100] =	vst v41;
	v56 =	vld.idx.msk [tilespmem:v60+s23+$0x0], $0xffff  }
0x304: {  	s28 =	sadd.s32 $0x2000, s7;
	s0 =	sand.u32 $0x60, s6;
	v57 =	vmul.f32 $6.000000000e+00, v61;
	[tilespmem:s3+$0x180] =	vst v40;
	v58 =	vadd.s32 $0x100, v32;
	v60 =	vld.idx.msk [tilespmem:v62+s23+$0x0], $0xffff  }
0x305: {  	s8 =	sor.u32 s0, s28;
	v39 =	vmul.f32 $6.000000000e+00, v63;
	v55 =	vadd.s32 $0x380, v33;
	v62 =	vld.idx.msk [tilespmem:v52+s23+$0x0], $0xffff  }
0x306: {  	s7 =	sor.u32 $0x10, s0;
	v63 =	vadd.s32 $0x280, v36;
	v51 =	vld [tilespmem:s8+$0x100];
	[tilespmem:s21+$0x200] =	vst v43;
	v33 =	vtrunc.f32 v57  }
0x307: {  	s26 =	sor.u32 s7, s28;
	v39 =	vtrunc.f32 v39;
	v59 =	vadd.s32 $0x100, v37;
	v42 =	vld.idx.msk [tilespmem:v53+s23+$0x0], $0xffff;
	v33 =	vcvt.f32.s32 v33  }
0x308: {  	v50 =	vcvt.f32.s32 v39;
	[tilespmem:s4+$0x80] =	vst v38;
	v38 =	vld [tilespmem:s26+$0x100]  }
0x309: {  	[tilespmem:s16+$0x300] =	vst v54;
	v53 =	vld.idx.msk [tilespmem:v58+s23+$0x0], $0xffff  }
0x30a: {  	v61 =	vadd.s32 $0x200, v35;
	[tilespmem:s3+$0x200] =	vst v62;
	v52 =	vld.idx.msk [tilespmem:v55+s23+$0x0], $0xffff  }
0x30b: {  	[tilespmem:s20+$0x80] =	vst v56;
	v54 =	vadd.s32 $0x300, v34;
	v56 =	vld.idx.msk [tilespmem:v63+s23+$0x0], $0xffff  }
0x30c: {  	[tilespmem:s21+$0x280] =	vst v42;
	v44 =	vld.idx.msk [tilespmem:v59+s23+$0x0], $0xffff;
	v55 =	vadd.s32 $0x180, v32  }
0x30d: {  	v57 =	vadd.s32 $0x300, v36;
	[tilespmem:s19+$0x180] =	vst v60;
	v62 =	vld.idx.msk [tilespmem:v33+s23+$0x0], $0xffff  }
0x30e: {  	s24 =	simm.s32 $0x300;
	v58 =	vadd.s32 $0x80, v33;
	v63 =	vld.idx.msk [tilespmem:v50+s23+$0x0], $0xffff;
	[tilespmem:s4+$0x100] =	vst v53  }
0x30f: {  	s24 =	sand.u32 $0x3FFFFC00, s24;
	v46 =	vld.idx.msk [tilespmem:v61+s23+$0x0], $0xffff;
	v59 =	vadd.s32 $0x80, v50;
	[tilespmem:s16+$0x380] =	vst v52  }
0x310: {  	s28 =	sadd.s32 $0xF2C8, s24;
	v60 =	vadd.s32 $0x180, v37;
	v41 =	vld.idx.msk [tilespmem:v54+s23+$0x0], $0xffff;
	[tilespmem:s3+$0x280] =	vst v56  }
0x311: {  	s29 =	sadd.s32 s25, s28;
	v53 =	vadd.s32 $0x280, v35;
	v45 =	vld.idx.msk [tilespmem:v55+s23+$0x0], $0xffff;
	[tilespmem:s20+$0x100] =	vst v44  }
0x312: {  	v61 =	vadd.s32 $0x200, v32;
	s16 =	sadd.s32 s9, s28;
	v47 =	vld.idx.msk [tilespmem:v57+s23+$0x0], $0xffff;
	[tilespmem:s29+$0x0] =	vst v62  }
0x313: {  	v55 =	vadd.s32 $0x380, v36;
	[tilespmem:s16+$0x0] =	vst v63;
	v42 =	vld.idx.msk [tilespmem:v58+s23+$0x0], $0xffff  }
0x314: {  	v39 =	vadd.s32 $0x280, v37;
	v43 =	vadd.s32 $0x200, v50;
	v54 =	vadd.s32 $0x380, v34;
	[tilespmem:s19+$0x200] =	vst v46;
	v56 =	vld.idx.msk [tilespmem:v59+s23+$0x0], $0xffff  }
0x315: {  	v40 =	vadd.s32 $0x300, v35;
	v57 =	vadd.s32 $0x100, v33;
	v62 =	vmul.f32 $6.000000000e+00, v38;
	v58 =	vld.idx.msk [tilespmem:v60+s23+$0x0], $0xffff;
	[tilespmem:s21+$0x300] =	vst v41  }
0x316: {  	v35 =	vadd.s32 $0x380, v35;
	v46 =	vmul.f32 $6.000000000e+00, v51;
	v59 =	vadd.s32 $0x200, v37;
	v51 =	vld.idx.msk [tilespmem:v53+s23+$0x0], $0xffff;
	[tilespmem:s4+$0x180] =	vst v45  }
0x317: {  	v34 =	vadd.s32 $0x380, v37;
	v63 =	vtrunc.f32 v62;
	v45 =	vadd.s32 $0x100, v50;
	v60 =	vld.idx.msk [tilespmem:v61+s23+$0x0], $0xffff;
	[tilespmem:s3+$0x300] =	vst v47  }
0x318: {  	v46 =	vtrunc.f32 v46;
	v52 =	vld.idx.msk [tilespmem:v55+s23+$0x0], $0xffff;
	v55 =	vadd.s32 $0x280, v32;
	[tilespmem:s29+$0x80] =	vst v42;
	v42 =	vcvt.f32.s32 v63  }
0x319: {  	v36 =	vadd.s32 $0x300, v37;
	v44 =	vadd.s32 $0x180, v50;
	v48 =	vcvt.f32.s32 v46;
	v53 =	vld.idx.msk [tilespmem:v54+s23+$0x0], $0xffff  }
0x31a: {  	v38 =	vadd.s32 $0x300, v50;
	v37 =	vadd.s32 $0x380, v50;
	v41 =	vadd.s32 $0x280, v50;
	[tilespmem:s20+$0x180] =	vst v58;
	v57 =	vld.idx.msk [tilespmem:v57+s23+$0x0], $0xffff  }
0x31b: {  	v50 =	vadd.s32 $0x80, v48;
	v49 =	vadd.s32 $0x180, v48;
	v46 =	vadd.s32 $0x280, v48;
	[tilespmem:s16+$0x80] =	vst v56;
	v54 =	vld.idx.msk [tilespmem:v59+s23+$0x0], $0xffff  }
0x31c: {  	s25 =	simm.s32 $0x8;
	s9 =	simm.s32 $0x8;
	v47 =	vadd.s32 $0x100, v48;
	v58 =	vadd.s32 $0x180, v33;
	v56 =	vld.idx.msk [tilespmem:v45+s23+$0x0], $0xffff;
	v45 =	vadd.s32 $0x200, v48;
	[tilespmem:s4+$0x200] =	vst v60  }
.LBB2_13:
0x31d: {  	s9 =	sadd.s32 $0x2, s9;
	v59 =	vadd.s32 $0x300, v48;
	v60 =	vadd.s32 $0x380, v48;
	v55 =	vld.idx.msk [tilespmem:v55+s23+$0x0], $0xffff;
	[tilespmem:s19+$0x280] =	vst v51  }
0x31e: {  	s6 =	sadd.s32 $0x20, s6;
	s8 =	sshll.u32 s9, $0x6;
	p1 =	slt.u32 s9, $0x7A;
	v51 =	vld.idx.msk [tilespmem:v42+s23+$0x0], $0xffff;
	[tilespmem:s21+$0x380] =	vst v53  }
0x31f: {  	s24 =	sand.u32 $0x60, s6;
	v53 =	vadd.s32 $0x300, v32;
	s21 =	smov.u32 s19;
	s8 =	sand.u32 $0x3FFFFE00, s8;
	v48 =	vld.idx.msk [tilespmem:v48+s23+$0x0], $0xffff;
	[tilespmem:s3+$0x380] =	vst v52  }
0x320: {  	s19 =	sshll.u32 s25, $0x7;
	v52 =	vadd.s32 $0x80, v42;
	s3 =	sadd.s32 $0x2000, s8;
	s8 =	sor.u32 $0x10, s24;
	[tilespmem:s29+$0x100] =	vst v57;
	v57 =	vld.idx.msk [tilespmem:v40+s23+$0x0], $0xffff;
	v40 =	vmovc v36;
	v36 =	vmov v38;
	v38 =	vmov v59  }
0x321: {  	s19 =	sand.u32 $0x3FFFFC00, s19;
	s26 =	sor.u32 s24, s3;
	s3 =	sor.u32 s8, s3;
	[tilespmem:s16+$0x100] =	vst v56;
	v56 =	vld.idx.msk [tilespmem:v58+s23+$0x0], $0xffff  }
0x322: {  	s25 =	smov.u32 s9;
	v58 =	vld [tilespmem:s3+$0x100];
	s3 =	sadd.s32 $0xF2C8, s19;
	[tilespmem:s20+$0x200] =	vst v54;
	s19 =	smov.u32 s20  }
0x323: {  	v59 =	vadd.s32 $0x200, v33;
	v54 =	vld [tilespmem:s26+$0x100];
	s26 =	sadd.s32 s0, s3;
	s28 =	sadd.s32 s7, s3;
	[tilespmem:s4+$0x280] =	vst v55;
	s0 =	smov.u32 s24  }
0x324: {  	s20 =	smov.u32 s16;
	s7 =	smov.u32 s8;
	[tilespmem:s28+$0x0] =	vst v51;
	v53 =	vld.idx.msk [tilespmem:v53+s23+$0x0], $0xffff;
	s16 =	smov.u32 s26  }
0x325: {  	s3 =	smov.u32 s4;
	s4 =	smov.u32 s29;
	s29 =	smov.u32 s28;
	[tilespmem:s16+$0x0] =	vst v48;
	v52 =	vld.idx.msk [tilespmem:v52+s23+$0x0], $0xffff  }
0x326: {  	v61 =	vadd.s32 $0x380, v32;
	v32 =	vmov v33;
	v33 =	vmov v42;
	v50 =	vld.idx.msk [tilespmem:v50+s23+$0x0], $0xffff;
	[tilespmem:s21+$0x300] =	vst v57  }
0x327: {  	v57 =	vadd.s32 $0x100, v33;
	v42 =	vmul.f32 $6.000000000e+00, v58;
	v58 =	vld.idx.msk [tilespmem:v44+s23+$0x0], $0xffff;
	[tilespmem:s4+$0x180] =	vst v56;
	v44 =	vmov v49  }
0x328: {  	v48 =	vmul.f32 $6.000000000e+00, v54;
	v59 =	vld.idx.msk [tilespmem:v59+s23+$0x0], $0xffff  }
0x329: {  	v42 =	vtrunc.f32 v42;
	v51 =	vld.idx.msk [tilespmem:v39+s23+$0x0], $0xffff;
	v39 =	vmov v41;
	v41 =	vmov v46  }
.Ltmp7:
0x32a: {  	v55 =	vadd.s32 $0x280, v32;
	v46 =	vtrunc.f32 v48;
	v42 =	vcvt.f32.s32 v42;
	[tilespmem:s3+$0x300] =	vst v53;
	v53 =	vld.idx.msk [tilespmem:v35+s23+$0x0], $0xffff;
	v35 =	vmovc v34;
	v34 =	vmovc v37;
	(pc) =	sbr.rel @p1 .LBB2_13-.Ltmp7, $4  }
0x32b: {  	v37 =	vmov v60;
	v48 =	vcvt.f32.s32 v46;
	[tilespmem:s29+$0x80] =	vst v52;
	v52 =	vld.idx.msk [tilespmem:v61+s23+$0x0], $0xffff  }
0x32c: {  	[tilespmem:s16+$0x80] =	vst v50;
	v57 =	vld.idx.msk [tilespmem:v57+s23+$0x0], $0xffff  }
0x32d: {  	v50 =	vadd.s32 $0x80, v48;
	v49 =	vadd.s32 $0x180, v48;
	v56 =	vld.idx.msk [tilespmem:v47+s23+$0x0], $0xffff;
	v47 =	vadd.s32 $0x100, v48;
	[tilespmem:s20+$0x180] =	vst v58  }
0x32e: {  	v46 =	vadd.s32 $0x280, v48;
	v58 =	vadd.s32 $0x180, v33;
	v54 =	vld.idx.msk [tilespmem:v43+s23+$0x0], $0xffff;
	[tilespmem:s4+$0x200] =	vst v59;
	v43 =	vmovc v45;
	v45 =	vadd.s32 $0x200, v48  }
0x32f: {  	_ =	sdelay $0x3  }
0x330: {  	v59 =	vld.idx.msk [tilespmem:v42+s23+$0x0], $0xffff  }
0x331: {  	v60 =	vld.idx.msk [tilespmem:v48+s23+$0x0], $0xffff;
	s6 =	sshll.u32 s25, $0x7;
	v61 =	vadd.s32 $0x80, v42  }
0x332: {  	s6 =	sand.u32 $0x3FFFFC00, s6  }
0x333: {  	s8 =	sadd.s32 $0xF2C8, s6  }
0x334: {  	s6 =	sadd.s32 s7, s8  }
0x335: {  	s0 =	sadd.s32 s0, s8;
	[tilespmem:s6+$0x0] =	vst v59  }
0x336: {  	[tilespmem:s0+$0x0] =	vst v60;
	v59 =	vld.idx.msk [tilespmem:v61+s23+$0x0], $0xffff  }
0x337: {  	v60 =	vadd.s32 $0x100, v42;
	v50 =	vld.idx.msk [tilespmem:v50+s23+$0x0], $0xffff;
	_ =	sdelay $0x3  }
0x338: {  	[tilespmem:s6+$0x80] =	vst v59  }
0x339: {  	[tilespmem:s0+$0x80] =	vst v50;
	v62 =	vld.idx.msk [tilespmem:v60+s23+$0x0], $0xffff  }
0x33a: {  	[tilespmem:s19+$0x280] =	vst v51;
	v63 =	vadd.s32 $0x180, v42;
	v47 =	vld.idx.msk [tilespmem:v47+s23+$0x0], $0xffff  }
0x33b: {  	[tilespmem:s16+$0x100] =	vst v56  }
0x33c: {  	[tilespmem:s21+$0x380] =	vst v53;
	v44 =	vld.idx.msk [tilespmem:v44+s23+$0x0], $0xffff  }
0x33d: {  	v40 =	vld.idx.msk [tilespmem:v40+s23+$0x0], $0xffff;
	[tilespmem:s29+$0x100] =	vst v57  }
0x33e: {  	v53 =	vld.idx.msk [tilespmem:v58+s23+$0x0], $0xffff;
	[tilespmem:s6+$0x100] =	vst v62  }
0x33f: {  	v56 =	vadd.s32 $0x200, v33;
	[tilespmem:s0+$0x100] =	vst v47;
	v60 =	vld.idx.msk [tilespmem:v63+s23+$0x0], $0xffff  }
0x340: {  	[tilespmem:s20+$0x200] =	vst v54;
	v61 =	vadd.s32 $0x200, v42;
	v49 =	vld.idx.msk [tilespmem:v49+s23+$0x0], $0xffff  }
0x341: {  	v39 =	vld.idx.msk [tilespmem:v39+s23+$0x0], $0xffff;
	[tilespmem:s16+$0x180] =	vst v44  }
0x342: {  	[tilespmem:s19+$0x300] =	vst v40;
	v43 =	vld.idx.msk [tilespmem:v43+s23+$0x0], $0xffff  }
0x343: {  	v35 =	vld.idx.msk [tilespmem:v35+s23+$0x0], $0xffff;
	[tilespmem:s29+$0x180] =	vst v53  }
0x344: {  	v53 =	vld.idx.msk [tilespmem:v56+s23+$0x0], $0xffff;
	[tilespmem:s6+$0x180] =	vst v60  }
0x345: {  	v56 =	vadd.s32 $0x280, v33;
	[tilespmem:s0+$0x180] =	vst v49;
	v47 =	vld.idx.msk [tilespmem:v61+s23+$0x0], $0xffff  }
0x346: {  	[tilespmem:s3+$0x380] =	vst v52;
	v57 =	vadd.s32 $0x280, v42;
	v45 =	vld.idx.msk [tilespmem:v45+s23+$0x0], $0xffff  }
0x347: {  	[tilespmem:s16+$0x200] =	vst v43;
	v62 =	vld.idx.msk [tilespmem:v55+s23+$0x0], $0xffff  }
0x348: {  	[tilespmem:s20+$0x280] =	vst v39;
	v41 =	vld.idx.msk [tilespmem:v41+s23+$0x0], $0xffff;
	v63 =	vadd.s32 $0x300, v32  }
0x349: {  	v36 =	vld.idx.msk [tilespmem:v36+s23+$0x0], $0xffff;
	[tilespmem:s29+$0x200] =	vst v53  }
0x34a: {  	v59 =	vld.idx.msk [tilespmem:v56+s23+$0x0], $0xffff;
	[tilespmem:s6+$0x200] =	vst v47  }
0x34b: {  	v60 =	vadd.s32 $0x300, v33;
	[tilespmem:s0+$0x200] =	vst v45;
	v61 =	vld.idx.msk [tilespmem:v57+s23+$0x0], $0xffff  }
0x34c: {  	[tilespmem:s4+$0x280] =	vst v62;
	v62 =	vadd.s32 $0x300, v42;
	v46 =	vld.idx.msk [tilespmem:v46+s23+$0x0], $0xffff  }
0x34d: {  	[tilespmem:s16+$0x280] =	vst v41;
	v58 =	vld.idx.msk [tilespmem:v63+s23+$0x0], $0xffff;
	v63 =	vadd.s32 $0x300, v48  }
0x34e: {  	[tilespmem:s19+$0x380] =	vst v35;
	v38 =	vld.idx.msk [tilespmem:v38+s23+$0x0], $0xffff  }
0x34f: {  	[tilespmem:s29+$0x280] =	vst v59  }
0x350: {  	v49 =	vadd.s32 $0x380, v32;
	v50 =	vld.idx.msk [tilespmem:v60+s23+$0x0], $0xffff;
	[tilespmem:s6+$0x280] =	vst v61  }
0x351: {  	v51 =	vadd.s32 $0x380, v33;
	[tilespmem:s0+$0x280] =	vst v46;
	v52 =	vld.idx.msk [tilespmem:v62+s23+$0x0], $0xffff  }
0x352: {  	v53 =	vadd.s32 $0x380, v42;
	[tilespmem:s20+$0x300] =	vst v36;
	v54 =	vld.idx.msk [tilespmem:v63+s23+$0x0], $0xffff  }
0x353: {  	v55 =	vadd.s32 $0x380, v48;
	v34 =	vld.idx.msk [tilespmem:v34+s23+$0x0], $0xffff;
	[tilespmem:s16+$0x300] =	vst v38  }
0x354: {  	[tilespmem:s4+$0x300] =	vst v58;
	v56 =	vld.idx.msk [tilespmem:v37+s23+$0x0], $0xffff  }
0x355: {  	v32 =	vld.idx.msk [tilespmem:v49+s23+$0x0], $0xffff;
	[tilespmem:s29+$0x300] =	vst v50  }
0x356: {  	v33 =	vld.idx.msk [tilespmem:v51+s23+$0x0], $0xffff;
	[tilespmem:s6+$0x300] =	vst v52  }
0x357: {  	[tilespmem:s0+$0x300] =	vst v54;
	v35 =	vld.idx.msk [tilespmem:v53+s23+$0x0], $0xffff  }
0x358: {  	[tilespmem:s20+$0x380] =	vst v34;
	v57 =	vld.idx.msk [tilespmem:v55+s23+$0x0], $0xffff  }
0x359: {  	[tilespmem:s16+$0x380] =	vst v56  }
0x35a: {  	[tilespmem:s4+$0x380] =	vst v32  }
0x35b: {  	[tilespmem:s29+$0x380] =	vst v33  }
0x35c: {  	[tilespmem:s6+$0x380] =	vst v35  }
0x35d: {  	[tilespmem:s0+$0x380] =	vst v57  }
0x35e: {  	v32 =	vld [tilespmem:$0x3F40];
	_ =	sdelay $0x4  }
0x35f: {  	v32 =	vmul.f32 $6.000000000e+00, v32;
	_ =	sdelay $0x1  }
0x360: {  	v32 =	vtrunc.f32 v32  }
0x361: {  	v32 =	vcvt.f32.s32 v32;
	_ =	sdelay $0x5  }
0x362: {  	v33 =	vld.idx.msk [tilespmem:v32+s23+$0x0], $0xffff  }
0x363: {  	v58 =	vadd.s32 $0x80, v32;
	_ =	sdelay $0x3  }
0x364: {  	[tilespmem:$0x12F08] =	vst v33  }
0x365: {  	v33 =	vld.idx.msk [tilespmem:v58+s23+$0x0], $0xffff  }
0x366: {  	v59 =	vadd.s32 $0x100, v32;
	_ =	sdelay $0x3  }
0x367: {  	[tilespmem:$0x12F88] =	vst v33  }
0x368: {  	v33 =	vld.idx.msk [tilespmem:v59+s23+$0x0], $0xffff  }
0x369: {  	v60 =	vadd.s32 $0x180, v32;
	_ =	sdelay $0x3  }
0x36a: {  	[tilespmem:$0x13008] =	vst v33  }
0x36b: {  	v33 =	vld.idx.msk [tilespmem:v60+s23+$0x0], $0xffff  }
0x36c: {  	v61 =	vadd.s32 $0x200, v32;
	_ =	sdelay $0x3  }
0x36d: {  	[tilespmem:$0x13088] =	vst v33  }
0x36e: {  	v33 =	vld.idx.msk [tilespmem:v61+s23+$0x0], $0xffff  }
0x36f: {  	v62 =	vadd.s32 $0x280, v32;
	_ =	sdelay $0x3  }
0x370: {  	[tilespmem:$0x13108] =	vst v33  }
0x371: {  	v33 =	vld.idx.msk [tilespmem:v62+s23+$0x0], $0xffff  }
0x372: {  	v63 =	vadd.s32 $0x300, v32;
	_ =	sdelay $0x3  }
0x373: {  	[tilespmem:$0x13188] =	vst v33  }
0x374: {  	v33 =	vld.idx.msk [tilespmem:v63+s23+$0x0], $0xffff  }
0x375: {  	v32 =	vadd.s32 $0x380, v32;
	_ =	sdelay $0x3  }
0x376: {  	[tilespmem:$0x13208] =	vst v33  }
0x377: {  	v32 =	vld.idx.msk [tilespmem:v32+s23+$0x0], $0xffff;
	_ =	sdelay $0x1  }
0x378: {  	p1 =	seq.s32 s10, $0x5  }
.Ltmp8:
0x379: {  	s26 =	sshrl.u32 s11, $0x2;
	s28 =	rddreg [dreg:$0x6];
	(pc) =	sbr.rel @p1 .LBB2_16-.Ltmp8, $4  }
0x37a: {  	s24 =	sadd.s32 s18, s14;
	s25 =	simm.s32 $0xF2C8;
	s0 =	sadd.s32 s26, s28  }
0x37b: {  	s8 =	simm.s32 $0x0;
	s29 =	sadd.s32 s18, s15;
	s0 =	sshrl.u32 s0, $0x3;
	[tilespmem:$0x13288] =	vst v32  }
0x37c: {  	[hbm4b:s24+s8] =	stream.linear.scatter [tilespmem:s25], [sflag:$0x7], $0x4000, $0x38;
	[tilespmem:$0x13B48] =	vst v63  }
0x37d: {  	[hbm:s29], [sflag:s17] =	dma.local [spmem:s0], $0x800  }
.Ltmp9:
0x37e: {  	s0 =	sshll.u32 s10, $0xE;
	s3 =	rddreg [dreg:$0xb];
	(pc) =	sbr.rel .LBB2_2-.Ltmp9, $4  }
0x37f: {  	s0 =	sadd.s32 s0, s3  }
0x380: {  	s29 =	rddreg [dreg:$0x0];
	s0 =	sshrl.u32 s0, $0x3  }
0x381: {  	s10 =	sadd.s32 $0x1, s10;
	s0 =	sadd.s32 s29, s0  }
0x382: {  	[tilespmem:s8], [sflag:$0x1] =	stream.linear.gather [hbm4b:s0+s8], $0x2000, $0x38;
	[tilespmem:$0x13B48] =	vst v63  }
.LBB2_17:
0x383: {  	_ =	sfence.sel $0x180000  }
0x384: {  	[bflag:$0x0] =	sbarrier.arrive $0xFFFF  }
0x385: {  	_ =	strace $0x90000047  }
0x386: {  	s0 =	stileid.u32;
	[bflag:$0x2] =	sbarrier.arrive $0xFFFF  }
0x387: {  	p0 =	sne.s32 s0, $0x0;
	s0 =	rddreg [dreg:$0x7]  }
0x388: {  	s0 =	sadd.s32 @!p0 $0x100000, s0  }
0x389: {  	[sflag:s0] =	ssyncadd.tile.s32 @!p0 $0x1;
	_ =	shalt  }
.Lfunc_end2:
_tile_overlayer_lowered:
.L_overlay_start_2:
0x38a: {  	(tag) =	ssettag $0x2  }
0x38b: {  	s0 =	rddreg [dreg:$0x0];
	s2 =	stileid.u32  }
0x38c: {  	s1 =	rddreg [dreg:$0x1];
	p0 =	sne.s32 s2, $0x0  }
0x38d: {  	s3 =	rddreg [dreg:$0x2];
	[bflag:$0x3] =	sbarrier.arrive $0xFFFF;
	s2 =	simm.s32 @!p0 $0x1C08  }
0x38e: {  	[timem:s3], [sflag:s2] =	dma.local @!p0 [hbm:s0], s1  }
0x38f: {  	s0 =	simm.s32 @!p0 $0x8  }
0x390: {  	_ =	swait.ge @!p0 [sflag:s0], s1  }
0x391: {  	s1 =	ssub.s32 @!p0 $0x0, s1;
	[sflag:s0] =	ssyncset.done @!p0 $0x0  }
0x392: {  	[sflag:s0] =	ssyncadd.s32 @!p0 s1  }
0x393: {  	[bflag:$0x3] =	sbarrier.arrive $0xFFFF  }
0x394: {  	_ =	shalt  }

</sc_bundles>
